<compile_context>
chip_gen: v7x
topology: tpu7x:2x2x1
jax: 0.10.2.dev20260603
libtpu: 0.0.44.dev20260713+nightly
codegen_flags: <defaults>
</compile_context>

<pallas_src>
import functools

import jax
import jax.numpy as jnp
from jax import lax
from jax.experimental import pallas as pl
from jax.experimental.pallas import tpu as pltpu
from jax.experimental.pallas import tpu_sc as plsc

N = 8192
K = 8192
D = 32
C = 96
CP = 128
BN = 1024
BK = 2048
NT = N // BN
KT = K // BK

_bf16 = jnp.bfloat16


def _snap_bf16(v):
    u = lax.bitcast_convert_type(v, jnp.uint32)
    r = (u + ((u >> 16) & 1) + jnp.uint32(0x7FFF)) & jnp.uint32(0xFFFF0000)
    return lax.bitcast_convert_type(r, jnp.float32)


def _vq_tc_kernel(hb_ref, xcol_ref, yrow_ref, ctb_ref, centsb_ref, wdb_ref,
                  bd_ref, dec_ref, idx_ref, rmin_s, ridx_s):
    n = pl.program_id(0)
    k = pl.program_id(1)

    @pl.when((n == 0) & (k == 0))
    def _prologue():
        dec_ref[...] = lax.dot_general(
            centsb_ref[...], wdb_ref[...], (((1,), (0,)), ((), ())),
            preferred_element_type=jnp.float32) + bd_ref[...]

    @pl.when(k == 0)
    def _init_row():
        rmin_s[...] = jnp.full((BN, 1), jnp.inf, jnp.float32)
        ridx_s[...] = jnp.zeros((BN, 1), jnp.int32)

    hb2 = hb_ref[pl.ds(n * BN, BN), :]
    ctb = ctb_ref[:, pl.ds(k * BK, BK)]
    s2 = lax.dot_general(hb2, ctb, (((1,), (0,)), ((), ())),
                         preferred_element_type=jnp.float32)
    LT = BK // 128
    RB = 128
    lanes = lax.broadcasted_iota(jnp.int32, (RB, 128), 1)
    for rb in range(BN // RB):
        rows = pl.ds(n * BN + rb * RB, RB)
        xnb = xcol_ref[rows, :]
        m = (s2[rb * RB:(rb + 1) * RB, 0:128] + xnb) \
            + yrow_ref[:, pl.ds(k * BK, 128)]
        tt = jnp.zeros((RB, 128), jnp.int32)
        for t in range(1, LT):
            dt = (s2[rb * RB:(rb + 1) * RB, t * 128:(t + 1) * 128] + xnb) \
                + yrow_ref[:, pl.ds(k * BK + t * 128, 128)]
            lt = dt < m
            m = jnp.where(lt, dt, m)
            tt = jnp.where(lt, t, tt)
        cm = jnp.min(m, axis=1, keepdims=True)
        jj = tt * 128 + lanes
        targ = jnp.min(jnp.where(m == cm, jj, K), axis=1,
                       keepdims=True) + k * BK
        srows = pl.ds(rb * RB, RB)
        prev_min = rmin_s[srows, :]
        upd = cm < prev_min
        rmin_s[srows, :] = jnp.where(upd, _snap_bf16(cm), prev_min)
        ridx_s[srows, :] = jnp.where(upd, targ, ridx_s[srows, :])

    @pl.when(k == KT - 1)
    def _flush_row():
        idx_ref[pl.ds(n * BN, BN), :] = ridx_s[...]


def _vq_tc(hb, xcol, yrow, ctb, centsb, wdb, bd2):
    full = lambda shape: pl.BlockSpec(shape, lambda n, k: (0, 0))
    return pl.pallas_call(
        _vq_tc_kernel,
        grid=(NT, KT),
        in_specs=[
            full((N, D)), full((N, 1)), full((1, K)), full((D, K)),
            full((K, D)), full((D, CP)), full((1, CP)),
        ],
        out_specs=[full((K, CP)), full((N, 1))],
        out_shape=[
            jax.ShapeDtypeStruct((K, CP), jnp.float32),
            jax.ShapeDtypeStruct((N, 1), jnp.int32),
        ],
        scratch_shapes=[
            pltpu.VMEM((BN, 1), jnp.float32),
            pltpu.VMEM((BN, 1), jnp.int32),
        ],
    )(hb, xcol, yrow, ctb, centsb, wdb, bd2)


NC, NS = 2, 16
NW = NC * NS
BPW = N // NW
CH = 128
NCH = BPW // CH


def _sc_gather(decoded, idx3):
    mesh = plsc.VectorSubcoreMesh(core_axis_name="c", subcore_axis_name="s")

    @functools.partial(
        pl.kernel, mesh=mesh,
        out_type=jax.ShapeDtypeStruct((N, CP), jnp.float32),
        scratch_types=[
            pltpu.VMEM((NCH, CH), jnp.int32),
            pltpu.VMEM((BPW, CP), jnp.float32),
            pltpu.SemaphoreType.DMA,
        ],
    )
    def gather_k(dec_hbm, idx_hbm, out_hbm, idx_v, rows_v, sem):
        wid = lax.axis_index("s") * NC + lax.axis_index("c")
        pltpu.sync_copy(idx_hbm.at[wid], idx_v)
        for j in range(NCH):
            pltpu.async_copy(dec_hbm.at[idx_v.at[j]],
                             rows_v.at[pl.ds(j * CH, CH)], sem)
        for j in range(NCH):
            pltpu.make_async_copy(dec_hbm.at[idx_v.at[j]],
                                  rows_v.at[pl.ds(j * CH, CH)], sem).wait()
        pltpu.sync_copy(rows_v, out_hbm.at[pl.ds(wid * BPW, BPW)])

    return gather_k(decoded, idx3)


def kernel(x, W_enc, b_enc, W_dec, b_dec, centroids):
    h = x @ W_enc + b_enc
    flat = h.reshape(-1, h.shape[-1])
    xcol = jnp.sum(flat * flat, axis=1)[:, None]
    yrow = jnp.sum(centroids * centroids, axis=1)[None, :]

    W_dec_p = jnp.pad(W_dec, ((0, 0), (0, CP - C)))
    b_dec_p = jnp.pad(b_dec, (0, CP - C)).reshape(1, CP)
    decoded, idx = _vq_tc(flat.astype(_bf16) * _bf16(-2.0), xcol, yrow,
                          centroids.T.astype(_bf16), centroids.astype(_bf16),
                          W_dec_p.astype(_bf16), b_dec_p)
    idx3 = idx.reshape(NW, NCH, CH)
    out = _sc_gather(decoded, idx3)
    return out[:, :C].reshape(x.shape[0], x.shape[1], C)

# --- scband reference (transcript-rebuilt; emitter-appended) ---
"""Pipeline reference for scband-vq-vae-16862041604800 (READ-ONLY COPY).

The authoritative reference and input builder live on the scoring server;
editing this copy changes nothing except your own understanding.
"""

import jax, jax.numpy as jnp
import numpy as np

B, T, C = 8, 1024, 96
CODE_DIM = 32
K = 8192

def setup_inputs(seed: int = 0) -> dict:
    key = jax.random.key(seed)
    ks = jax.random.split(key, 6)
    x = jax.random.normal(ks[0], (B, T, C), dtype=jnp.float32)
    W_enc = jax.random.normal(ks[1], (C, CODE_DIM), dtype=jnp.float32) * (1.0 / np.sqrt(C))
    b_enc = jnp.zeros((CODE_DIM,), dtype=jnp.float32)
    W_dec = jax.random.normal(ks[2], (CODE_DIM, C), dtype=jnp.float32) * (1.0 / np.sqrt(CODE_DIM))
    b_dec = jnp.zeros((C,), dtype=jnp.float32)
    centroids = jax.random.normal(ks[3], (K, CODE_DIM), dtype=jnp.float32)
    return {"x": x, "W_enc": W_enc, "b_enc": b_enc, "W_dec": W_dec, "b_dec": b_dec, "centroids": centroids}

def pairwise_euclidean_distance(x, y):
    cross_term = -2.0 * (x @ y.T)
    x_term = jnp.sum(x * x, axis=1)[:, None]
    y_term = jnp.sum(y * y, axis=1)[None, :]
    return cross_term + x_term + y_term

def reference(x, W_enc, b_enc, W_dec, b_dec, centroids):
    # encoder
    h = x @ W_enc + b_enc
    h_shape = h.shape
    flat = h.reshape(-1, h_shape[-1])
    # quantize: nearest centroid by euclidean distance
    dists = pairwise_euclidean_distance(flat, centroids)
    idx = jnp.argmin(dists, axis=1)
    q = jnp.take(centroids, idx, axis=0)
    # straight-through estimator (matches custom autograd Function semantics)
    q_st = flat + jax.lax.stop_gradient(q - flat)
    q_st = q_st.reshape(h_shape)
    # decoder
    out = q_st @ W_dec + b_dec
    return out

if __name__ == "__main__":
    import jax
    _d = setup_inputs()
    print(jax.jit(kernel)(*tuple(_d.values())))

</pallas_src>

<mosaic_0001>
#map = affine_map<(d0, d1) -> (0, 0)>
#map1 = affine_map<(d0, d1) -> (0, 0, 0)>
module attributes {stable_mosaic.version = 14 : i64} {
  func.func @gather_k(%arg0: i32, %arg1: i32, %arg2: memref<8192x128xf32, #tpu.memory_space<hbm>>, %arg3: memref<32x2x128xi32, #tpu.memory_space<hbm>>, %arg4: memref<8192x128xf32, #tpu.memory_space<hbm>>, %arg5: memref<2x128xi32, #tpu.memory_space<vmem>>, %arg6: memref<256x128xf32, #tpu.memory_space<vmem>>, %arg7: memref<!tpu.dma_semaphore, #tpu.memory_space<semaphore_mem>>) attributes {dimension_semantics = [#tpu.dimension_semantics<core_parallel>, #tpu.dimension_semantics<subcore_parallel>], iteration_bounds = array<i64: 2, 16>, scalar_prefetch = 0 : i64, scratch_operands = 3 : i64, tpu.core_type = #tpu.core_type<sc_vector_subcore>, window_params = [{transform_indices = #map}, {transform_indices = #map1}, {transform_indices = #map}]} {
    %mul3A = arith.constant 2 : i32
    %mul3A_0 = arith.muli %arg1, %mul3A : i32
    %add3A = arith.addi %mul3A_0, %arg0 : i32
    "tpu.region"() ({
      %run_scoped3A = tpu.sem_alloc : memref<!tpu.dma_semaphore, #tpu.memory_space<semaphore_mem>>
      %dma_start3A_41 = arith.constant 0 : i32
      %dma_start3A_42 = arith.constant 0 : i32
      %dma_start3A_43 = tpu.memref_slice %arg3[%add3A, %dma_start3A_41, %dma_start3A_42] : memref<32x2x128xi32, #tpu.memory_space<hbm>> -> memref<1x2x128xi32, #tpu.memory_space<hbm>>
      %dma_start3A_44 = tpu.memref_squeeze %dma_start3A_43 : memref<1x2x128xi32, #tpu.memory_space<hbm>> -> memref<2x128xi32, #tpu.memory_space<hbm>>
      %dma_start3A_45 = arith.constant 0 : i32
      %dma_start3A_46 = arith.constant 0 : i32
      %dma_start3A_47 = tpu.memref_slice %arg3[%add3A, %dma_start3A_45, %dma_start3A_46] : memref<32x2x128xi32, #tpu.memory_space<hbm>> -> memref<1x2x128xi32, #tpu.memory_space<hbm>>
      %dma_start3A_48 = tpu.memref_squeeze %dma_start3A_47 : memref<1x2x128xi32, #tpu.memory_space<hbm>> -> memref<2x128xi32, #tpu.memory_space<hbm>>
      tpu.enqueue_dma source(%dma_start3A_48 : memref<2x128xi32, #tpu.memory_space<hbm>>) target(%arg5 : memref<2x128xi32, #tpu.memory_space<vmem>>) target_semaphore(%run_scoped3A : memref<!tpu.dma_semaphore, #tpu.memory_space<semaphore_mem>>)
      %dma_wait3A_49 = arith.constant 0 : i32
      %dma_wait3A_50 = arith.constant 0 : i32
      %dma_wait3A_51 = tpu.memref_slice %arg3[%add3A, %dma_wait3A_49, %dma_wait3A_50] : memref<32x2x128xi32, #tpu.memory_space<hbm>> -> memref<1x2x128xi32, #tpu.memory_space<hbm>>
      %dma_wait3A_52 = tpu.memref_squeeze %dma_wait3A_51 : memref<1x2x128xi32, #tpu.memory_space<hbm>> -> memref<2x128xi32, #tpu.memory_space<hbm>>
      %dma_wait3A_53 = arith.constant 0 : i32
      %dma_wait3A_54 = arith.constant 0 : i32
      %dma_wait3A_55 = tpu.memref_slice %arg3[%add3A, %dma_wait3A_53, %dma_wait3A_54] : memref<32x2x128xi32, #tpu.memory_space<hbm>> -> memref<1x2x128xi32, #tpu.memory_space<hbm>>
      %dma_wait3A_56 = tpu.memref_squeeze %dma_wait3A_55 : memref<1x2x128xi32, #tpu.memory_space<hbm>> -> memref<2x128xi32, #tpu.memory_space<hbm>>
      tpu.wait_dma2 semaphore(%run_scoped3A : memref<!tpu.dma_semaphore, #tpu.memory_space<semaphore_mem>>) src(%dma_wait3A_56 : memref<2x128xi32, #tpu.memory_space<hbm>>) dst(%arg5 : memref<2x128xi32, #tpu.memory_space<vmem>>)
      tpu.yield
    }) : () -> ()
    %dma_start3A = arith.constant 0 : i32
    %dma_start3A_1 = arith.constant 0 : i32
    %dma_start3A_2 = arith.constant 0 : i32
    %dma_start3A_3 = tpu.memref_slice %arg6[%dma_start3A_1, %dma_start3A_2] : memref<256x128xf32, #tpu.memory_space<vmem>> -> memref<128x128xf32, #tpu.memory_space<vmem>>
    %dma_start3A_4 = arith.constant 0 : i32
    %dma_start3A_5 = tpu.memref_slice %arg5[%dma_start3A, %dma_start3A_4] : memref<2x128xi32, #tpu.memory_space<vmem>> -> memref<1x128xi32, #tpu.memory_space<vmem>>
    %dma_start3A_6 = tpu.memref_squeeze %dma_start3A_5 : memref<1x128xi32, #tpu.memory_space<vmem>> -> memref<128xi32, #tpu.memory_space<vmem>>
    %dma_start3A_7 = arith.constant 0 : i32
    %dma_start3A_8 = arith.constant 0 : i32
    %dma_start3A_9 = tpu.memref_slice %arg2[%dma_start3A_7, %dma_start3A_8] : memref<8192x128xf32, #tpu.memory_space<hbm>> -> memref<8192x128xf32, #tpu.memory_space<hbm>>
    tpu.enqueue_indirect_dma source(%dma_start3A_9 : memref<8192x128xf32, #tpu.memory_space<hbm>>) target(%dma_start3A_3 : memref<128x128xf32, #tpu.memory_space<vmem>>) offsets(%dma_start3A_6 : memref<128xi32, #tpu.memory_space<vmem>>) semaphore(%arg7 : memref<!tpu.dma_semaphore, #tpu.memory_space<semaphore_mem>>)
    %dma_start3A_10 = arith.constant 1 : i32
    %dma_start3A_11 = arith.constant 128 : i32
    %dma_start3A_12 = arith.constant 0 : i32
    %dma_start3A_13 = tpu.memref_slice %arg6[%dma_start3A_11, %dma_start3A_12] : memref<256x128xf32, #tpu.memory_space<vmem>> -> memref<128x128xf32, #tpu.memory_space<vmem>>
    %dma_start3A_14 = arith.constant 0 : i32
    %dma_start3A_15 = tpu.memref_slice %arg5[%dma_start3A_10, %dma_start3A_14] : memref<2x128xi32, #tpu.memory_space<vmem>> -> memref<1x128xi32, #tpu.memory_space<vmem>>
    %dma_start3A_16 = tpu.memref_squeeze %dma_start3A_15 : memref<1x128xi32, #tpu.memory_space<vmem>> -> memref<128xi32, #tpu.memory_space<vmem>>
    %dma_start3A_17 = arith.constant 0 : i32
    %dma_start3A_18 = arith.constant 0 : i32
    %dma_start3A_19 = tpu.memref_slice %arg2[%dma_start3A_17, %dma_start3A_18] : memref<8192x128xf32, #tpu.memory_space<hbm>> -> memref<8192x128xf32, #tpu.memory_space<hbm>>
    tpu.enqueue_indirect_dma source(%dma_start3A_19 : memref<8192x128xf32, #tpu.memory_space<hbm>>) target(%dma_start3A_13 : memref<128x128xf32, #tpu.memory_space<vmem>>) offsets(%dma_start3A_16 : memref<128xi32, #tpu.memory_space<vmem>>) semaphore(%arg7 : memref<!tpu.dma_semaphore, #tpu.memory_space<semaphore_mem>>)
    %dma_wait3A = arith.constant 0 : i32
    %dma_wait3A_20 = arith.constant 0 : i32
    %dma_wait3A_21 = arith.constant 0 : i32
    %dma_wait3A_22 = tpu.memref_slice %arg6[%dma_wait3A_20, %dma_wait3A_21] : memref<256x128xf32, #tpu.memory_space<vmem>> -> memref<128x128xf32, #tpu.memory_space<vmem>>
    %dma_wait3A_23 = arith.constant 0 : i32
    %dma_wait3A_24 = tpu.memref_slice %arg5[%dma_wait3A, %dma_wait3A_23] : memref<2x128xi32, #tpu.memory_space<vmem>> -> memref<1x128xi32, #tpu.memory_space<vmem>>
    %dma_wait3A_25 = tpu.memref_squeeze %dma_wait3A_24 : memref<1x128xi32, #tpu.memory_space<vmem>> -> memref<128xi32, #tpu.memory_space<vmem>>
    %dma_wait3A_26 = arith.constant 0 : i32
    %dma_wait3A_27 = arith.constant 0 : i32
    %dma_wait3A_28 = tpu.memref_slice %arg2[%dma_wait3A_26, %dma_wait3A_27] : memref<8192x128xf32, #tpu.memory_space<hbm>> -> memref<8192x128xf32, #tpu.memory_space<hbm>>
    tpu.wait_indirect_dma semaphore(%arg7 : memref<!tpu.dma_semaphore, #tpu.memory_space<semaphore_mem>>) src(%dma_wait3A_28 : memref<8192x128xf32, #tpu.memory_space<hbm>>) dst(%dma_wait3A_22 : memref<128x128xf32, #tpu.memory_space<vmem>>)
    %dma_wait3A_29 = arith.constant 1 : i32
    %dma_wait3A_30 = arith.constant 128 : i32
    %dma_wait3A_31 = arith.constant 0 : i32
    %dma_wait3A_32 = tpu.memref_slice %arg6[%dma_wait3A_30, %dma_wait3A_31] : memref<256x128xf32, #tpu.memory_space<vmem>> -> memref<128x128xf32, #tpu.memory_space<vmem>>
    %dma_wait3A_33 = arith.constant 0 : i32
    %dma_wait3A_34 = tpu.memref_slice %arg5[%dma_wait3A_29, %dma_wait3A_33] : memref<2x128xi32, #tpu.memory_space<vmem>> -> memref<1x128xi32, #tpu.memory_space<vmem>>
    %dma_wait3A_35 = tpu.memref_squeeze %dma_wait3A_34 : memref<1x128xi32, #tpu.memory_space<vmem>> -> memref<128xi32, #tpu.memory_space<vmem>>
    %dma_wait3A_36 = arith.constant 0 : i32
    %dma_wait3A_37 = arith.constant 0 : i32
    %dma_wait3A_38 = tpu.memref_slice %arg2[%dma_wait3A_36, %dma_wait3A_37] : memref<8192x128xf32, #tpu.memory_space<hbm>> -> memref<8192x128xf32, #tpu.memory_space<hbm>>
    tpu.wait_indirect_dma semaphore(%arg7 : memref<!tpu.dma_semaphore, #tpu.memory_space<semaphore_mem>>) src(%dma_wait3A_38 : memref<8192x128xf32, #tpu.memory_space<hbm>>) dst(%dma_wait3A_32 : memref<128x128xf32, #tpu.memory_space<vmem>>)
    %mul3A_39 = arith.constant 256 : i32
    %mul3A_40 = arith.muli %add3A, %mul3A_39 : i32
    "tpu.region"() ({
      %run_scoped3A = tpu.sem_alloc : memref<!tpu.dma_semaphore, #tpu.memory_space<semaphore_mem>>
      %dma_start3A_41 = arith.constant 0 : i32
      %dma_start3A_42 = tpu.memref_slice %arg4[%mul3A_40, %dma_start3A_41] : memref<8192x128xf32, #tpu.memory_space<hbm>> -> memref<256x128xf32, #tpu.memory_space<hbm>>
      %dma_start3A_43 = arith.constant 0 : i32
      %dma_start3A_44 = tpu.memref_slice %arg4[%mul3A_40, %dma_start3A_43] : memref<8192x128xf32, #tpu.memory_space<hbm>> -> memref<256x128xf32, #tpu.memory_space<hbm>>
      tpu.enqueue_dma source(%arg6 : memref<256x128xf32, #tpu.memory_space<vmem>>) target(%dma_start3A_44 : memref<256x128xf32, #tpu.memory_space<hbm>>) target_semaphore(%run_scoped3A : memref<!tpu.dma_semaphore, #tpu.memory_space<semaphore_mem>>)
      %dma_wait3A_45 = arith.constant 0 : i32
      %dma_wait3A_46 = tpu.memref_slice %arg4[%mul3A_40, %dma_wait3A_45] : memref<8192x128xf32, #tpu.memory_space<hbm>> -> memref<256x128xf32, #tpu.memory_space<hbm>>
      %dma_wait3A_47 = arith.constant 0 : i32
      %dma_wait3A_48 = tpu.memref_slice %arg4[%mul3A_40, %dma_wait3A_47] : memref<8192x128xf32, #tpu.memory_space<hbm>> -> memref<256x128xf32, #tpu.memory_space<hbm>>
      tpu.wait_dma2 semaphore(%run_scoped3A : memref<!tpu.dma_semaphore, #tpu.memory_space<semaphore_mem>>) src(%arg6 : memref<256x128xf32, #tpu.memory_space<vmem>>) dst(%dma_wait3A_48 : memref<256x128xf32, #tpu.memory_space<hbm>>)
      tpu.yield
    }) : () -> ()
    return
  }
}

module attributes {stable_mosaic.version = 14 : i64} {
  func.func @_vq_tc_kernel(%arg0: i32, %arg1: i32, %arg2: memref<8192x32xbf16, #tpu.memory_space<vmem>>, %arg3: memref<8192x1xf32, #tpu.memory_space<vmem>>, %arg4: memref<1x8192xf32, #tpu.memory_space<vmem>>, %arg5: memref<32x8192xbf16, #tpu.memory_space<vmem>>, %arg6: memref<8192x32xbf16, #tpu.memory_space<vmem>>, %arg7: memref<32x128xbf16, #tpu.memory_space<vmem>>, %arg8: memref<1x128xf32, #tpu.memory_space<vmem>>, %arg9: memref<8192x128xf32, #tpu.memory_space<vmem>>, %arg10: memref<8192x1xi32, #tpu.memory_space<vmem>>, %arg11: memref<1024x1xf32, #tpu.memory_space<vmem>>, %arg12: memref<1024x1xi32, #tpu.memory_space<vmem>>) attributes {dimension_semantics = [#tpu.dimension_semantics<arbitrary>, #tpu.dimension_semantics<arbitrary>], iteration_bounds = array<i64: 8, 4>, scalar_prefetch = 0 : i64, scratch_operands = 2 : i64, tpu.core_type = #tpu.core_type<tc>, window_params = [{pipeline_mode = #tpu.pipeline_mode<synchronous>, transform_indices = @transform_0, window_bounds = array<i64: 8192, 32>}, {pipeline_mode = #tpu.pipeline_mode<synchronous>, transform_indices = @transform_1, window_bounds = array<i64: 8192, 1>}, {pipeline_mode = #tpu.pipeline_mode<synchronous>, transform_indices = @transform_2, window_bounds = array<i64: 1, 8192>}, {pipeline_mode = #tpu.pipeline_mode<synchronous>, transform_indices = @transform_3, window_bounds = array<i64: 32, 8192>}, {pipeline_mode = #tpu.pipeline_mode<synchronous>, transform_indices = @transform_4, window_bounds = array<i64: 8192, 32>}, {pipeline_mode = #tpu.pipeline_mode<synchronous>, transform_indices = @transform_5, window_bounds = array<i64: 32, 128>}, {pipeline_mode = #tpu.pipeline_mode<synchronous>, transform_indices = @transform_6, window_bounds = array<i64: 1, 128>}, {pipeline_mode = #tpu.pipeline_mode<synchronous>, transform_indices = @transform_7, window_bounds = array<i64: 8192, 128>}, {pipeline_mode = #tpu.pipeline_mode<synchronous>, transform_indices = @transform_8, window_bounds = array<i64: 8192, 1>}]} {
    %eq3A = arith.constant 0 : i32
    %eq3A_0 = arith.cmpi eq, %arg0, %eq3A : i32
    %eq3A_1 = arith.constant 0 : i32
    %eq3A_2 = arith.cmpi eq, %arg1, %eq3A_1 : i32
    %and3A = arith.andi %eq3A_0, %eq3A_2 : i1
    %convert_element_type3A = arith.extui %and3A : i1 to i32
    %cond3A = arith.constant 0 : i32
    %cond3A_3 = arith.cmpi ne, %convert_element_type3A, %cond3A : i32
    scf.if %cond3A_3 {
      %get3A_2597 = arith.constant 0 : index
      %get3A_2598 = arith.constant 0 : index
      %get3A_2599 = vector.load %arg6[%get3A_2597, %get3A_2598] : memref<8192x32xbf16, #tpu.memory_space<vmem>>, vector<8192x32xbf16>
      %get3A_2600 = arith.constant 0 : index
      %get3A_2601 = arith.constant 0 : index
      %get3A_2602 = vector.load %arg7[%get3A_2600, %get3A_2601] : memref<32x128xbf16, #tpu.memory_space<vmem>>, vector<32x128xbf16>
      %dot_general3A_2603 = arith.constant dense<0.000000e+00> : vector<8192x128xf32>
      %dot_general3A_2604 = tpu.matmul %get3A_2599, %get3A_2602, %dot_general3A_2603 {dimension_numbers = #tpu.dot_dimension_numbers<[1], [0], [0], [1], [0, 0, 1, 1], [], []>, transpose_lhs_hint = false} : vector<8192x32xbf16>, vector<32x128xbf16>, vector<8192x128xf32> -> vector<8192x128xf32>
      %get3A_2605 = arith.constant 0 : index
      %get3A_2606 = arith.constant 0 : index
      %get3A_2607 = vector.load %arg8[%get3A_2605, %get3A_2606] : memref<1x128xf32, #tpu.memory_space<vmem>>, vector<1x128xf32>
      %add3A_2608 = vector.broadcast %get3A_2607 : vector<1x128xf32> to vector<8192x128xf32>
      %add3A_2609 = arith.addf %dot_general3A_2604, %add3A_2608 : vector<8192x128xf32>
      %swap3A_2610 = arith.constant 0 : index
      %swap3A_2611 = arith.constant 0 : index
      %swap3A_2612 = vector.load %arg9[%swap3A_2610, %swap3A_2611] : memref<8192x128xf32, #tpu.memory_space<vmem>>, vector<8192x128xf32>
      tpu.vector_store %arg9[%swap3A_2610, %swap3A_2611], %add3A_2609 {strides = array<i32>} : memref<8192x128xf32, #tpu.memory_space<vmem>>, vector<8192x128xf32>,
    } else {
    }
    %eq3A_4 = arith.constant 0 : i32
    %eq3A_5 = arith.cmpi eq, %arg1, %eq3A_4 : i32
    %convert_element_type3A_6 = arith.extui %eq3A_5 : i1 to i32
    %cond3A_7 = arith.constant 0 : i32
    %cond3A_8 = arith.cmpi ne, %convert_element_type3A_6, %cond3A_7 : i32
    scf.if %cond3A_8 {
      %broadcast_in_dim3A_2597 = arith.constant 0x7F800000 : f32
      %broadcast_in_dim3A_2598 = vector.broadcast %broadcast_in_dim3A_2597 : f32 to vector<1024x1xf32>
      %swap3A_2599 = arith.constant 0 : index
      %swap3A_2600 = arith.constant 0 : index
      %swap3A_2601 = vector.load %arg11[%swap3A_2599, %swap3A_2600] : memref<1024x1xf32, #tpu.memory_space<vmem>>, vector<1024x1xf32>
      tpu.vector_store %arg11[%swap3A_2599, %swap3A_2600], %broadcast_in_dim3A_2598 {strides = array<i32>} : memref<1024x1xf32, #tpu.memory_space<vmem>>, vector<1024x1xf32>,
      %broadcast_in_dim3A_2602 = arith.constant 0 : i32
      %broadcast_in_dim3A_2603 = vector.broadcast %broadcast_in_dim3A_2602 : i32 to vector<1024x1xi32>
      %swap3A_2604 = arith.constant 0 : index
      %swap3A_2605 = arith.constant 0 : index
      %swap3A_2606 = vector.load %arg12[%swap3A_2604, %swap3A_2605] : memref<1024x1xi32, #tpu.memory_space<vmem>>, vector<1024x1xi32>
      tpu.vector_store %arg12[%swap3A_2604, %swap3A_2605], %broadcast_in_dim3A_2603 {strides = array<i32>} : memref<1024x1xi32, #tpu.memory_space<vmem>>, vector<1024x1xi32>,
    } else {
    }
    %mul3A = arith.constant 1024 : i32
    %mul3A_9 = arith.muli %arg0, %mul3A : i32
    %get3A = arith.index_cast %mul3A_9 : i32 to index
    %get3A_10 = arith.constant 0 : index
    %get3A_11 = vector.load %arg2[%get3A, %get3A_10] : memref<8192x32xbf16, #tpu.memory_space<vmem>>, vector<1024x32xbf16>
    %mul3A_12 = arith.constant 2048 : i32
    %mul3A_13 = arith.muli %arg1, %mul3A_12 : i32
    %get3A_14 = arith.constant 0 : index
    %get3A_15 = arith.index_cast %mul3A_13 : i32 to index
    %get3A_16 = vector.load %arg5[%get3A_14, %get3A_15] : memref<32x8192xbf16, #tpu.memory_space<vmem>>, vector<32x2048xbf16>
    %dot_general3A = arith.constant dense<0.000000e+00> : vector<1024x2048xf32>
    %dot_general3A_17 = tpu.matmul %get3A_11, %get3A_16, %dot_general3A {dimension_numbers = #tpu.dot_dimension_numbers<[1], [0], [0], [1], [0, 0, 1, 1], [], []>, transpose_lhs_hint = false} : vector<1024x32xbf16>, vector<32x2048xbf16>, vector<1024x2048xf32> -> vector<1024x2048xf32>
    %iota3A = tpu.iota {dimensions = array<i32: 1>} : vector<128x128xi32>
    %mul3A_18 = arith.constant 1024 : i32
    %mul3A_19 = arith.muli %arg0, %mul3A_18 : i32
    %add3A = arith.constant 0 : i32
    %add3A_20 = arith.addi %mul3A_19, %add3A : i32
    %get3A_21 = arith.index_cast %add3A_20 : i32 to index
    %get3A_22 = arith.constant 0 : index
    %get3A_23 = vector.load %arg3[%get3A_21, %get3A_22] : memref<8192x1xf32, #tpu.memory_space<vmem>>, vector<128x1xf32>
    %slice3A = vector.extract_strided_slice %dot_general3A_17 {offsets = [0, 0], sizes = [128, 128], strides = [1, 1]} : vector<1024x2048xf32> to vector<128x128xf32>
    %add3A_24 = vector.broadcast %get3A_23 : vector<128x1xf32> to vector<128x128xf32>
    %add3A_25 = arith.addf %slice3A, %add3A_24 : vector<128x128xf32>
    %mul3A_26 = arith.constant 2048 : i32
    %mul3A_27 = arith.muli %arg1, %mul3A_26 : i32
    %get3A_28 = arith.constant 0 : index
    %get3A_29 = arith.index_cast %mul3A_27 : i32 to index
    %get3A_30 = vector.load %arg4[%get3A_28, %get3A_29] : memref<1x8192xf32, #tpu.memory_space<vmem>>, vector<1x128xf32>
    %add3A_31 = vector.broadcast %get3A_30 : vector<1x128xf32> to vector<128x128xf32>
    %add3A_32 = arith.addf %add3A_25, %add3A_31 : vector<128x128xf32>
    %broadcast_in_dim3A = arith.constant 0 : i32
    %broadcast_in_dim3A_33 = vector.broadcast %broadcast_in_dim3A : i32 to vector<128x128xi32>
    %slice3A_34 = vector.extract_strided_slice %dot_general3A_17 {offsets = [0, 128], sizes = [128, 128], strides = [1, 1]} : vector<1024x2048xf32> to vector<128x128xf32>
    %add3A_35 = vector.broadcast %get3A_23 : vector<128x1xf32> to vector<128x128xf32>
    %add3A_36 = arith.addf %slice3A_34, %add3A_35 : vector<128x128xf32>
    %mul3A_37 = arith.constant 2048 : i32
    %mul3A_38 = arith.muli %arg1, %mul3A_37 : i32
    %add3A_39 = arith.constant 128 : i32
    %add3A_40 = arith.addi %mul3A_38, %add3A_39 : i32
    %get3A_41 = arith.constant 0 : index
    %get3A_42 = arith.index_cast %add3A_40 : i32 to index
    %get3A_43 = vector.load %arg4[%get3A_41, %get3A_42] : memref<1x8192xf32, #tpu.memory_space<vmem>>, vector<1x128xf32>
    %add3A_44 = vector.broadcast %get3A_43 : vector<1x128xf32> to vector<128x128xf32>
    %add3A_45 = arith.addf %add3A_36, %add3A_44 : vector<128x128xf32>
    %lt3A = arith.cmpf olt, %add3A_45, %add3A_32 : vector<128x128xf32>
    %select_n3A = arith.select %lt3A, %add3A_45, %add3A_32 : vector<128x128xi1>, vector<128x128xf32>
    %jit3A = arith.constant 1 : i32
    %broadcast_in_dim3A_46 = vector.broadcast %jit3A : i32 to vector<128x128xi32>
    %select_n3A_47 = arith.select %lt3A, %broadcast_in_dim3A_46, %broadcast_in_dim3A_33 : vector<128x128xi1>, vector<128x128xi32>
    %slice3A_48 = vector.extract_strided_slice %dot_general3A_17 {offsets = [0, 256], sizes = [128, 128], strides = [1, 1]} : vector<1024x2048xf32> to vector<128x128xf32>
    %add3A_49 = vector.broadcast %get3A_23 : vector<128x1xf32> to vector<128x128xf32>
    %add3A_50 = arith.addf %slice3A_48, %add3A_49 : vector<128x128xf32>
    %mul3A_51 = arith.constant 2048 : i32
    %mul3A_52 = arith.muli %arg1, %mul3A_51 : i32
    %add3A_53 = arith.constant 256 : i32
    %add3A_54 = arith.addi %mul3A_52, %add3A_53 : i32
    %get3A_55 = arith.constant 0 : index
    %get3A_56 = arith.index_cast %add3A_54 : i32 to index
    %get3A_57 = vector.load %arg4[%get3A_55, %get3A_56] : memref<1x8192xf32, #tpu.memory_space<vmem>>, vector<1x128xf32>
    %add3A_58 = vector.broadcast %get3A_57 : vector<1x128xf32> to vector<128x128xf32>
    %add3A_59 = arith.addf %add3A_50, %add3A_58 : vector<128x128xf32>
    %lt3A_60 = arith.cmpf olt, %add3A_59, %select_n3A : vector<128x128xf32>
    %select_n3A_61 = arith.select %lt3A_60, %add3A_59, %select_n3A : vector<128x128xi1>, vector<128x128xf32>
    %jit3A_62 = arith.constant 2 : i32
    %broadcast_in_dim3A_63 = vector.broadcast %jit3A_62 : i32 to vector<128x128xi32>
    %select_n3A_64 = arith.select %lt3A_60, %broadcast_in_dim3A_63, %select_n3A_47 : vector<128x128xi1>, vector<128x128xi32>
    %slice3A_65 = vector.extract_strided_slice %dot_general3A_17 {offsets = [0, 384], sizes = [128, 128], strides = [1, 1]} : vector<1024x2048xf32> to vector<128x128xf32>
    %add3A_66 = vector.broadcast %get3A_23 : vector<128x1xf32> to vector<128x128xf32>
    %add3A_67 = arith.addf %slice3A_65, %add3A_66 : vector<128x128xf32>
    %mul3A_68 = arith.constant 2048 : i32
    %mul3A_69 = arith.muli %arg1, %mul3A_68 : i32
    %add3A_70 = arith.constant 384 : i32
    %add3A_71 = arith.addi %mul3A_69, %add3A_70 : i32
    %get3A_72 = arith.constant 0 : index
    %get3A_73 = arith.index_cast %add3A_71 : i32 to index
    %get3A_74 = vector.load %arg4[%get3A_72, %get3A_73] : memref<1x8192xf32, #tpu.memory_space<vmem>>, vector<1x128xf32>
    %add3A_75 = vector.broadcast %get3A_74 : vector<1x128xf32> to vector<128x128xf32>
    %add3A_76 = arith.addf %add3A_67, %add3A_75 : vector<128x128xf32>
    %lt3A_77 = arith.cmpf olt, %add3A_76, %select_n3A_61 : vector<128x128xf32>
    %select_n3A_78 = arith.select %lt3A_77, %add3A_76, %select_n3A_61 : vector<128x128xi1>, vector<128x128xf32>
    %jit3A_79 = arith.constant 3 : i32
    %broadcast_in_dim3A_80 = vector.broadcast %jit3A_79 : i32 to vector<128x128xi32>
    %select_n3A_81 = arith.select %lt3A_77, %broadcast_in_dim3A_80, %select_n3A_64 : vector<128x128xi1>, vector<128x128xi32>
    %slice3A_82 = vector.extract_strided_slice %dot_general3A_17 {offsets = [0, 512], sizes = [128, 128], strides = [1, 1]} : vector<1024x2048xf32> to vector<128x128xf32>
    %add3A_83 = vector.broadcast %get3A_23 : vector<128x1xf32> to vector<128x128xf32>
    %add3A_84 = arith.addf %slice3A_82, %add3A_83 : vector<128x128xf32>
    %mul3A_85 = arith.constant 2048 : i32
    %mul3A_86 = arith.muli %arg1, %mul3A_85 : i32
    %add3A_87 = arith.constant 512 : i32
    %add3A_88 = arith.addi %mul3A_86, %add3A_87 : i32
    %get3A_89 = arith.constant 0 : index
    %get3A_90 = arith.index_cast %add3A_88 : i32 to index
    %get3A_91 = vector.load %arg4[%get3A_89, %get3A_90] : memref<1x8192xf32, #tpu.memory_space<vmem>>, vector<1x128xf32>
    %add3A_92 = vector.broadcast %get3A_91 : vector<1x128xf32> to vector<128x128xf32>
    %add3A_93 = arith.addf %add3A_84, %add3A_92 : vector<128x128xf32>
    %lt3A_94 = arith.cmpf olt, %add3A_93, %select_n3A_78 : vector<128x128xf32>
    %select_n3A_95 = arith.select %lt3A_94, %add3A_93, %select_n3A_78 : vector<128x128xi1>, vector<128x128xf32>
    %jit3A_96 = arith.constant 4 : i32
    %broadcast_in_dim3A_97 = vector.broadcast %jit3A_96 : i32 to vector<128x128xi32>
    %select_n3A_98 = arith.select %lt3A_94, %broadcast_in_dim3A_97, %select_n3A_81 : vector<128x128xi1>, vector<128x128xi32>
    %slice3A_99 = vector.extract_strided_slice %dot_general3A_17 {offsets = [0, 640], sizes = [128, 128], strides = [1, 1]} : vector<1024x2048xf32> to vector<128x128xf32>
    %add3A_100 = vector.broadcast %get3A_23 : vector<128x1xf32> to vector<128x128xf32>
    %add3A_101 = arith.addf %slice3A_99, %add3A_100 : vector<128x128xf32>
    %mul3A_102 = arith.constant 2048 : i32
    %mul3A_103 = arith.muli %arg1, %mul3A_102 : i32
    %add3A_104 = arith.constant 640 : i32
    %add3A_105 = arith.addi %mul3A_103, %add3A_104 : i32
    %get3A_106 = arith.constant 0 : index
    %get3A_107 = arith.index_cast %add3A_105 : i32 to index
    %get3A_108 = vector.load %arg4[%get3A_106, %get3A_107] : memref<1x8192xf32, #tpu.memory_space<vmem>>, vector<1x128xf32>
    %add3A_109 = vector.broadcast %get3A_108 : vector<1x128xf32> to vector<128x128xf32>
    %add3A_110 = arith.addf %add3A_101, %add3A_109 : vector<128x128xf32>
    %lt3A_111 = arith.cmpf olt, %add3A_110, %select_n3A_95 : vector<128x128xf32>
    %select_n3A_112 = arith.select %lt3A_111, %add3A_110, %select_n3A_95 : vector<128x128xi1>, vector<128x128xf32>
    %jit3A_113 = arith.constant 5 : i32
    %broadcast_in_dim3A_114 = vector.broadcast %jit3A_113 : i32 to vector<128x128xi32>
    %select_n3A_115 = arith.select %lt3A_111, %broadcast_in_dim3A_114, %select_n3A_98 : vector<128x128xi1>, vector<128x128xi32>
    %slice3A_116 = vector.extract_strided_slice %dot_general3A_17 {offsets = [0, 768], sizes = [128, 128], strides = [1, 1]} : vector<1024x2048xf32> to vector<128x128xf32>
    %add3A_117 = vector.broadcast %get3A_23 : vector<128x1xf32> to vector<128x128xf32>
    %add3A_118 = arith.addf %slice3A_116, %add3A_117 : vector<128x128xf32>
    %mul3A_119 = arith.constant 2048 : i32
    %mul3A_120 = arith.muli %arg1, %mul3A_119 : i32
    %add3A_121 = arith.constant 768 : i32
    %add3A_122 = arith.addi %mul3A_120, %add3A_121 : i32
    %get3A_123 = arith.constant 0 : index
    %get3A_124 = arith.index_cast %add3A_122 : i32 to index
    %get3A_125 = vector.load %arg4[%get3A_123, %get3A_124] : memref<1x8192xf32, #tpu.memory_space<vmem>>, vector<1x128xf32>
    %add3A_126 = vector.broadcast %get3A_125 : vector<1x128xf32> to vector<128x128xf32>
    %add3A_127 = arith.addf %add3A_118, %add3A_126 : vector<128x128xf32>
    %lt3A_128 = arith.cmpf olt, %add3A_127, %select_n3A_112 : vector<128x128xf32>
    %select_n3A_129 = arith.select %lt3A_128, %add3A_127, %select_n3A_112 : vector<128x128xi1>, vector<128x128xf32>
    %jit3A_130 = arith.constant 6 : i32
    %broadcast_in_dim3A_131 = vector.broadcast %jit3A_130 : i32 to vector<128x128xi32>
    %select_n3A_132 = arith.select %lt3A_128, %broadcast_in_dim3A_131, %select_n3A_115 : vector<128x128xi1>, vector<128x128xi32>
    %slice3A_133 = vector.extract_strided_slice %dot_general3A_17 {offsets = [0, 896], sizes = [128, 128], strides = [1, 1]} : vector<1024x2048xf32> to vector<128x128xf32>
    %add3A_134 = vector.broadcast %get3A_23 : vector<128x1xf32> to vector<128x128xf32>
    %add3A_135 = arith.addf %slice3A_133, %add3A_134 : vector<128x128xf32>
    %mul3A_136 = arith.constant 2048 : i32
    %mul3A_137 = arith.muli %arg1, %mul3A_136 : i32
    %add3A_138 = arith.constant 896 : i32
    %add3A_139 = arith.addi %mul3A_137, %add3A_138 : i32
    %get3A_140 = arith.constant 0 : index
    %get3A_141 = arith.index_cast %add3A_139 : i32 to index
    %get3A_142 = vector.load %arg4[%get3A_140, %get3A_141] : memref<1x8192xf32, #tpu.memory_space<vmem>>, vector<1x128xf32>
    %add3A_143 = vector.broadcast %get3A_142 : vector<1x128xf32> to vector<128x128xf32>
    %add3A_144 = arith.addf %add3A_135, %add3A_143 : vector<128x128xf32>
    %lt3A_145 = arith.cmpf olt, %add3A_144, %select_n3A_129 : vector<128x128xf32>
    %select_n3A_146 = arith.select %lt3A_145, %add3A_144, %select_n3A_129 : vector<128x128xi1>, vector<128x128xf32>
    %jit3A_147 = arith.constant 7 : i32
    %broadcast_in_dim3A_148 = vector.broadcast %jit3A_147 : i32 to vector<128x128xi32>
    %select_n3A_149 = arith.select %lt3A_145, %broadcast_in_dim3A_148, %select_n3A_132 : vector<128x128xi1>, vector<128x128xi32>
    %slice3A_150 = vector.extract_strided_slice %dot_general3A_17 {offsets = [0, 1024], sizes = [128, 128], strides = [1, 1]} : vector<1024x2048xf32> to vector<128x128xf32>
    %add3A_151 = vector.broadcast %get3A_23 : vector<128x1xf32> to vector<128x128xf32>
    %add3A_152 = arith.addf %slice3A_150, %add3A_151 : vector<128x128xf32>
    %mul3A_153 = arith.constant 2048 : i32
    %mul3A_154 = arith.muli %arg1, %mul3A_153 : i32
    %add3A_155 = arith.constant 1024 : i32
    %add3A_156 = arith.addi %mul3A_154, %add3A_155 : i32
    %get3A_157 = arith.constant 0 : index
    %get3A_158 = arith.index_cast %add3A_156 : i32 to index
    %get3A_159 = vector.load %arg4[%get3A_157, %get3A_158] : memref<1x8192xf32, #tpu.memory_space<vmem>>, vector<1x128xf32>
    %add3A_160 = vector.broadcast %get3A_159 : vector<1x128xf32> to vector<128x128xf32>
    %add3A_161 = arith.addf %add3A_152, %add3A_160 : vector<128x128xf32>
    %lt3A_162 = arith.cmpf olt, %add3A_161, %select_n3A_146 : vector<128x128xf32>
    %select_n3A_163 = arith.select %lt3A_162, %add3A_161, %select_n3A_146 : vector<128x128xi1>, vector<128x128xf32>
    %jit3A_164 = arith.constant 8 : i32
    %broadcast_in_dim3A_165 = vector.broadcast %jit3A_164 : i32 to vector<128x128xi32>
    %select_n3A_166 = arith.select %lt3A_162, %broadcast_in_dim3A_165, %select_n3A_149 : vector<128x128xi1>, vector<128x128xi32>
    %slice3A_167 = vector.extract_strided_slice %dot_general3A_17 {offsets = [0, 1152], sizes = [128, 128], strides = [1, 1]} : vector<1024x2048xf32> to vector<128x128xf32>
    %add3A_168 = vector.broadcast %get3A_23 : vector<128x1xf32> to vector<128x128xf32>
    %add3A_169 = arith.addf %slice3A_167, %add3A_168 : vector<128x128xf32>
    %mul3A_170 = arith.constant 2048 : i32
    %mul3A_171 = arith.muli %arg1, %mul3A_170 : i32
    %add3A_172 = arith.constant 1152 : i32
    %add3A_173 = arith.addi %mul3A_171, %add3A_172 : i32
    %get3A_174 = arith.constant 0 : index
    %get3A_175 = arith.index_cast %add3A_173 : i32 to index
    %get3A_176 = vector.load %arg4[%get3A_174, %get3A_175] : memref<1x8192xf32, #tpu.memory_space<vmem>>, vector<1x128xf32>
    %add3A_177 = vector.broadcast %get3A_176 : vector<1x128xf32> to vector<128x128xf32>
    %add3A_178 = arith.addf %add3A_169, %add3A_177 : vector<128x128xf32>
    %lt3A_179 = arith.cmpf olt, %add3A_178, %select_n3A_163 : vector<128x128xf32>
    %select_n3A_180 = arith.select %lt3A_179, %add3A_178, %select_n3A_163 : vector<128x128xi1>, vector<128x128xf32>
    %jit3A_181 = arith.constant 9 : i32
    %broadcast_in_dim3A_182 = vector.broadcast %jit3A_181 : i32 to vector<128x128xi32>
    %select_n3A_183 = arith.select %lt3A_179, %broadcast_in_dim3A_182, %select_n3A_166 : vector<128x128xi1>, vector<128x128xi32>
    %slice3A_184 = vector.extract_strided_slice %dot_general3A_17 {offsets = [0, 1280], sizes = [128, 128], strides = [1, 1]} : vector<1024x2048xf32> to vector<128x128xf32>
    %add3A_185 = vector.broadcast %get3A_23 : vector<128x1xf32> to vector<128x128xf32>
    %add3A_186 = arith.addf %slice3A_184, %add3A_185 : vector<128x128xf32>
    %mul3A_187 = arith.constant 2048 : i32
    %mul3A_188 = arith.muli %arg1, %mul3A_187 : i32
    %add3A_189 = arith.constant 1280 : i32
    %add3A_190 = arith.addi %mul3A_188, %add3A_189 : i32
    %get3A_191 = arith.constant 0 : index
    %get3A_192 = arith.index_cast %add3A_190 : i32 to index
    %get3A_193 = vector.load %arg4[%get3A_191, %get3A_192] : memref<1x8192xf32, #tpu.memory_space<vmem>>, vector<1x128xf32>
    %add3A_194 = vector.broadcast %get3A_193 : vector<1x128xf32> to vector<128x128xf32>
    %add3A_195 = arith.addf %add3A_186, %add3A_194 : vector<128x128xf32>
    %lt3A_196 = arith.cmpf olt, %add3A_195, %select_n3A_180 : vector<128x128xf32>
    %select_n3A_197 = arith.select %lt3A_196, %add3A_195, %select_n3A_180 : vector<128x128xi1>, vector<128x128xf32>
    %jit3A_198 = arith.constant 10 : i32
    %broadcast_in_dim3A_199 = vector.broadcast %jit3A_198 : i32 to vector<128x128xi32>
    %select_n3A_200 = arith.select %lt3A_196, %broadcast_in_dim3A_199, %select_n3A_183 : vector<128x128xi1>, vector<128x128xi32>
    %slice3A_201 = vector.extract_strided_slice %dot_general3A_17 {offsets = [0, 1408], sizes = [128, 128], strides = [1, 1]} : vector<1024x2048xf32> to vector<128x128xf32>
    %add3A_202 = vector.broadcast %get3A_23 : vector<128x1xf32> to vector<128x128xf32>
    %add3A_203 = arith.addf %slice3A_201, %add3A_202 : vector<128x128xf32>
    %mul3A_204 = arith.constant 2048 : i32
    %mul3A_205 = arith.muli %arg1, %mul3A_204 : i32
    %add3A_206 = arith.constant 1408 : i32
    %add3A_207 = arith.addi %mul3A_205, %add3A_206 : i32
    %get3A_208 = arith.constant 0 : index
    %get3A_209 = arith.index_cast %add3A_207 : i32 to index
    %get3A_210 = vector.load %arg4[%get3A_208, %get3A_209] : memref<1x8192xf32, #tpu.memory_space<vmem>>, vector<1x128xf32>
    %add3A_211 = vector.broadcast %get3A_210 : vector<1x128xf32> to vector<128x128xf32>
    %add3A_212 = arith.addf %add3A_203, %add3A_211 : vector<128x128xf32>
    %lt3A_213 = arith.cmpf olt, %add3A_212, %select_n3A_197 : vector<128x128xf32>
    %select_n3A_214 = arith.select %lt3A_213, %add3A_212, %select_n3A_197 : vector<128x128xi1>, vector<128x128xf32>
    %jit3A_215 = arith.constant 11 : i32
    %broadcast_in_dim3A_216 = vector.broadcast %jit3A_215 : i32 to vector<128x128xi32>
    %select_n3A_217 = arith.select %lt3A_213, %broadcast_in_dim3A_216, %select_n3A_200 : vector<128x128xi1>, vector<128x128xi32>
    %slice3A_218 = vector.extract_strided_slice %dot_general3A_17 {offsets = [0, 1536], sizes = [128, 128], strides = [1, 1]} : vector<1024x2048xf32> to vector<128x128xf32>
    %add3A_219 = vector.broadcast %get3A_23 : vector<128x1xf32> to vector<128x128xf32>
    %add3A_220 = arith.addf %slice3A_218, %add3A_219 : vector<128x128xf32>
    %mul3A_221 = arith.constant 2048 : i32
    %mul3A_222 = arith.muli %arg1, %mul3A_221 : i32
    %add3A_223 = arith.constant 1536 : i32
    %add3A_224 = arith.addi %mul3A_222, %add3A_223 : i32
    %get3A_225 = arith.constant 0 : index
    %get3A_226 = arith.index_cast %add3A_224 : i32 to index
    %get3A_227 = vector.load %arg4[%get3A_225, %get3A_226] : memref<1x8192xf32, #tpu.memory_space<vmem>>, vector<1x128xf32>
    %add3A_228 = vector.broadcast %get3A_227 : vector<1x128xf32> to vector<128x128xf32>
    %add3A_229 = arith.addf %add3A_220, %add3A_228 : vector<128x128xf32>
    %lt3A_230 = arith.cmpf olt, %add3A_229, %select_n3A_214 : vector<128x128xf32>
    %select_n3A_231 = arith.select %lt3A_230, %add3A_229, %select_n3A_214 : vector<128x128xi1>, vector<128x128xf32>
    %jit3A_232 = arith.constant 12 : i32
    %broadcast_in_dim3A_233 = vector.broadcast %jit3A_232 : i32 to vector<128x128xi32>
    %select_n3A_234 = arith.select %lt3A_230, %broadcast_in_dim3A_233, %select_n3A_217 : vector<128x128xi1>, vector<128x128xi32>
    %slice3A_235 = vector.extract_strided_slice %dot_general3A_17 {offsets = [0, 1664], sizes = [128, 128], strides = [1, 1]} : vector<1024x2048xf32> to vector<128x128xf32>
    %add3A_236 = vector.broadcast %get3A_23 : vector<128x1xf32> to vector<128x128xf32>
    %add3A_237 = arith.addf %slice3A_235, %add3A_236 : vector<128x128xf32>
    %mul3A_238 = arith.constant 2048 : i32
    %mul3A_239 = arith.muli %arg1, %mul3A_238 : i32
    %add3A_240 = arith.constant 1664 : i32
    %add3A_241 = arith.addi %mul3A_239, %add3A_240 : i32
    %get3A_242 = arith.constant 0 : index
    %get3A_243 = arith.index_cast %add3A_241 : i32 to index
    %get3A_244 = vector.load %arg4[%get3A_242, %get3A_243] : memref<1x8192xf32, #tpu.memory_space<vmem>>, vector<1x128xf32>
    %add3A_245 = vector.broadcast %get3A_244 : vector<1x128xf32> to vector<128x128xf32>
    %add3A_246 = arith.addf %add3A_237, %add3A_245 : vector<128x128xf32>
    %lt3A_247 = arith.cmpf olt, %add3A_246, %select_n3A_231 : vector<128x128xf32>
    %select_n3A_248 = arith.select %lt3A_247, %add3A_246, %select_n3A_231 : vector<128x128xi1>, vector<128x128xf32>
    %jit3A_249 = arith.constant 13 : i32
    %broadcast_in_dim3A_250 = vector.broadcast %jit3A_249 : i32 to vector<128x128xi32>
    %select_n3A_251 = arith.select %lt3A_247, %broadcast_in_dim3A_250, %select_n3A_234 : vector<128x128xi1>, vector<128x128xi32>
    %slice3A_252 = vector.extract_strided_slice %dot_general3A_17 {offsets = [0, 1792], sizes = [128, 128], strides = [1, 1]} : vector<1024x2048xf32> to vector<128x128xf32>
    %add3A_253 = vector.broadcast %get3A_23 : vector<128x1xf32> to vector<128x128xf32>
    %add3A_254 = arith.addf %slice3A_252, %add3A_253 : vector<128x128xf32>
    %mul3A_255 = arith.constant 2048 : i32
    %mul3A_256 = arith.muli %arg1, %mul3A_255 : i32
    %add3A_257 = arith.constant 1792 : i32
    %add3A_258 = arith.addi %mul3A_256, %add3A_257 : i32
    %get3A_259 = arith.constant 0 : index
    %get3A_260 = arith.index_cast %add3A_258 : i32 to index
    %get3A_261 = vector.load %arg4[%get3A_259, %get3A_260] : memref<1x8192xf32, #tpu.memory_space<vmem>>, vector<1x128xf32>
    %add3A_262 = vector.broadcast %get3A_261 : vector<1x128xf32> to vector<128x128xf32>
    %add3A_263 = arith.addf %add3A_254, %add3A_262 : vector<128x128xf32>
    %lt3A_264 = arith.cmpf olt, %add3A_263, %select_n3A_248 : vector<128x128xf32>
    %select_n3A_265 = arith.select %lt3A_264, %add3A_263, %select_n3A_248 : vector<128x128xi1>, vector<128x128xf32>
    %jit3A_266 = arith.constant 14 : i32
    %broadcast_in_dim3A_267 = vector.broadcast %jit3A_266 : i32 to vector<128x128xi32>
    %select_n3A_268 = arith.select %lt3A_264, %broadcast_in_dim3A_267, %select_n3A_251 : vector<128x128xi1>, vector<128x128xi32>
    %slice3A_269 = vector.extract_strided_slice %dot_general3A_17 {offsets = [0, 1920], sizes = [128, 128], strides = [1, 1]} : vector<1024x2048xf32> to vector<128x128xf32>
    %add3A_270 = vector.broadcast %get3A_23 : vector<128x1xf32> to vector<128x128xf32>
    %add3A_271 = arith.addf %slice3A_269, %add3A_270 : vector<128x128xf32>
    %mul3A_272 = arith.constant 2048 : i32
    %mul3A_273 = arith.muli %arg1, %mul3A_272 : i32
    %add3A_274 = arith.constant 1920 : i32
    %add3A_275 = arith.addi %mul3A_273, %add3A_274 : i32
    %get3A_276 = arith.constant 0 : index
    %get3A_277 = arith.index_cast %add3A_275 : i32 to index
    %get3A_278 = vector.load %arg4[%get3A_276, %get3A_277] : memref<1x8192xf32, #tpu.memory_space<vmem>>, vector<1x128xf32>
    %add3A_279 = vector.broadcast %get3A_278 : vector<1x128xf32> to vector<128x128xf32>
    %add3A_280 = arith.addf %add3A_271, %add3A_279 : vector<128x128xf32>
    %lt3A_281 = arith.cmpf olt, %add3A_280, %select_n3A_265 : vector<128x128xf32>
    %select_n3A_282 = arith.select %lt3A_281, %add3A_280, %select_n3A_265 : vector<128x128xi1>, vector<128x128xf32>
    %jit3A_283 = arith.constant 15 : i32
    %broadcast_in_dim3A_284 = vector.broadcast %jit3A_283 : i32 to vector<128x128xi32>
    %select_n3A_285 = arith.select %lt3A_281, %broadcast_in_dim3A_284, %select_n3A_268 : vector<128x128xi1>, vector<128x128xi32>
    %reduce_min3A = arith.constant dense<0x7F800000> : vector<128xf32>
    %reduce_min3A_286 = vector.multi_reduction <minimumf>, %select_n3A_282, %reduce_min3A [1] : vector<128x128xf32> to vector<128xf32>
    %broadcast_in_dim3A_287 = vector.shape_cast %reduce_min3A_286 : vector<128xf32> to vector<128x1xf32>
    %mul3A_288 = arith.constant 128 : i32
    %mul3A_289 = vector.broadcast %mul3A_288 : i32 to vector<128x128xi32>
    %mul3A_290 = arith.muli %select_n3A_285, %mul3A_289 : vector<128x128xi32>
    %add3A_291 = arith.addi %mul3A_290, %iota3A : vector<128x128xi32>
    %eq3A_292 = vector.broadcast %broadcast_in_dim3A_287 : vector<128x1xf32> to vector<128x128xf32>
    %eq3A_293 = arith.cmpf oeq, %select_n3A_282, %eq3A_292 : vector<128x128xf32>
    %jit3A_294 = arith.constant 8192 : i32
    %broadcast_in_dim3A_295 = vector.broadcast %jit3A_294 : i32 to vector<128x128xi32>
    %select_n3A_296 = arith.select %eq3A_293, %add3A_291, %broadcast_in_dim3A_295 : vector<128x128xi1>, vector<128x128xi32>
    %reduce_min3A_297 = arith.constant dense<2147483647> : vector<128xi32>
    %reduce_min3A_298 = vector.multi_reduction <minsi>, %select_n3A_296, %reduce_min3A_297 [1] : vector<128x128xi32> to vector<128xi32>
    %broadcast_in_dim3A_299 = vector.shape_cast %reduce_min3A_298 : vector<128xi32> to vector<128x1xi32>
    %mul3A_300 = arith.constant 2048 : i32
    %mul3A_301 = arith.muli %arg1, %mul3A_300 : i32
    %add3A_302 = vector.broadcast %mul3A_301 : i32 to vector<128x1xi32>
    %add3A_303 = arith.addi %broadcast_in_dim3A_299, %add3A_302 : vector<128x1xi32>
    %get3A_304 = arith.constant 0 : index
    %get3A_305 = arith.constant 0 : index
    %get3A_306 = vector.load %arg11[%get3A_304, %get3A_305] : memref<1024x1xf32, #tpu.memory_space<vmem>>, vector<128x1xf32>
    %lt3A_307 = arith.cmpf olt, %broadcast_in_dim3A_287, %get3A_306 : vector<128x1xf32>
    %bitcast_convert_type3A = tpu.bitcast %broadcast_in_dim3A_287 : vector<128x1xf32> -> vector<128x1xi32>
    %shift_right_logical3A = arith.constant 16 : i32
    %shift_right_logical3A_308 = vector.broadcast %shift_right_logical3A : i32 to vector<128x1xi32>
    %shift_right_logical3A_309 = arith.shrui %bitcast_convert_type3A, %shift_right_logical3A_308 : vector<128x1xi32>
    %and3A_310 = arith.constant 1 : i32
    %and3A_311 = vector.broadcast %and3A_310 : i32 to vector<128x1xi32>
    %and3A_312 = arith.andi %shift_right_logical3A_309, %and3A_311 : vector<128x1xi32>
    %add3A_313 = arith.addi %bitcast_convert_type3A, %and3A_312 : vector<128x1xi32>
    %add3A_314 = arith.constant 32767 : i32
    %add3A_315 = vector.broadcast %add3A_314 : i32 to vector<128x1xi32>
    %add3A_316 = arith.addi %add3A_313, %add3A_315 : vector<128x1xi32>
    %and3A_317 = arith.constant -65536 : i32
    %and3A_318 = vector.broadcast %and3A_317 : i32 to vector<128x1xi32>
    %and3A_319 = arith.andi %add3A_316, %and3A_318 : vector<128x1xi32>
    %bitcast_convert_type3A_320 = tpu.bitcast %and3A_319 : vector<128x1xi32> -> vector<128x1xf32>
    %select_n3A_321 = arith.select %lt3A_307, %bitcast_convert_type3A_320, %get3A_306 : vector<128x1xi1>, vector<128x1xf32>
    %swap3A = arith.constant 0 : index
    %swap3A_322 = arith.constant 0 : index
    %swap3A_323 = vector.load %arg11[%swap3A, %swap3A_322] : memref<1024x1xf32, #tpu.memory_space<vmem>>, vector<128x1xf32>
    tpu.vector_store %arg11[%swap3A, %swap3A_322], %select_n3A_321 {strides = array<i32>} : memref<1024x1xf32, #tpu.memory_space<vmem>>, vector<128x1xf32>,
    %get3A_324 = arith.constant 0 : index
    %get3A_325 = arith.constant 0 : index
    %get3A_326 = vector.load %arg12[%get3A_324, %get3A_325] : memref<1024x1xi32, #tpu.memory_space<vmem>>, vector<128x1xi32>
    %select_n3A_327 = arith.select %lt3A_307, %add3A_303, %get3A_326 : vector<128x1xi1>, vector<128x1xi32>
    %swap3A_328 = arith.constant 0 : index
    %swap3A_329 = arith.constant 0 : index
    %swap3A_330 = vector.load %arg12[%swap3A_328, %swap3A_329] : memref<1024x1xi32, #tpu.memory_space<vmem>>, vector<128x1xi32>
    tpu.vector_store %arg12[%swap3A_328, %swap3A_329], %select_n3A_327 {strides = array<i32>} : memref<1024x1xi32, #tpu.memory_space<vmem>>, vector<128x1xi32>,
    %mul3A_331 = arith.constant 1024 : i32
    %mul3A_332 = arith.muli %arg0, %mul3A_331 : i32
    %add3A_333 = arith.constant 128 : i32
    %add3A_334 = arith.addi %mul3A_332, %add3A_333 : i32
    %get3A_335 = arith.index_cast %add3A_334 : i32 to index
    %get3A_336 = arith.constant 0 : index
    %get3A_337 = vector.load %arg3[%get3A_335, %get3A_336] : memref<8192x1xf32, #tpu.memory_space<vmem>>, vector<128x1xf32>
    %slice3A_338 = vector.extract_strided_slice %dot_general3A_17 {offsets = [128, 0], sizes = [128, 128], strides = [1, 1]} : vector<1024x2048xf32> to vector<128x128xf32>
    %add3A_339 = vector.broadcast %get3A_337 : vector<128x1xf32> to vector<128x128xf32>
    %add3A_340 = arith.addf %slice3A_338, %add3A_339 : vector<128x128xf32>
    %mul3A_341 = arith.constant 2048 : i32
    %mul3A_342 = arith.muli %arg1, %mul3A_341 : i32
    %get3A_343 = arith.constant 0 : index
    %get3A_344 = arith.index_cast %mul3A_342 : i32 to index
    %get3A_345 = vector.load %arg4[%get3A_343, %get3A_344] : memref<1x8192xf32, #tpu.memory_space<vmem>>, vector<1x128xf32>
    %add3A_346 = vector.broadcast %get3A_345 : vector<1x128xf32> to vector<128x128xf32>
    %add3A_347 = arith.addf %add3A_340, %add3A_346 : vector<128x128xf32>
    %broadcast_in_dim3A_348 = arith.constant 0 : i32
    %broadcast_in_dim3A_349 = vector.broadcast %broadcast_in_dim3A_348 : i32 to vector<128x128xi32>
    %slice3A_350 = vector.extract_strided_slice %dot_general3A_17 {offsets = [128, 128], sizes = [128, 128], strides = [1, 1]} : vector<1024x2048xf32> to vector<128x128xf32>
    %add3A_351 = vector.broadcast %get3A_337 : vector<128x1xf32> to vector<128x128xf32>
    %add3A_352 = arith.addf %slice3A_350, %add3A_351 : vector<128x128xf32>
    %mul3A_353 = arith.constant 2048 : i32
    %mul3A_354 = arith.muli %arg1, %mul3A_353 : i32
    %add3A_355 = arith.constant 128 : i32
    %add3A_356 = arith.addi %mul3A_354, %add3A_355 : i32
    %get3A_357 = arith.constant 0 : index
    %get3A_358 = arith.index_cast %add3A_356 : i32 to index
    %get3A_359 = vector.load %arg4[%get3A_357, %get3A_358] : memref<1x8192xf32, #tpu.memory_space<vmem>>, vector<1x128xf32>
    %add3A_360 = vector.broadcast %get3A_359 : vector<1x128xf32> to vector<128x128xf32>
    %add3A_361 = arith.addf %add3A_352, %add3A_360 : vector<128x128xf32>
    %lt3A_362 = arith.cmpf olt, %add3A_361, %add3A_347 : vector<128x128xf32>
    %select_n3A_363 = arith.select %lt3A_362, %add3A_361, %add3A_347 : vector<128x128xi1>, vector<128x128xf32>
    %jit3A_364 = arith.constant 1 : i32
    %broadcast_in_dim3A_365 = vector.broadcast %jit3A_364 : i32 to vector<128x128xi32>
    %select_n3A_366 = arith.select %lt3A_362, %broadcast_in_dim3A_365, %broadcast_in_dim3A_349 : vector<128x128xi1>, vector<128x128xi32>
    %slice3A_367 = vector.extract_strided_slice %dot_general3A_17 {offsets = [128, 256], sizes = [128, 128], strides = [1, 1]} : vector<1024x2048xf32> to vector<128x128xf32>
    %add3A_368 = vector.broadcast %get3A_337 : vector<128x1xf32> to vector<128x128xf32>
    %add3A_369 = arith.addf %slice3A_367, %add3A_368 : vector<128x128xf32>
    %mul3A_370 = arith.constant 2048 : i32
    %mul3A_371 = arith.muli %arg1, %mul3A_370 : i32
    %add3A_372 = arith.constant 256 : i32
    %add3A_373 = arith.addi %mul3A_371, %add3A_372 : i32
    %get3A_374 = arith.constant 0 : index
    %get3A_375 = arith.index_cast %add3A_373 : i32 to index
    %get3A_376 = vector.load %arg4[%get3A_374, %get3A_375] : memref<1x8192xf32, #tpu.memory_space<vmem>>, vector<1x128xf32>
    %add3A_377 = vector.broadcast %get3A_376 : vector<1x128xf32> to vector<128x128xf32>
    %add3A_378 = arith.addf %add3A_369, %add3A_377 : vector<128x128xf32>
    %lt3A_379 = arith.cmpf olt, %add3A_378, %select_n3A_363 : vector<128x128xf32>
    %select_n3A_380 = arith.select %lt3A_379, %add3A_378, %select_n3A_363 : vector<128x128xi1>, vector<128x128xf32>
    %jit3A_381 = arith.constant 2 : i32
    %broadcast_in_dim3A_382 = vector.broadcast %jit3A_381 : i32 to vector<128x128xi32>
    %select_n3A_383 = arith.select %lt3A_379, %broadcast_in_dim3A_382, %select_n3A_366 : vector<128x128xi1>, vector<128x128xi32>
    %slice3A_384 = vector.extract_strided_slice %dot_general3A_17 {offsets = [128, 384], sizes = [128, 128], strides = [1, 1]} : vector<1024x2048xf32> to vector<128x128xf32>
    %add3A_385 = vector.broadcast %get3A_337 : vector<128x1xf32> to vector<128x128xf32>
    %add3A_386 = arith.addf %slice3A_384, %add3A_385 : vector<128x128xf32>
    %mul3A_387 = arith.constant 2048 : i32
    %mul3A_388 = arith.muli %arg1, %mul3A_387 : i32
    %add3A_389 = arith.constant 384 : i32
    %add3A_390 = arith.addi %mul3A_388, %add3A_389 : i32
    %get3A_391 = arith.constant 0 : index
    %get3A_392 = arith.index_cast %add3A_390 : i32 to index
    %get3A_393 = vector.load %arg4[%get3A_391, %get3A_392] : memref<1x8192xf32, #tpu.memory_space<vmem>>, vector<1x128xf32>
    %add3A_394 = vector.broadcast %get3A_393 : vector<1x128xf32> to vector<128x128xf32>
    %add3A_395 = arith.addf %add3A_386, %add3A_394 : vector<128x128xf32>
    %lt3A_396 = arith.cmpf olt, %add3A_395, %select_n3A_380 : vector<128x128xf32>
    %select_n3A_397 = arith.select %lt3A_396, %add3A_395, %select_n3A_380 : vector<128x128xi1>, vector<128x128xf32>
    %jit3A_398 = arith.constant 3 : i32
    %broadcast_in_dim3A_399 = vector.broadcast %jit3A_398 : i32 to vector<128x128xi32>
    %select_n3A_400 = arith.select %lt3A_396, %broadcast_in_dim3A_399, %select_n3A_383 : vector<128x128xi1>, vector<128x128xi32>
    %slice3A_401 = vector.extract_strided_slice %dot_general3A_17 {offsets = [128, 512], sizes = [128, 128], strides = [1, 1]} : vector<1024x2048xf32> to vector<128x128xf32>
    %add3A_402 = vector.broadcast %get3A_337 : vector<128x1xf32> to vector<128x128xf32>
    %add3A_403 = arith.addf %slice3A_401, %add3A_402 : vector<128x128xf32>
    %mul3A_404 = arith.constant 2048 : i32
    %mul3A_405 = arith.muli %arg1, %mul3A_404 : i32
    %add3A_406 = arith.constant 512 : i32
    %add3A_407 = arith.addi %mul3A_405, %add3A_406 : i32
    %get3A_408 = arith.constant 0 : index
    %get3A_409 = arith.index_cast %add3A_407 : i32 to index
    %get3A_410 = vector.load %arg4[%get3A_408, %get3A_409] : memref<1x8192xf32, #tpu.memory_space<vmem>>, vector<1x128xf32>
    %add3A_411 = vector.broadcast %get3A_410 : vector<1x128xf32> to vector<128x128xf32>
    %add3A_412 = arith.addf %add3A_403, %add3A_411 : vector<128x128xf32>
    %lt3A_413 = arith.cmpf olt, %add3A_412, %select_n3A_397 : vector<128x128xf32>
    %select_n3A_414 = arith.select %lt3A_413, %add3A_412, %select_n3A_397 : vector<128x128xi1>, vector<128x128xf32>
    %jit3A_415 = arith.constant 4 : i32
    %broadcast_in_dim3A_416 = vector.broadcast %jit3A_415 : i32 to vector<128x128xi32>
    %select_n3A_417 = arith.select %lt3A_413, %broadcast_in_dim3A_416, %select_n3A_400 : vector<128x128xi1>, vector<128x128xi32>
    %slice3A_418 = vector.extract_strided_slice %dot_general3A_17 {offsets = [128, 640], sizes = [128, 128], strides = [1, 1]} : vector<1024x2048xf32> to vector<128x128xf32>
    %add3A_419 = vector.broadcast %get3A_337 : vector<128x1xf32> to vector<128x128xf32>
    %add3A_420 = arith.addf %slice3A_418, %add3A_419 : vector<128x128xf32>
    %mul3A_421 = arith.constant 2048 : i32
    %mul3A_422 = arith.muli %arg1, %mul3A_421 : i32
    %add3A_423 = arith.constant 640 : i32
    %add3A_424 = arith.addi %mul3A_422, %add3A_423 : i32
    %get3A_425 = arith.constant 0 : index
    %get3A_426 = arith.index_cast %add3A_424 : i32 to index
    %get3A_427 = vector.load %arg4[%get3A_425, %get3A_426] : memref<1x8192xf32, #tpu.memory_space<vmem>>, vector<1x128xf32>
    %add3A_428 = vector.broadcast %get3A_427 : vector<1x128xf32> to vector<128x128xf32>
    %add3A_429 = arith.addf %add3A_420, %add3A_428 : vector<128x128xf32>
    %lt3A_430 = arith.cmpf olt, %add3A_429, %select_n3A_414 : vector<128x128xf32>
    %select_n3A_431 = arith.select %lt3A_430, %add3A_429, %select_n3A_414 : vector<128x128xi1>, vector<128x128xf32>
    %jit3A_432 = arith.constant 5 : i32
    %broadcast_in_dim3A_433 = vector.broadcast %jit3A_432 : i32 to vector<128x128xi32>
    %select_n3A_434 = arith.select %lt3A_430, %broadcast_in_dim3A_433, %select_n3A_417 : vector<128x128xi1>, vector<128x128xi32>
    %slice3A_435 = vector.extract_strided_slice %dot_general3A_17 {offsets = [128, 768], sizes = [128, 128], strides = [1, 1]} : vector<1024x2048xf32> to vector<128x128xf32>
    %add3A_436 = vector.broadcast %get3A_337 : vector<128x1xf32> to vector<128x128xf32>
    %add3A_437 = arith.addf %slice3A_435, %add3A_436 : vector<128x128xf32>
    %mul3A_438 = arith.constant 2048 : i32
    %mul3A_439 = arith.muli %arg1, %mul3A_438 : i32
    %add3A_440 = arith.constant 768 : i32
    %add3A_441 = arith.addi %mul3A_439, %add3A_440 : i32
    %get3A_442 = arith.constant 0 : index
    %get3A_443 = arith.index_cast %add3A_441 : i32 to index
    %get3A_444 = vector.load %arg4[%get3A_442, %get3A_443] : memref<1x8192xf32, #tpu.memory_space<vmem>>, vector<1x128xf32>
    %add3A_445 = vector.broadcast %get3A_444 : vector<1x128xf32> to vector<128x128xf32>
    %add3A_446 = arith.addf %add3A_437, %add3A_445 : vector<128x128xf32>
    %lt3A_447 = arith.cmpf olt, %add3A_446, %select_n3A_431 : vector<128x128xf32>
    %select_n3A_448 = arith.select %lt3A_447, %add3A_446, %select_n3A_431 : vector<128x128xi1>, vector<128x128xf32>
    %jit3A_449 = arith.constant 6 : i32
    %broadcast_in_dim3A_450 = vector.broadcast %jit3A_449 : i32 to vector<128x128xi32>
    %select_n3A_451 = arith.select %lt3A_447, %broadcast_in_dim3A_450, %select_n3A_434 : vector<128x128xi1>, vector<128x128xi32>
    %slice3A_452 = vector.extract_strided_slice %dot_general3A_17 {offsets = [128, 896], sizes = [128, 128], strides = [1, 1]} : vector<1024x2048xf32> to vector<128x128xf32>
    %add3A_453 = vector.broadcast %get3A_337 : vector<128x1xf32> to vector<128x128xf32>
    %add3A_454 = arith.addf %slice3A_452, %add3A_453 : vector<128x128xf32>
    %mul3A_455 = arith.constant 2048 : i32
    %mul3A_456 = arith.muli %arg1, %mul3A_455 : i32
    %add3A_457 = arith.constant 896 : i32
    %add3A_458 = arith.addi %mul3A_456, %add3A_457 : i32
    %get3A_459 = arith.constant 0 : index
    %get3A_460 = arith.index_cast %add3A_458 : i32 to index
    %get3A_461 = vector.load %arg4[%get3A_459, %get3A_460] : memref<1x8192xf32, #tpu.memory_space<vmem>>, vector<1x128xf32>
    %add3A_462 = vector.broadcast %get3A_461 : vector<1x128xf32> to vector<128x128xf32>
    %add3A_463 = arith.addf %add3A_454, %add3A_462 : vector<128x128xf32>
    %lt3A_464 = arith.cmpf olt, %add3A_463, %select_n3A_448 : vector<128x128xf32>
    %select_n3A_465 = arith.select %lt3A_464, %add3A_463, %select_n3A_448 : vector<128x128xi1>, vector<128x128xf32>
    %jit3A_466 = arith.constant 7 : i32
    %broadcast_in_dim3A_467 = vector.broadcast %jit3A_466 : i32 to vector<128x128xi32>
    %select_n3A_468 = arith.select %lt3A_464, %broadcast_in_dim3A_467, %select_n3A_451 : vector<128x128xi1>, vector<128x128xi32>
    %slice3A_469 = vector.extract_strided_slice %dot_general3A_17 {offsets = [128, 1024], sizes = [128, 128], strides = [1, 1]} : vector<1024x2048xf32> to vector<128x128xf32>
    %add3A_470 = vector.broadcast %get3A_337 : vector<128x1xf32> to vector<128x128xf32>
    %add3A_471 = arith.addf %slice3A_469, %add3A_470 : vector<128x128xf32>
    %mul3A_472 = arith.constant 2048 : i32
    %mul3A_473 = arith.muli %arg1, %mul3A_472 : i32
    %add3A_474 = arith.constant 1024 : i32
    %add3A_475 = arith.addi %mul3A_473, %add3A_474 : i32
    %get3A_476 = arith.constant 0 : index
    %get3A_477 = arith.index_cast %add3A_475 : i32 to index
    %get3A_478 = vector.load %arg4[%get3A_476, %get3A_477] : memref<1x8192xf32, #tpu.memory_space<vmem>>, vector<1x128xf32>
    %add3A_479 = vector.broadcast %get3A_478 : vector<1x128xf32> to vector<128x128xf32>
    %add3A_480 = arith.addf %add3A_471, %add3A_479 : vector<128x128xf32>
    %lt3A_481 = arith.cmpf olt, %add3A_480, %select_n3A_465 : vector<128x128xf32>
    %select_n3A_482 = arith.select %lt3A_481, %add3A_480, %select_n3A_465 : vector<128x128xi1>, vector<128x128xf32>
    %jit3A_483 = arith.constant 8 : i32
    %broadcast_in_dim3A_484 = vector.broadcast %jit3A_483 : i32 to vector<128x128xi32>
    %select_n3A_485 = arith.select %lt3A_481, %broadcast_in_dim3A_484, %select_n3A_468 : vector<128x128xi1>, vector<128x128xi32>
    %slice3A_486 = vector.extract_strided_slice %dot_general3A_17 {offsets = [128, 1152], sizes = [128, 128], strides = [1, 1]} : vector<1024x2048xf32> to vector<128x128xf32>
    %add3A_487 = vector.broadcast %get3A_337 : vector<128x1xf32> to vector<128x128xf32>
    %add3A_488 = arith.addf %slice3A_486, %add3A_487 : vector<128x128xf32>
    %mul3A_489 = arith.constant 2048 : i32
    %mul3A_490 = arith.muli %arg1, %mul3A_489 : i32
    %add3A_491 = arith.constant 1152 : i32
    %add3A_492 = arith.addi %mul3A_490, %add3A_491 : i32
    %get3A_493 = arith.constant 0 : index
    %get3A_494 = arith.index_cast %add3A_492 : i32 to index
    %get3A_495 = vector.load %arg4[%get3A_493, %get3A_494] : memref<1x8192xf32, #tpu.memory_space<vmem>>, vector<1x128xf32>
    %add3A_496 = vector.broadcast %get3A_495 : vector<1x128xf32> to vector<128x128xf32>
    %add3A_497 = arith.addf %add3A_488, %add3A_496 : vector<128x128xf32>
    %lt3A_498 = arith.cmpf olt, %add3A_497, %select_n3A_482 : vector<128x128xf32>
    %select_n3A_499 = arith.select %lt3A_498, %add3A_497, %select_n3A_482 : vector<128x128xi1>, vector<128x128xf32>
    %jit3A_500 = arith.constant 9 : i32
    %broadcast_in_dim3A_501 = vector.broadcast %jit3A_500 : i32 to vector<128x128xi32>
    %select_n3A_502 = arith.select %lt3A_498, %broadcast_in_dim3A_501, %select_n3A_485 : vector<128x128xi1>, vector<128x128xi32>
    %slice3A_503 = vector.extract_strided_slice %dot_general3A_17 {offsets = [128, 1280], sizes = [128, 128], strides = [1, 1]} : vector<1024x2048xf32> to vector<128x128xf32>
    %add3A_504 = vector.broadcast %get3A_337 : vector<128x1xf32> to vector<128x128xf32>
    %add3A_505 = arith.addf %slice3A_503, %add3A_504 : vector<128x128xf32>
    %mul3A_506 = arith.constant 2048 : i32
    %mul3A_507 = arith.muli %arg1, %mul3A_506 : i32
    %add3A_508 = arith.constant 1280 : i32
    %add3A_509 = arith.addi %mul3A_507, %add3A_508 : i32
    %get3A_510 = arith.constant 0 : index
    %get3A_511 = arith.index_cast %add3A_509 : i32 to index
    %get3A_512 = vector.load %arg4[%get3A_510, %get3A_511] : memref<1x8192xf32, #tpu.memory_space<vmem>>, vector<1x128xf32>
    %add3A_513 = vector.broadcast %get3A_512 : vector<1x128xf32> to vector<128x128xf32>
    %add3A_514 = arith.addf %add3A_505, %add3A_513 : vector<128x128xf32>
    %lt3A_515 = arith.cmpf olt, %add3A_514, %select_n3A_499 : vector<128x128xf32>
    %select_n3A_516 = arith.select %lt3A_515, %add3A_514, %select_n3A_499 : vector<128x128xi1>, vector<128x128xf32>
    %jit3A_517 = arith.constant 10 : i32
    %broadcast_in_dim3A_518 = vector.broadcast %jit3A_517 : i32 to vector<128x128xi32>
    %select_n3A_519 = arith.select %lt3A_515, %broadcast_in_dim3A_518, %select_n3A_502 : vector<128x128xi1>, vector<128x128xi32>
    %slice3A_520 = vector.extract_strided_slice %dot_general3A_17 {offsets = [128, 1408], sizes = [128, 128], strides = [1, 1]} : vector<1024x2048xf32> to vector<128x128xf32>
    %add3A_521 = vector.broadcast %get3A_337 : vector<128x1xf32> to vector<128x128xf32>
    %add3A_522 = arith.addf %slice3A_520, %add3A_521 : vector<128x128xf32>
    %mul3A_523 = arith.constant 2048 : i32
    %mul3A_524 = arith.muli %arg1, %mul3A_523 : i32
    %add3A_525 = arith.constant 1408 : i32
    %add3A_526 = arith.addi %mul3A_524, %add3A_525 : i32
    %get3A_527 = arith.constant 0 : index
    %get3A_528 = arith.index_cast %add3A_526 : i32 to index
    %get3A_529 = vector.load %arg4[%get3A_527, %get3A_528] : memref<1x8192xf32, #tpu.memory_space<vmem>>, vector<1x128xf32>
    %add3A_530 = vector.broadcast %get3A_529 : vector<1x128xf32> to vector<128x128xf32>
    %add3A_531 = arith.addf %add3A_522, %add3A_530 : vector<128x128xf32>
    %lt3A_532 = arith.cmpf olt, %add3A_531, %select_n3A_516 : vector<128x128xf32>
    %select_n3A_533 = arith.select %lt3A_532, %add3A_531, %select_n3A_516 : vector<128x128xi1>, vector<128x128xf32>
    %jit3A_534 = arith.constant 11 : i32
    %broadcast_in_dim3A_535 = vector.broadcast %jit3A_534 : i32 to vector<128x128xi32>
    %select_n3A_536 = arith.select %lt3A_532, %broadcast_in_dim3A_535, %select_n3A_519 : vector<128x128xi1>, vector<128x128xi32>
    %slice3A_537 = vector.extract_strided_slice %dot_general3A_17 {offsets = [128, 1536], sizes = [128, 128], strides = [1, 1]} : vector<1024x2048xf32> to vector<128x128xf32>
    %add3A_538 = vector.broadcast %get3A_337 : vector<128x1xf32> to vector<128x128xf32>
    %add3A_539 = arith.addf %slice3A_537, %add3A_538 : vector<128x128xf32>
    %mul3A_540 = arith.constant 2048 : i32
    %mul3A_541 = arith.muli %arg1, %mul3A_540 : i32
    %add3A_542 = arith.constant 1536 : i32
    %add3A_543 = arith.addi %mul3A_541, %add3A_542 : i32
    %get3A_544 = arith.constant 0 : index
    %get3A_545 = arith.index_cast %add3A_543 : i32 to index
    %get3A_546 = vector.load %arg4[%get3A_544, %get3A_545] : memref<1x8192xf32, #tpu.memory_space<vmem>>, vector<1x128xf32>
    %add3A_547 = vector.broadcast %get3A_546 : vector<1x128xf32> to vector<128x128xf32>
    %add3A_548 = arith.addf %add3A_539, %add3A_547 : vector<128x128xf32>
    %lt3A_549 = arith.cmpf olt, %add3A_548, %select_n3A_533 : vector<128x128xf32>
    %select_n3A_550 = arith.select %lt3A_549, %add3A_548, %select_n3A_533 : vector<128x128xi1>, vector<128x128xf32>
    %jit3A_551 = arith.constant 12 : i32
    %broadcast_in_dim3A_552 = vector.broadcast %jit3A_551 : i32 to vector<128x128xi32>
    %select_n3A_553 = arith.select %lt3A_549, %broadcast_in_dim3A_552, %select_n3A_536 : vector<128x128xi1>, vector<128x128xi32>
    %slice3A_554 = vector.extract_strided_slice %dot_general3A_17 {offsets = [128, 1664], sizes = [128, 128], strides = [1, 1]} : vector<1024x2048xf32> to vector<128x128xf32>
    %add3A_555 = vector.broadcast %get3A_337 : vector<128x1xf32> to vector<128x128xf32>
    %add3A_556 = arith.addf %slice3A_554, %add3A_555 : vector<128x128xf32>
    %mul3A_557 = arith.constant 2048 : i32
    %mul3A_558 = arith.muli %arg1, %mul3A_557 : i32
    %add3A_559 = arith.constant 1664 : i32
    %add3A_560 = arith.addi %mul3A_558, %add3A_559 : i32
    %get3A_561 = arith.constant 0 : index
    %get3A_562 = arith.index_cast %add3A_560 : i32 to index
    %get3A_563 = vector.load %arg4[%get3A_561, %get3A_562] : memref<1x8192xf32, #tpu.memory_space<vmem>>, vector<1x128xf32>
    %add3A_564 = vector.broadcast %get3A_563 : vector<1x128xf32> to vector<128x128xf32>
    %add3A_565 = arith.addf %add3A_556, %add3A_564 : vector<128x128xf32>
    %lt3A_566 = arith.cmpf olt, %add3A_565, %select_n3A_550 : vector<128x128xf32>
    %select_n3A_567 = arith.select %lt3A_566, %add3A_565, %select_n3A_550 : vector<128x128xi1>, vector<128x128xf32>
    %jit3A_568 = arith.constant 13 : i32
    %broadcast_in_dim3A_569 = vector.broadcast %jit3A_568 : i32 to vector<128x128xi32>
    %select_n3A_570 = arith.select %lt3A_566, %broadcast_in_dim3A_569, %select_n3A_553 : vector<128x128xi1>, vector<128x128xi32>
    %slice3A_571 = vector.extract_strided_slice %dot_general3A_17 {offsets = [128, 1792], sizes = [128, 128], strides = [1, 1]} : vector<1024x2048xf32> to vector<128x128xf32>
    %add3A_572 = vector.broadcast %get3A_337 : vector<128x1xf32> to vector<128x128xf32>
    %add3A_573 = arith.addf %slice3A_571, %add3A_572 : vector<128x128xf32>
    %mul3A_574 = arith.constant 2048 : i32
    %mul3A_575 = arith.muli %arg1, %mul3A_574 : i32
    %add3A_576 = arith.constant 1792 : i32
    %add3A_577 = arith.addi %mul3A_575, %add3A_576 : i32
    %get3A_578 = arith.constant 0 : index
    %get3A_579 = arith.index_cast %add3A_577 : i32 to index
    %get3A_580 = vector.load %arg4[%get3A_578, %get3A_579] : memref<1x8192xf32, #tpu.memory_space<vmem>>, vector<1x128xf32>
    %add3A_581 = vector.broadcast %get3A_580 : vector<1x128xf32> to vector<128x128xf32>
    %add3A_582 = arith.addf %add3A_573, %add3A_581 : vector<128x128xf32>
    %lt3A_583 = arith.cmpf olt, %add3A_582, %select_n3A_567 : vector<128x128xf32>
    %select_n3A_584 = arith.select %lt3A_583, %add3A_582, %select_n3A_567 : vector<128x128xi1>, vector<128x128xf32>
    %jit3A_585 = arith.constant 14 : i32
    %broadcast_in_dim3A_586 = vector.broadcast %jit3A_585 : i32 to vector<128x128xi32>
    %select_n3A_587 = arith.select %lt3A_583, %broadcast_in_dim3A_586, %select_n3A_570 : vector<128x128xi1>, vector<128x128xi32>
    %slice3A_588 = vector.extract_strided_slice %dot_general3A_17 {offsets = [128, 1920], sizes = [128, 128], strides = [1, 1]} : vector<1024x2048xf32> to vector<128x128xf32>
    %add3A_589 = vector.broadcast %get3A_337 : vector<128x1xf32> to vector<128x128xf32>
    %add3A_590 = arith.addf %slice3A_588, %add3A_589 : vector<128x128xf32>
    %mul3A_591 = arith.constant 2048 : i32
    %mul3A_592 = arith.muli %arg1, %mul3A_591 : i32
    %add3A_593 = arith.constant 1920 : i32
    %add3A_594 = arith.addi %mul3A_592, %add3A_593 : i32
    %get3A_595 = arith.constant 0 : index
    %get3A_596 = arith.index_cast %add3A_594 : i32 to index
    %get3A_597 = vector.load %arg4[%get3A_595, %get3A_596] : memref<1x8192xf32, #tpu.memory_space<vmem>>, vector<1x128xf32>
    %add3A_598 = vector.broadcast %get3A_597 : vector<1x128xf32> to vector<128x128xf32>
    %add3A_599 = arith.addf %add3A_590, %add3A_598 : vector<128x128xf32>
    %lt3A_600 = arith.cmpf olt, %add3A_599, %select_n3A_584 : vector<128x128xf32>
    %select_n3A_601 = arith.select %lt3A_600, %add3A_599, %select_n3A_584 : vector<128x128xi1>, vector<128x128xf32>
    %jit3A_602 = arith.constant 15 : i32
    %broadcast_in_dim3A_603 = vector.broadcast %jit3A_602 : i32 to vector<128x128xi32>
    %select_n3A_604 = arith.select %lt3A_600, %broadcast_in_dim3A_603, %select_n3A_587 : vector<128x128xi1>, vector<128x128xi32>
    %reduce_min3A_605 = arith.constant dense<0x7F800000> : vector<128xf32>
    %reduce_min3A_606 = vector.multi_reduction <minimumf>, %select_n3A_601, %reduce_min3A_605 [1] : vector<128x128xf32> to vector<128xf32>
    %broadcast_in_dim3A_607 = vector.shape_cast %reduce_min3A_606 : vector<128xf32> to vector<128x1xf32>
    %mul3A_608 = arith.constant 128 : i32
    %mul3A_609 = vector.broadcast %mul3A_608 : i32 to vector<128x128xi32>
    %mul3A_610 = arith.muli %select_n3A_604, %mul3A_609 : vector<128x128xi32>
    %add3A_611 = arith.addi %mul3A_610, %iota3A : vector<128x128xi32>
    %eq3A_612 = vector.broadcast %broadcast_in_dim3A_607 : vector<128x1xf32> to vector<128x128xf32>
    %eq3A_613 = arith.cmpf oeq, %select_n3A_601, %eq3A_612 : vector<128x128xf32>
    %jit3A_614 = arith.constant 8192 : i32
    %broadcast_in_dim3A_615 = vector.broadcast %jit3A_614 : i32 to vector<128x128xi32>
    %select_n3A_616 = arith.select %eq3A_613, %add3A_611, %broadcast_in_dim3A_615 : vector<128x128xi1>, vector<128x128xi32>
    %reduce_min3A_617 = arith.constant dense<2147483647> : vector<128xi32>
    %reduce_min3A_618 = vector.multi_reduction <minsi>, %select_n3A_616, %reduce_min3A_617 [1] : vector<128x128xi32> to vector<128xi32>
    %broadcast_in_dim3A_619 = vector.shape_cast %reduce_min3A_618 : vector<128xi32> to vector<128x1xi32>
    %mul3A_620 = arith.constant 2048 : i32
    %mul3A_621 = arith.muli %arg1, %mul3A_620 : i32
    %add3A_622 = vector.broadcast %mul3A_621 : i32 to vector<128x1xi32>
    %add3A_623 = arith.addi %broadcast_in_dim3A_619, %add3A_622 : vector<128x1xi32>
    %get3A_624 = arith.constant 128 : index
    %get3A_625 = arith.constant 0 : index
    %get3A_626 = vector.load %arg11[%get3A_624, %get3A_625] : memref<1024x1xf32, #tpu.memory_space<vmem>>, vector<128x1xf32>
    %lt3A_627 = arith.cmpf olt, %broadcast_in_dim3A_607, %get3A_626 : vector<128x1xf32>
    %bitcast_convert_type3A_628 = tpu.bitcast %broadcast_in_dim3A_607 : vector<128x1xf32> -> vector<128x1xi32>
    %shift_right_logical3A_629 = arith.constant 16 : i32
    %shift_right_logical3A_630 = vector.broadcast %shift_right_logical3A_629 : i32 to vector<128x1xi32>
    %shift_right_logical3A_631 = arith.shrui %bitcast_convert_type3A_628, %shift_right_logical3A_630 : vector<128x1xi32>
    %and3A_632 = arith.constant 1 : i32
    %and3A_633 = vector.broadcast %and3A_632 : i32 to vector<128x1xi32>
    %and3A_634 = arith.andi %shift_right_logical3A_631, %and3A_633 : vector<128x1xi32>
    %add3A_635 = arith.addi %bitcast_convert_type3A_628, %and3A_634 : vector<128x1xi32>
    %add3A_636 = arith.constant 32767 : i32
    %add3A_637 = vector.broadcast %add3A_636 : i32 to vector<128x1xi32>
    %add3A_638 = arith.addi %add3A_635, %add3A_637 : vector<128x1xi32>
    %and3A_639 = arith.constant -65536 : i32
    %and3A_640 = vector.broadcast %and3A_639 : i32 to vector<128x1xi32>
    %and3A_641 = arith.andi %add3A_638, %and3A_640 : vector<128x1xi32>
    %bitcast_convert_type3A_642 = tpu.bitcast %and3A_641 : vector<128x1xi32> -> vector<128x1xf32>
    %select_n3A_643 = arith.select %lt3A_627, %bitcast_convert_type3A_642, %get3A_626 : vector<128x1xi1>, vector<128x1xf32>
    %swap3A_644 = arith.constant 128 : index
    %swap3A_645 = arith.constant 0 : index
    %swap3A_646 = vector.load %arg11[%swap3A_644, %swap3A_645] : memref<1024x1xf32, #tpu.memory_space<vmem>>, vector<128x1xf32>
    tpu.vector_store %arg11[%swap3A_644, %swap3A_645], %select_n3A_643 {strides = array<i32>} : memref<1024x1xf32, #tpu.memory_space<vmem>>, vector<128x1xf32>,
    %get3A_647 = arith.constant 128 : index
    %get3A_648 = arith.constant 0 : index
    %get3A_649 = vector.load %arg12[%get3A_647, %get3A_648] : memref<1024x1xi32, #tpu.memory_space<vmem>>, vector<128x1xi32>
    %select_n3A_650 = arith.select %lt3A_627, %add3A_623, %get3A_649 : vector<128x1xi1>, vector<128x1xi32>
    %swap3A_651 = arith.constant 128 : index
    %swap3A_652 = arith.constant 0 : index
    %swap3A_653 = vector.load %arg12[%swap3A_651, %swap3A_652] : memref<1024x1xi32, #tpu.memory_space<vmem>>, vector<128x1xi32>
    tpu.vector_store %arg12[%swap3A_651, %swap3A_652], %select_n3A_650 {strides = array<i32>} : memref<1024x1xi32, #tpu.memory_space<vmem>>, vector<128x1xi32>,
    %mul3A_654 = arith.constant 1024 : i32
    %mul3A_655 = arith.muli %arg0, %mul3A_654 : i32
    %add3A_656 = arith.constant 256 : i32
    %add3A_657 = arith.addi %mul3A_655, %add3A_656 : i32
    %get3A_658 = arith.index_cast %add3A_657 : i32 to index
    %get3A_659 = arith.constant 0 : index
    %get3A_660 = vector.load %arg3[%get3A_658, %get3A_659] : memref<8192x1xf32, #tpu.memory_space<vmem>>, vector<128x1xf32>
    %slice3A_661 = vector.extract_strided_slice %dot_general3A_17 {offsets = [256, 0], sizes = [128, 128], strides = [1, 1]} : vector<1024x2048xf32> to vector<128x128xf32>
    %add3A_662 = vector.broadcast %get3A_660 : vector<128x1xf32> to vector<128x128xf32>
    %add3A_663 = arith.addf %slice3A_661, %add3A_662 : vector<128x128xf32>
    %mul3A_664 = arith.constant 2048 : i32
    %mul3A_665 = arith.muli %arg1, %mul3A_664 : i32
    %get3A_666 = arith.constant 0 : index
    %get3A_667 = arith.index_cast %mul3A_665 : i32 to index
    %get3A_668 = vector.load %arg4[%get3A_666, %get3A_667] : memref<1x8192xf32, #tpu.memory_space<vmem>>, vector<1x128xf32>
    %add3A_669 = vector.broadcast %get3A_668 : vector<1x128xf32> to vector<128x128xf32>
    %add3A_670 = arith.addf %add3A_663, %add3A_669 : vector<128x128xf32>
    %broadcast_in_dim3A_671 = arith.constant 0 : i32
    %broadcast_in_dim3A_672 = vector.broadcast %broadcast_in_dim3A_671 : i32 to vector<128x128xi32>
    %slice3A_673 = vector.extract_strided_slice %dot_general3A_17 {offsets = [256, 128], sizes = [128, 128], strides = [1, 1]} : vector<1024x2048xf32> to vector<128x128xf32>
    %add3A_674 = vector.broadcast %get3A_660 : vector<128x1xf32> to vector<128x128xf32>
    %add3A_675 = arith.addf %slice3A_673, %add3A_674 : vector<128x128xf32>
    %mul3A_676 = arith.constant 2048 : i32
    %mul3A_677 = arith.muli %arg1, %mul3A_676 : i32
    %add3A_678 = arith.constant 128 : i32
    %add3A_679 = arith.addi %mul3A_677, %add3A_678 : i32
    %get3A_680 = arith.constant 0 : index
    %get3A_681 = arith.index_cast %add3A_679 : i32 to index
    %get3A_682 = vector.load %arg4[%get3A_680, %get3A_681] : memref<1x8192xf32, #tpu.memory_space<vmem>>, vector<1x128xf32>
    %add3A_683 = vector.broadcast %get3A_682 : vector<1x128xf32> to vector<128x128xf32>
    %add3A_684 = arith.addf %add3A_675, %add3A_683 : vector<128x128xf32>
    %lt3A_685 = arith.cmpf olt, %add3A_684, %add3A_670 : vector<128x128xf32>
    %select_n3A_686 = arith.select %lt3A_685, %add3A_684, %add3A_670 : vector<128x128xi1>, vector<128x128xf32>
    %jit3A_687 = arith.constant 1 : i32
    %broadcast_in_dim3A_688 = vector.broadcast %jit3A_687 : i32 to vector<128x128xi32>
    %select_n3A_689 = arith.select %lt3A_685, %broadcast_in_dim3A_688, %broadcast_in_dim3A_672 : vector<128x128xi1>, vector<128x128xi32>
    %slice3A_690 = vector.extract_strided_slice %dot_general3A_17 {offsets = [256, 256], sizes = [128, 128], strides = [1, 1]} : vector<1024x2048xf32> to vector<128x128xf32>
    %add3A_691 = vector.broadcast %get3A_660 : vector<128x1xf32> to vector<128x128xf32>
    %add3A_692 = arith.addf %slice3A_690, %add3A_691 : vector<128x128xf32>
    %mul3A_693 = arith.constant 2048 : i32
    %mul3A_694 = arith.muli %arg1, %mul3A_693 : i32
    %add3A_695 = arith.constant 256 : i32
    %add3A_696 = arith.addi %mul3A_694, %add3A_695 : i32
    %get3A_697 = arith.constant 0 : index
    %get3A_698 = arith.index_cast %add3A_696 : i32 to index
    %get3A_699 = vector.load %arg4[%get3A_697, %get3A_698] : memref<1x8192xf32, #tpu.memory_space<vmem>>, vector<1x128xf32>
    %add3A_700 = vector.broadcast %get3A_699 : vector<1x128xf32> to vector<128x128xf32>
    %add3A_701 = arith.addf %add3A_692, %add3A_700 : vector<128x128xf32>
    %lt3A_702 = arith.cmpf olt, %add3A_701, %select_n3A_686 : vector<128x128xf32>
    %select_n3A_703 = arith.select %lt3A_702, %add3A_701, %select_n3A_686 : vector<128x128xi1>, vector<128x128xf32>
    %jit3A_704 = arith.constant 2 : i32
    %broadcast_in_dim3A_705 = vector.broadcast %jit3A_704 : i32 to vector<128x128xi32>
    %select_n3A_706 = arith.select %lt3A_702, %broadcast_in_dim3A_705, %select_n3A_689 : vector<128x128xi1>, vector<128x128xi32>
    %slice3A_707 = vector.extract_strided_slice %dot_general3A_17 {offsets = [256, 384], sizes = [128, 128], strides = [1, 1]} : vector<1024x2048xf32> to vector<128x128xf32>
    %add3A_708 = vector.broadcast %get3A_660 : vector<128x1xf32> to vector<128x128xf32>
    %add3A_709 = arith.addf %slice3A_707, %add3A_708 : vector<128x128xf32>
    %mul3A_710 = arith.constant 2048 : i32
    %mul3A_711 = arith.muli %arg1, %mul3A_710 : i32
    %add3A_712 = arith.constant 384 : i32
    %add3A_713 = arith.addi %mul3A_711, %add3A_712 : i32
    %get3A_714 = arith.constant 0 : index
    %get3A_715 = arith.index_cast %add3A_713 : i32 to index
    %get3A_716 = vector.load %arg4[%get3A_714, %get3A_715] : memref<1x8192xf32, #tpu.memory_space<vmem>>, vector<1x128xf32>
    %add3A_717 = vector.broadcast %get3A_716 : vector<1x128xf32> to vector<128x128xf32>
    %add3A_718 = arith.addf %add3A_709, %add3A_717 : vector<128x128xf32>
    %lt3A_719 = arith.cmpf olt, %add3A_718, %select_n3A_703 : vector<128x128xf32>
    %select_n3A_720 = arith.select %lt3A_719, %add3A_718, %select_n3A_703 : vector<128x128xi1>, vector<128x128xf32>
    %jit3A_721 = arith.constant 3 : i32
    %broadcast_in_dim3A_722 = vector.broadcast %jit3A_721 : i32 to vector<128x128xi32>
    %select_n3A_723 = arith.select %lt3A_719, %broadcast_in_dim3A_722, %select_n3A_706 : vector<128x128xi1>, vector<128x128xi32>
    %slice3A_724 = vector.extract_strided_slice %dot_general3A_17 {offsets = [256, 512], sizes = [128, 128], strides = [1, 1]} : vector<1024x2048xf32> to vector<128x128xf32>
    %add3A_725 = vector.broadcast %get3A_660 : vector<128x1xf32> to vector<128x128xf32>
    %add3A_726 = arith.addf %slice3A_724, %add3A_725 : vector<128x128xf32>
    %mul3A_727 = arith.constant 2048 : i32
    %mul3A_728 = arith.muli %arg1, %mul3A_727 : i32
    %add3A_729 = arith.constant 512 : i32
    %add3A_730 = arith.addi %mul3A_728, %add3A_729 : i32
    %get3A_731 = arith.constant 0 : index
    %get3A_732 = arith.index_cast %add3A_730 : i32 to index
    %get3A_733 = vector.load %arg4[%get3A_731, %get3A_732] : memref<1x8192xf32, #tpu.memory_space<vmem>>, vector<1x128xf32>
    %add3A_734 = vector.broadcast %get3A_733 : vector<1x128xf32> to vector<128x128xf32>
    %add3A_735 = arith.addf %add3A_726, %add3A_734 : vector<128x128xf32>
    %lt3A_736 = arith.cmpf olt, %add3A_735, %select_n3A_720 : vector<128x128xf32>
    %select_n3A_737 = arith.select %lt3A_736, %add3A_735, %select_n3A_720 : vector<128x128xi1>, vector<128x128xf32>
    %jit3A_738 = arith.constant 4 : i32
    %broadcast_in_dim3A_739 = vector.broadcast %jit3A_738 : i32 to vector<128x128xi32>
    %select_n3A_740 = arith.select %lt3A_736, %broadcast_in_dim3A_739, %select_n3A_723 : vector<128x128xi1>, vector<128x128xi32>
    %slice3A_741 = vector.extract_strided_slice %dot_general3A_17 {offsets = [256, 640], sizes = [128, 128], strides = [1, 1]} : vector<1024x2048xf32> to vector<128x128xf32>
    %add3A_742 = vector.broadcast %get3A_660 : vector<128x1xf32> to vector<128x128xf32>
    %add3A_743 = arith.addf %slice3A_741, %add3A_742 : vector<128x128xf32>
    %mul3A_744 = arith.constant 2048 : i32
    %mul3A_745 = arith.muli %arg1, %mul3A_744 : i32
    %add3A_746 = arith.constant 640 : i32
    %add3A_747 = arith.addi %mul3A_745, %add3A_746 : i32
    %get3A_748 = arith.constant 0 : index
    %get3A_749 = arith.index_cast %add3A_747 : i32 to index
    %get3A_750 = vector.load %arg4[%get3A_748, %get3A_749] : memref<1x8192xf32, #tpu.memory_space<vmem>>, vector<1x128xf32>
    %add3A_751 = vector.broadcast %get3A_750 : vector<1x128xf32> to vector<128x128xf32>
    %add3A_752 = arith.addf %add3A_743, %add3A_751 : vector<128x128xf32>
    %lt3A_753 = arith.cmpf olt, %add3A_752, %select_n3A_737 : vector<128x128xf32>
    %select_n3A_754 = arith.select %lt3A_753, %add3A_752, %select_n3A_737 : vector<128x128xi1>, vector<128x128xf32>
    %jit3A_755 = arith.constant 5 : i32
    %broadcast_in_dim3A_756 = vector.broadcast %jit3A_755 : i32 to vector<128x128xi32>
    %select_n3A_757 = arith.select %lt3A_753, %broadcast_in_dim3A_756, %select_n3A_740 : vector<128x128xi1>, vector<128x128xi32>
    %slice3A_758 = vector.extract_strided_slice %dot_general3A_17 {offsets = [256, 768], sizes = [128, 128], strides = [1, 1]} : vector<1024x2048xf32> to vector<128x128xf32>
    %add3A_759 = vector.broadcast %get3A_660 : vector<128x1xf32> to vector<128x128xf32>
    %add3A_760 = arith.addf %slice3A_758, %add3A_759 : vector<128x128xf32>
    %mul3A_761 = arith.constant 2048 : i32
    %mul3A_762 = arith.muli %arg1, %mul3A_761 : i32
    %add3A_763 = arith.constant 768 : i32
    %add3A_764 = arith.addi %mul3A_762, %add3A_763 : i32
    %get3A_765 = arith.constant 0 : index
    %get3A_766 = arith.index_cast %add3A_764 : i32 to index
    %get3A_767 = vector.load %arg4[%get3A_765, %get3A_766] : memref<1x8192xf32, #tpu.memory_space<vmem>>, vector<1x128xf32>
    %add3A_768 = vector.broadcast %get3A_767 : vector<1x128xf32> to vector<128x128xf32>
    %add3A_769 = arith.addf %add3A_760, %add3A_768 : vector<128x128xf32>
    %lt3A_770 = arith.cmpf olt, %add3A_769, %select_n3A_754 : vector<128x128xf32>
    %select_n3A_771 = arith.select %lt3A_770, %add3A_769, %select_n3A_754 : vector<128x128xi1>, vector<128x128xf32>
    %jit3A_772 = arith.constant 6 : i32
    %broadcast_in_dim3A_773 = vector.broadcast %jit3A_772 : i32 to vector<128x128xi32>
    %select_n3A_774 = arith.select %lt3A_770, %broadcast_in_dim3A_773, %select_n3A_757 : vector<128x128xi1>, vector<128x128xi32>
    %slice3A_775 = vector.extract_strided_slice %dot_general3A_17 {offsets = [256, 896], sizes = [128, 128], strides = [1, 1]} : vector<1024x2048xf32> to vector<128x128xf32>
    %add3A_776 = vector.broadcast %get3A_660 : vector<128x1xf32> to vector<128x128xf32>
    %add3A_777 = arith.addf %slice3A_775, %add3A_776 : vector<128x128xf32>
    %mul3A_778 = arith.constant 2048 : i32
    %mul3A_779 = arith.muli %arg1, %mul3A_778 : i32
    %add3A_780 = arith.constant 896 : i32
    %add3A_781 = arith.addi %mul3A_779, %add3A_780 : i32
    %get3A_782 = arith.constant 0 : index
    %get3A_783 = arith.index_cast %add3A_781 : i32 to index
    %get3A_784 = vector.load %arg4[%get3A_782, %get3A_783] : memref<1x8192xf32, #tpu.memory_space<vmem>>, vector<1x128xf32>
    %add3A_785 = vector.broadcast %get3A_784 : vector<1x128xf32> to vector<128x128xf32>
    %add3A_786 = arith.addf %add3A_777, %add3A_785 : vector<128x128xf32>
    %lt3A_787 = arith.cmpf olt, %add3A_786, %select_n3A_771 : vector<128x128xf32>
    %select_n3A_788 = arith.select %lt3A_787, %add3A_786, %select_n3A_771 : vector<128x128xi1>, vector<128x128xf32>
    %jit3A_789 = arith.constant 7 : i32
    %broadcast_in_dim3A_790 = vector.broadcast %jit3A_789 : i32 to vector<128x128xi32>
    %select_n3A_791 = arith.select %lt3A_787, %broadcast_in_dim3A_790, %select_n3A_774 : vector<128x128xi1>, vector<128x128xi32>
    %slice3A_792 = vector.extract_strided_slice %dot_general3A_17 {offsets = [256, 1024], sizes = [128, 128], strides = [1, 1]} : vector<1024x2048xf32> to vector<128x128xf32>
    %add3A_793 = vector.broadcast %get3A_660 : vector<128x1xf32> to vector<128x128xf32>
    %add3A_794 = arith.addf %slice3A_792, %add3A_793 : vector<128x128xf32>
    %mul3A_795 = arith.constant 2048 : i32
    %mul3A_796 = arith.muli %arg1, %mul3A_795 : i32
    %add3A_797 = arith.constant 1024 : i32
    %add3A_798 = arith.addi %mul3A_796, %add3A_797 : i32
    %get3A_799 = arith.constant 0 : index
    %get3A_800 = arith.index_cast %add3A_798 : i32 to index
    %get3A_801 = vector.load %arg4[%get3A_799, %get3A_800] : memref<1x8192xf32, #tpu.memory_space<vmem>>, vector<1x128xf32>
    %add3A_802 = vector.broadcast %get3A_801 : vector<1x128xf32> to vector<128x128xf32>
    %add3A_803 = arith.addf %add3A_794, %add3A_802 : vector<128x128xf32>
    %lt3A_804 = arith.cmpf olt, %add3A_803, %select_n3A_788 : vector<128x128xf32>
    %select_n3A_805 = arith.select %lt3A_804, %add3A_803, %select_n3A_788 : vector<128x128xi1>, vector<128x128xf32>
    %jit3A_806 = arith.constant 8 : i32
    %broadcast_in_dim3A_807 = vector.broadcast %jit3A_806 : i32 to vector<128x128xi32>
    %select_n3A_808 = arith.select %lt3A_804, %broadcast_in_dim3A_807, %select_n3A_791 : vector<128x128xi1>, vector<128x128xi32>
    %slice3A_809 = vector.extract_strided_slice %dot_general3A_17 {offsets = [256, 1152], sizes = [128, 128], strides = [1, 1]} : vector<1024x2048xf32> to vector<128x128xf32>
    %add3A_810 = vector.broadcast %get3A_660 : vector<128x1xf32> to vector<128x128xf32>
    %add3A_811 = arith.addf %slice3A_809, %add3A_810 : vector<128x128xf32>
    %mul3A_812 = arith.constant 2048 : i32
    %mul3A_813 = arith.muli %arg1, %mul3A_812 : i32
    %add3A_814 = arith.constant 1152 : i32
    %add3A_815 = arith.addi %mul3A_813, %add3A_814 : i32
    %get3A_816 = arith.constant 0 : index
    %get3A_817 = arith.index_cast %add3A_815 : i32 to index
    %get3A_818 = vector.load %arg4[%get3A_816, %get3A_817] : memref<1x8192xf32, #tpu.memory_space<vmem>>, vector<1x128xf32>
    %add3A_819 = vector.broadcast %get3A_818 : vector<1x128xf32> to vector<128x128xf32>
    %add3A_820 = arith.addf %add3A_811, %add3A_819 : vector<128x128xf32>
    %lt3A_821 = arith.cmpf olt, %add3A_820, %select_n3A_805 : vector<128x128xf32>
    %select_n3A_822 = arith.select %lt3A_821, %add3A_820, %select_n3A_805 : vector<128x128xi1>, vector<128x128xf32>
    %jit3A_823 = arith.constant 9 : i32
    %broadcast_in_dim3A_824 = vector.broadcast %jit3A_823 : i32 to vector<128x128xi32>
    %select_n3A_825 = arith.select %lt3A_821, %broadcast_in_dim3A_824, %select_n3A_808 : vector<128x128xi1>, vector<128x128xi32>
    %slice3A_826 = vector.extract_strided_slice %dot_general3A_17 {offsets = [256, 1280], sizes = [128, 128], strides = [1, 1]} : vector<1024x2048xf32> to vector<128x128xf32>
    %add3A_827 = vector.broadcast %get3A_660 : vector<128x1xf32> to vector<128x128xf32>
    %add3A_828 = arith.addf %slice3A_826, %add3A_827 : vector<128x128xf32>
    %mul3A_829 = arith.constant 2048 : i32
    %mul3A_830 = arith.muli %arg1, %mul3A_829 : i32
    %add3A_831 = arith.constant 1280 : i32
    %add3A_832 = arith.addi %mul3A_830, %add3A_831 : i32
    %get3A_833 = arith.constant 0 : index
    %get3A_834 = arith.index_cast %add3A_832 : i32 to index
    %get3A_835 = vector.load %arg4[%get3A_833, %get3A_834] : memref<1x8192xf32, #tpu.memory_space<vmem>>, vector<1x128xf32>
    %add3A_836 = vector.broadcast %get3A_835 : vector<1x128xf32> to vector<128x128xf32>
    %add3A_837 = arith.addf %add3A_828, %add3A_836 : vector<128x128xf32>
    %lt3A_838 = arith.cmpf olt, %add3A_837, %select_n3A_822 : vector<128x128xf32>
    %select_n3A_839 = arith.select %lt3A_838, %add3A_837, %select_n3A_822 : vector<128x128xi1>, vector<128x128xf32>
    %jit3A_840 = arith.constant 10 : i32
    %broadcast_in_dim3A_841 = vector.broadcast %jit3A_840 : i32 to vector<128x128xi32>
    %select_n3A_842 = arith.select %lt3A_838, %broadcast_in_dim3A_841, %select_n3A_825 : vector<128x128xi1>, vector<128x128xi32>
    %slice3A_843 = vector.extract_strided_slice %dot_general3A_17 {offsets = [256, 1408], sizes = [128, 128], strides = [1, 1]} : vector<1024x2048xf32> to vector<128x128xf32>
    %add3A_844 = vector.broadcast %get3A_660 : vector<128x1xf32> to vector<128x128xf32>
    %add3A_845 = arith.addf %slice3A_843, %add3A_844 : vector<128x128xf32>
    %mul3A_846 = arith.constant 2048 : i32
    %mul3A_847 = arith.muli %arg1, %mul3A_846 : i32
    %add3A_848 = arith.constant 1408 : i32
    %add3A_849 = arith.addi %mul3A_847, %add3A_848 : i32
    %get3A_850 = arith.constant 0 : index
    %get3A_851 = arith.index_cast %add3A_849 : i32 to index
    %get3A_852 = vector.load %arg4[%get3A_850, %get3A_851] : memref<1x8192xf32, #tpu.memory_space<vmem>>, vector<1x128xf32>
    %add3A_853 = vector.broadcast %get3A_852 : vector<1x128xf32> to vector<128x128xf32>
    %add3A_854 = arith.addf %add3A_845, %add3A_853 : vector<128x128xf32>
    %lt3A_855 = arith.cmpf olt, %add3A_854, %select_n3A_839 : vector<128x128xf32>
    %select_n3A_856 = arith.select %lt3A_855, %add3A_854, %select_n3A_839 : vector<128x128xi1>, vector<128x128xf32>
    %jit3A_857 = arith.constant 11 : i32
    %broadcast_in_dim3A_858 = vector.broadcast %jit3A_857 : i32 to vector<128x128xi32>
    %select_n3A_859 = arith.select %lt3A_855, %broadcast_in_dim3A_858, %select_n3A_842 : vector<128x128xi1>, vector<128x128xi32>
    %slice3A_860 = vector.extract_strided_slice %dot_general3A_17 {offsets = [256, 1536], sizes = [128, 128], strides = [1, 1]} : vector<1024x2048xf32> to vector<128x128xf32>
    %add3A_861 = vector.broadcast %get3A_660 : vector<128x1xf32> to vector<128x128xf32>
    %add3A_862 = arith.addf %slice3A_860, %add3A_861 : vector<128x128xf32>
    %mul3A_863 = arith.constant 2048 : i32
    %mul3A_864 = arith.muli %arg1, %mul3A_863 : i32
    %add3A_865 = arith.constant 1536 : i32
    %add3A_866 = arith.addi %mul3A_864, %add3A_865 : i32
    %get3A_867 = arith.constant 0 : index
    %get3A_868 = arith.index_cast %add3A_866 : i32 to index
    %get3A_869 = vector.load %arg4[%get3A_867, %get3A_868] : memref<1x8192xf32, #tpu.memory_space<vmem>>, vector<1x128xf32>
    %add3A_870 = vector.broadcast %get3A_869 : vector<1x128xf32> to vector<128x128xf32>
    %add3A_871 = arith.addf %add3A_862, %add3A_870 : vector<128x128xf32>
    %lt3A_872 = arith.cmpf olt, %add3A_871, %select_n3A_856 : vector<128x128xf32>
    %select_n3A_873 = arith.select %lt3A_872, %add3A_871, %select_n3A_856 : vector<128x128xi1>, vector<128x128xf32>
    %jit3A_874 = arith.constant 12 : i32
    %broadcast_in_dim3A_875 = vector.broadcast %jit3A_874 : i32 to vector<128x128xi32>
    %select_n3A_876 = arith.select %lt3A_872, %broadcast_in_dim3A_875, %select_n3A_859 : vector<128x128xi1>, vector<128x128xi32>
    %slice3A_877 = vector.extract_strided_slice %dot_general3A_17 {offsets = [256, 1664], sizes = [128, 128], strides = [1, 1]} : vector<1024x2048xf32> to vector<128x128xf32>
    %add3A_878 = vector.broadcast %get3A_660 : vector<128x1xf32> to vector<128x128xf32>
    %add3A_879 = arith.addf %slice3A_877, %add3A_878 : vector<128x128xf32>
    %mul3A_880 = arith.constant 2048 : i32
    %mul3A_881 = arith.muli %arg1, %mul3A_880 : i32
    %add3A_882 = arith.constant 1664 : i32
    %add3A_883 = arith.addi %mul3A_881, %add3A_882 : i32
    %get3A_884 = arith.constant 0 : index
    %get3A_885 = arith.index_cast %add3A_883 : i32 to index
    %get3A_886 = vector.load %arg4[%get3A_884, %get3A_885] : memref<1x8192xf32, #tpu.memory_space<vmem>>, vector<1x128xf32>
    %add3A_887 = vector.broadcast %get3A_886 : vector<1x128xf32> to vector<128x128xf32>
    %add3A_888 = arith.addf %add3A_879, %add3A_887 : vector<128x128xf32>
    %lt3A_889 = arith.cmpf olt, %add3A_888, %select_n3A_873 : vector<128x128xf32>
    %select_n3A_890 = arith.select %lt3A_889, %add3A_888, %select_n3A_873 : vector<128x128xi1>, vector<128x128xf32>
    %jit3A_891 = arith.constant 13 : i32
    %broadcast_in_dim3A_892 = vector.broadcast %jit3A_891 : i32 to vector<128x128xi32>
    %select_n3A_893 = arith.select %lt3A_889, %broadcast_in_dim3A_892, %select_n3A_876 : vector<128x128xi1>, vector<128x128xi32>
    %slice3A_894 = vector.extract_strided_slice %dot_general3A_17 {offsets = [256, 1792], sizes = [128, 128], strides = [1, 1]} : vector<1024x2048xf32> to vector<128x128xf32>
    %add3A_895 = vector.broadcast %get3A_660 : vector<128x1xf32> to vector<128x128xf32>
    %add3A_896 = arith.addf %slice3A_894, %add3A_895 : vector<128x128xf32>
    %mul3A_897 = arith.constant 2048 : i32
    %mul3A_898 = arith.muli %arg1, %mul3A_897 : i32
    %add3A_899 = arith.constant 1792 : i32
    %add3A_900 = arith.addi %mul3A_898, %add3A_899 : i32
    %get3A_901 = arith.constant 0 : index
    %get3A_902 = arith.index_cast %add3A_900 : i32 to index
    %get3A_903 = vector.load %arg4[%get3A_901, %get3A_902] : memref<1x8192xf32, #tpu.memory_space<vmem>>, vector<1x128xf32>
    %add3A_904 = vector.broadcast %get3A_903 : vector<1x128xf32> to vector<128x128xf32>
    %add3A_905 = arith.addf %add3A_896, %add3A_904 : vector<128x128xf32>
    %lt3A_906 = arith.cmpf olt, %add3A_905, %select_n3A_890 : vector<128x128xf32>
    %select_n3A_907 = arith.select %lt3A_906, %add3A_905, %select_n3A_890 : vector<128x128xi1>, vector<128x128xf32>
    %jit3A_908 = arith.constant 14 : i32
    %broadcast_in_dim3A_909 = vector.broadcast %jit3A_908 : i32 to vector<128x128xi32>
    %select_n3A_910 = arith.select %lt3A_906, %broadcast_in_dim3A_909, %select_n3A_893 : vector<128x128xi1>, vector<128x128xi32>
    %slice3A_911 = vector.extract_strided_slice %dot_general3A_17 {offsets = [256, 1920], sizes = [128, 128], strides = [1, 1]} : vector<1024x2048xf32> to vector<128x128xf32>
    %add3A_912 = vector.broadcast %get3A_660 : vector<128x1xf32> to vector<128x128xf32>
    %add3A_913 = arith.addf %slice3A_911, %add3A_912 : vector<128x128xf32>
    %mul3A_914 = arith.constant 2048 : i32
    %mul3A_915 = arith.muli %arg1, %mul3A_914 : i32
    %add3A_916 = arith.constant 1920 : i32
    %add3A_917 = arith.addi %mul3A_915, %add3A_916 : i32
    %get3A_918 = arith.constant 0 : index
    %get3A_919 = arith.index_cast %add3A_917 : i32 to index
    %get3A_920 = vector.load %arg4[%get3A_918, %get3A_919] : memref<1x8192xf32, #tpu.memory_space<vmem>>, vector<1x128xf32>
    %add3A_921 = vector.broadcast %get3A_920 : vector<1x128xf32> to vector<128x128xf32>
    %add3A_922 = arith.addf %add3A_913, %add3A_921 : vector<128x128xf32>
    %lt3A_923 = arith.cmpf olt, %add3A_922, %select_n3A_907 : vector<128x128xf32>
    %select_n3A_924 = arith.select %lt3A_923, %add3A_922, %select_n3A_907 : vector<128x128xi1>, vector<128x128xf32>
    %jit3A_925 = arith.constant 15 : i32
    %broadcast_in_dim3A_926 = vector.broadcast %jit3A_925 : i32 to vector<128x128xi32>
    %select_n3A_927 = arith.select %lt3A_923, %broadcast_in_dim3A_926, %select_n3A_910 : vector<128x128xi1>, vector<128x128xi32>
    %reduce_min3A_928 = arith.constant dense<0x7F800000> : vector<128xf32>
    %reduce_min3A_929 = vector.multi_reduction <minimumf>, %select_n3A_924, %reduce_min3A_928 [1] : vector<128x128xf32> to vector<128xf32>
    %broadcast_in_dim3A_930 = vector.shape_cast %reduce_min3A_929 : vector<128xf32> to vector<128x1xf32>
    %mul3A_931 = arith.constant 128 : i32
    %mul3A_932 = vector.broadcast %mul3A_931 : i32 to vector<128x128xi32>
    %mul3A_933 = arith.muli %select_n3A_927, %mul3A_932 : vector<128x128xi32>
    %add3A_934 = arith.addi %mul3A_933, %iota3A : vector<128x128xi32>
    %eq3A_935 = vector.broadcast %broadcast_in_dim3A_930 : vector<128x1xf32> to vector<128x128xf32>
    %eq3A_936 = arith.cmpf oeq, %select_n3A_924, %eq3A_935 : vector<128x128xf32>
    %jit3A_937 = arith.constant 8192 : i32
    %broadcast_in_dim3A_938 = vector.broadcast %jit3A_937 : i32 to vector<128x128xi32>
    %select_n3A_939 = arith.select %eq3A_936, %add3A_934, %broadcast_in_dim3A_938 : vector<128x128xi1>, vector<128x128xi32>
    %reduce_min3A_940 = arith.constant dense<2147483647> : vector<128xi32>
    %reduce_min3A_941 = vector.multi_reduction <minsi>, %select_n3A_939, %reduce_min3A_940 [1] : vector<128x128xi32> to vector<128xi32>
    %broadcast_in_dim3A_942 = vector.shape_cast %reduce_min3A_941 : vector<128xi32> to vector<128x1xi32>
    %mul3A_943 = arith.constant 2048 : i32
    %mul3A_944 = arith.muli %arg1, %mul3A_943 : i32
    %add3A_945 = vector.broadcast %mul3A_944 : i32 to vector<128x1xi32>
    %add3A_946 = arith.addi %broadcast_in_dim3A_942, %add3A_945 : vector<128x1xi32>
    %get3A_947 = arith.constant 256 : index
    %get3A_948 = arith.constant 0 : index
    %get3A_949 = vector.load %arg11[%get3A_947, %get3A_948] : memref<1024x1xf32, #tpu.memory_space<vmem>>, vector<128x1xf32>
    %lt3A_950 = arith.cmpf olt, %broadcast_in_dim3A_930, %get3A_949 : vector<128x1xf32>
    %bitcast_convert_type3A_951 = tpu.bitcast %broadcast_in_dim3A_930 : vector<128x1xf32> -> vector<128x1xi32>
    %shift_right_logical3A_952 = arith.constant 16 : i32
    %shift_right_logical3A_953 = vector.broadcast %shift_right_logical3A_952 : i32 to vector<128x1xi32>
    %shift_right_logical3A_954 = arith.shrui %bitcast_convert_type3A_951, %shift_right_logical3A_953 : vector<128x1xi32>
    %and3A_955 = arith.constant 1 : i32
    %and3A_956 = vector.broadcast %and3A_955 : i32 to vector<128x1xi32>
    %and3A_957 = arith.andi %shift_right_logical3A_954, %and3A_956 : vector<128x1xi32>
    %add3A_958 = arith.addi %bitcast_convert_type3A_951, %and3A_957 : vector<128x1xi32>
    %add3A_959 = arith.constant 32767 : i32
    %add3A_960 = vector.broadcast %add3A_959 : i32 to vector<128x1xi32>
    %add3A_961 = arith.addi %add3A_958, %add3A_960 : vector<128x1xi32>
    %and3A_962 = arith.constant -65536 : i32
    %and3A_963 = vector.broadcast %and3A_962 : i32 to vector<128x1xi32>
    %and3A_964 = arith.andi %add3A_961, %and3A_963 : vector<128x1xi32>
    %bitcast_convert_type3A_965 = tpu.bitcast %and3A_964 : vector<128x1xi32> -> vector<128x1xf32>
    %select_n3A_966 = arith.select %lt3A_950, %bitcast_convert_type3A_965, %get3A_949 : vector<128x1xi1>, vector<128x1xf32>
    %swap3A_967 = arith.constant 256 : index
    %swap3A_968 = arith.constant 0 : index
    %swap3A_969 = vector.load %arg11[%swap3A_967, %swap3A_968] : memref<1024x1xf32, #tpu.memory_space<vmem>>, vector<128x1xf32>
    tpu.vector_store %arg11[%swap3A_967, %swap3A_968], %select_n3A_966 {strides = array<i32>} : memref<1024x1xf32, #tpu.memory_space<vmem>>, vector<128x1xf32>,
    %get3A_970 = arith.constant 256 : index
    %get3A_971 = arith.constant 0 : index
    %get3A_972 = vector.load %arg12[%get3A_970, %get3A_971] : memref<1024x1xi32, #tpu.memory_space<vmem>>, vector<128x1xi32>
    %select_n3A_973 = arith.select %lt3A_950, %add3A_946, %get3A_972 : vector<128x1xi1>, vector<128x1xi32>
    %swap3A_974 = arith.constant 256 : index
    %swap3A_975 = arith.constant 0 : index
    %swap3A_976 = vector.load %arg12[%swap3A_974, %swap3A_975] : memref<1024x1xi32, #tpu.memory_space<vmem>>, vector<128x1xi32>
    tpu.vector_store %arg12[%swap3A_974, %swap3A_975], %select_n3A_973 {strides = array<i32>} : memref<1024x1xi32, #tpu.memory_space<vmem>>, vector<128x1xi32>,
    %mul3A_977 = arith.constant 1024 : i32
    %mul3A_978 = arith.muli %arg0, %mul3A_977 : i32
    %add3A_979 = arith.constant 384 : i32
    %add3A_980 = arith.addi %mul3A_978, %add3A_979 : i32
    %get3A_981 = arith.index_cast %add3A_980 : i32 to index
    %get3A_982 = arith.constant 0 : index
    %get3A_983 = vector.load %arg3[%get3A_981, %get3A_982] : memref<8192x1xf32, #tpu.memory_space<vmem>>, vector<128x1xf32>
    %slice3A_984 = vector.extract_strided_slice %dot_general3A_17 {offsets = [384, 0], sizes = [128, 128], strides = [1, 1]} : vector<1024x2048xf32> to vector<128x128xf32>
    %add3A_985 = vector.broadcast %get3A_983 : vector<128x1xf32> to vector<128x128xf32>
    %add3A_986 = arith.addf %slice3A_984, %add3A_985 : vector<128x128xf32>
    %mul3A_987 = arith.constant 2048 : i32
    %mul3A_988 = arith.muli %arg1, %mul3A_987 : i32
    %get3A_989 = arith.constant 0 : index
    %get3A_990 = arith.index_cast %mul3A_988 : i32 to index
    %get3A_991 = vector.load %arg4[%get3A_989, %get3A_990] : memref<1x8192xf32, #tpu.memory_space<vmem>>, vector<1x128xf32>
    %add3A_992 = vector.broadcast %get3A_991 : vector<1x128xf32> to vector<128x128xf32>
    %add3A_993 = arith.addf %add3A_986, %add3A_992 : vector<128x128xf32>
    %broadcast_in_dim3A_994 = arith.constant 0 : i32
    %broadcast_in_dim3A_995 = vector.broadcast %broadcast_in_dim3A_994 : i32 to vector<128x128xi32>
    %slice3A_996 = vector.extract_strided_slice %dot_general3A_17 {offsets = [384, 128], sizes = [128, 128], strides = [1, 1]} : vector<1024x2048xf32> to vector<128x128xf32>
    %add3A_997 = vector.broadcast %get3A_983 : vector<128x1xf32> to vector<128x128xf32>
    %add3A_998 = arith.addf %slice3A_996, %add3A_997 : vector<128x128xf32>
    %mul3A_999 = arith.constant 2048 : i32
    %mul3A_1000 = arith.muli %arg1, %mul3A_999 : i32
    %add3A_1001 = arith.constant 128 : i32
    %add3A_1002 = arith.addi %mul3A_1000, %add3A_1001 : i32
    %get3A_1003 = arith.constant 0 : index
    %get3A_1004 = arith.index_cast %add3A_1002 : i32 to index
    %get3A_1005 = vector.load %arg4[%get3A_1003, %get3A_1004] : memref<1x8192xf32, #tpu.memory_space<vmem>>, vector<1x128xf32>
    %add3A_1006 = vector.broadcast %get3A_1005 : vector<1x128xf32> to vector<128x128xf32>
    %add3A_1007 = arith.addf %add3A_998, %add3A_1006 : vector<128x128xf32>
    %lt3A_1008 = arith.cmpf olt, %add3A_1007, %add3A_993 : vector<128x128xf32>
    %select_n3A_1009 = arith.select %lt3A_1008, %add3A_1007, %add3A_993 : vector<128x128xi1>, vector<128x128xf32>
    %jit3A_1010 = arith.constant 1 : i32
    %broadcast_in_dim3A_1011 = vector.broadcast %jit3A_1010 : i32 to vector<128x128xi32>
    %select_n3A_1012 = arith.select %lt3A_1008, %broadcast_in_dim3A_1011, %broadcast_in_dim3A_995 : vector<128x128xi1>, vector<128x128xi32>
    %slice3A_1013 = vector.extract_strided_slice %dot_general3A_17 {offsets = [384, 256], sizes = [128, 128], strides = [1, 1]} : vector<1024x2048xf32> to vector<128x128xf32>
    %add3A_1014 = vector.broadcast %get3A_983 : vector<128x1xf32> to vector<128x128xf32>
    %add3A_1015 = arith.addf %slice3A_1013, %add3A_1014 : vector<128x128xf32>
    %mul3A_1016 = arith.constant 2048 : i32
    %mul3A_1017 = arith.muli %arg1, %mul3A_1016 : i32
    %add3A_1018 = arith.constant 256 : i32
    %add3A_1019 = arith.addi %mul3A_1017, %add3A_1018 : i32
    %get3A_1020 = arith.constant 0 : index
    %get3A_1021 = arith.index_cast %add3A_1019 : i32 to index
    %get3A_1022 = vector.load %arg4[%get3A_1020, %get3A_1021] : memref<1x8192xf32, #tpu.memory_space<vmem>>, vector<1x128xf32>
    %add3A_1023 = vector.broadcast %get3A_1022 : vector<1x128xf32> to vector<128x128xf32>
    %add3A_1024 = arith.addf %add3A_1015, %add3A_1023 : vector<128x128xf32>
    %lt3A_1025 = arith.cmpf olt, %add3A_1024, %select_n3A_1009 : vector<128x128xf32>
    %select_n3A_1026 = arith.select %lt3A_1025, %add3A_1024, %select_n3A_1009 : vector<128x128xi1>, vector<128x128xf32>
    %jit3A_1027 = arith.constant 2 : i32
    %broadcast_in_dim3A_1028 = vector.broadcast %jit3A_1027 : i32 to vector<128x128xi32>
    %select_n3A_1029 = arith.select %lt3A_1025, %broadcast_in_dim3A_1028, %select_n3A_1012 : vector<128x128xi1>, vector<128x128xi32>
    %slice3A_1030 = vector.extract_strided_slice %dot_general3A_17 {offsets = [384, 384], sizes = [128, 128], strides = [1, 1]} : vector<1024x2048xf32> to vector<128x128xf32>
    %add3A_1031 = vector.broadcast %get3A_983 : vector<128x1xf32> to vector<128x128xf32>
    %add3A_1032 = arith.addf %slice3A_1030, %add3A_1031 : vector<128x128xf32>
    %mul3A_1033 = arith.constant 2048 : i32
    %mul3A_1034 = arith.muli %arg1, %mul3A_1033 : i32
    %add3A_1035 = arith.constant 384 : i32
    %add3A_1036 = arith.addi %mul3A_1034, %add3A_1035 : i32
    %get3A_1037 = arith.constant 0 : index
    %get3A_1038 = arith.index_cast %add3A_1036 : i32 to index
    %get3A_1039 = vector.load %arg4[%get3A_1037, %get3A_1038] : memref<1x8192xf32, #tpu.memory_space<vmem>>, vector<1x128xf32>
    %add3A_1040 = vector.broadcast %get3A_1039 : vector<1x128xf32> to vector<128x128xf32>
    %add3A_1041 = arith.addf %add3A_1032, %add3A_1040 : vector<128x128xf32>
    %lt3A_1042 = arith.cmpf olt, %add3A_1041, %select_n3A_1026 : vector<128x128xf32>
    %select_n3A_1043 = arith.select %lt3A_1042, %add3A_1041, %select_n3A_1026 : vector<128x128xi1>, vector<128x128xf32>
    %jit3A_1044 = arith.constant 3 : i32
    %broadcast_in_dim3A_1045 = vector.broadcast %jit3A_1044 : i32 to vector<128x128xi32>
    %select_n3A_1046 = arith.select %lt3A_1042, %broadcast_in_dim3A_1045, %select_n3A_1029 : vector<128x128xi1>, vector<128x128xi32>
    %slice3A_1047 = vector.extract_strided_slice %dot_general3A_17 {offsets = [384, 512], sizes = [128, 128], strides = [1, 1]} : vector<1024x2048xf32> to vector<128x128xf32>
    %add3A_1048 = vector.broadcast %get3A_983 : vector<128x1xf32> to vector<128x128xf32>
    %add3A_1049 = arith.addf %slice3A_1047, %add3A_1048 : vector<128x128xf32>
    %mul3A_1050 = arith.constant 2048 : i32
    %mul3A_1051 = arith.muli %arg1, %mul3A_1050 : i32
    %add3A_1052 = arith.constant 512 : i32
    %add3A_1053 = arith.addi %mul3A_1051, %add3A_1052 : i32
    %get3A_1054 = arith.constant 0 : index
    %get3A_1055 = arith.index_cast %add3A_1053 : i32 to index
    %get3A_1056 = vector.load %arg4[%get3A_1054, %get3A_1055] : memref<1x8192xf32, #tpu.memory_space<vmem>>, vector<1x128xf32>
    %add3A_1057 = vector.broadcast %get3A_1056 : vector<1x128xf32> to vector<128x128xf32>
    %add3A_1058 = arith.addf %add3A_1049, %add3A_1057 : vector<128x128xf32>
    %lt3A_1059 = arith.cmpf olt, %add3A_1058, %select_n3A_1043 : vector<128x128xf32>
    %select_n3A_1060 = arith.select %lt3A_1059, %add3A_1058, %select_n3A_1043 : vector<128x128xi1>, vector<128x128xf32>
    %jit3A_1061 = arith.constant 4 : i32
    %broadcast_in_dim3A_1062 = vector.broadcast %jit3A_1061 : i32 to vector<128x128xi32>
    %select_n3A_1063 = arith.select %lt3A_1059, %broadcast_in_dim3A_1062, %select_n3A_1046 : vector<128x128xi1>, vector<128x128xi32>
    %slice3A_1064 = vector.extract_strided_slice %dot_general3A_17 {offsets = [384, 640], sizes = [128, 128], strides = [1, 1]} : vector<1024x2048xf32> to vector<128x128xf32>
    %add3A_1065 = vector.broadcast %get3A_983 : vector<128x1xf32> to vector<128x128xf32>
    %add3A_1066 = arith.addf %slice3A_1064, %add3A_1065 : vector<128x128xf32>
    %mul3A_1067 = arith.constant 2048 : i32
    %mul3A_1068 = arith.muli %arg1, %mul3A_1067 : i32
    %add3A_1069 = arith.constant 640 : i32
    %add3A_1070 = arith.addi %mul3A_1068, %add3A_1069 : i32
    %get3A_1071 = arith.constant 0 : index
    %get3A_1072 = arith.index_cast %add3A_1070 : i32 to index
    %get3A_1073 = vector.load %arg4[%get3A_1071, %get3A_1072] : memref<1x8192xf32, #tpu.memory_space<vmem>>, vector<1x128xf32>
    %add3A_1074 = vector.broadcast %get3A_1073 : vector<1x128xf32> to vector<128x128xf32>
    %add3A_1075 = arith.addf %add3A_1066, %add3A_1074 : vector<128x128xf32>
    %lt3A_1076 = arith.cmpf olt, %add3A_1075, %select_n3A_1060 : vector<128x128xf32>
    %select_n3A_1077 = arith.select %lt3A_1076, %add3A_1075, %select_n3A_1060 : vector<128x128xi1>, vector<128x128xf32>
    %jit3A_1078 = arith.constant 5 : i32
    %broadcast_in_dim3A_1079 = vector.broadcast %jit3A_1078 : i32 to vector<128x128xi32>
    %select_n3A_1080 = arith.select %lt3A_1076, %broadcast_in_dim3A_1079, %select_n3A_1063 : vector<128x128xi1>, vector<128x128xi32>
    %slice3A_1081 = vector.extract_strided_slice %dot_general3A_17 {offsets = [384, 768], sizes = [128, 128], strides = [1, 1]} : vector<1024x2048xf32> to vector<128x128xf32>
    %add3A_1082 = vector.broadcast %get3A_983 : vector<128x1xf32> to vector<128x128xf32>
    %add3A_1083 = arith.addf %slice3A_1081, %add3A_1082 : vector<128x128xf32>
    %mul3A_1084 = arith.constant 2048 : i32
    %mul3A_1085 = arith.muli %arg1, %mul3A_1084 : i32
    %add3A_1086 = arith.constant 768 : i32
    %add3A_1087 = arith.addi %mul3A_1085, %add3A_1086 : i32
    %get3A_1088 = arith.constant 0 : index
    %get3A_1089 = arith.index_cast %add3A_1087 : i32 to index
    %get3A_1090 = vector.load %arg4[%get3A_1088, %get3A_1089] : memref<1x8192xf32, #tpu.memory_space<vmem>>, vector<1x128xf32>
    %add3A_1091 = vector.broadcast %get3A_1090 : vector<1x128xf32> to vector<128x128xf32>
    %add3A_1092 = arith.addf %add3A_1083, %add3A_1091 : vector<128x128xf32>
    %lt3A_1093 = arith.cmpf olt, %add3A_1092, %select_n3A_1077 : vector<128x128xf32>
    %select_n3A_1094 = arith.select %lt3A_1093, %add3A_1092, %select_n3A_1077 : vector<128x128xi1>, vector<128x128xf32>
    %jit3A_1095 = arith.constant 6 : i32
    %broadcast_in_dim3A_1096 = vector.broadcast %jit3A_1095 : i32 to vector<128x128xi32>
    %select_n3A_1097 = arith.select %lt3A_1093, %broadcast_in_dim3A_1096, %select_n3A_1080 : vector<128x128xi1>, vector<128x128xi32>
    %slice3A_1098 = vector.extract_strided_slice %dot_general3A_17 {offsets = [384, 896], sizes = [128, 128], strides = [1, 1]} : vector<1024x2048xf32> to vector<128x128xf32>
    %add3A_1099 = vector.broadcast %get3A_983 : vector<128x1xf32> to vector<128x128xf32>
    %add3A_1100 = arith.addf %slice3A_1098, %add3A_1099 : vector<128x128xf32>
    %mul3A_1101 = arith.constant 2048 : i32
    %mul3A_1102 = arith.muli %arg1, %mul3A_1101 : i32
    %add3A_1103 = arith.constant 896 : i32
    %add3A_1104 = arith.addi %mul3A_1102, %add3A_1103 : i32
    %get3A_1105 = arith.constant 0 : index
    %get3A_1106 = arith.index_cast %add3A_1104 : i32 to index
    %get3A_1107 = vector.load %arg4[%get3A_1105, %get3A_1106] : memref<1x8192xf32, #tpu.memory_space<vmem>>, vector<1x128xf32>
    %add3A_1108 = vector.broadcast %get3A_1107 : vector<1x128xf32> to vector<128x128xf32>
    %add3A_1109 = arith.addf %add3A_1100, %add3A_1108 : vector<128x128xf32>
    %lt3A_1110 = arith.cmpf olt, %add3A_1109, %select_n3A_1094 : vector<128x128xf32>
    %select_n3A_1111 = arith.select %lt3A_1110, %add3A_1109, %select_n3A_1094 : vector<128x128xi1>, vector<128x128xf32>
    %jit3A_1112 = arith.constant 7 : i32
    %broadcast_in_dim3A_1113 = vector.broadcast %jit3A_1112 : i32 to vector<128x128xi32>
    %select_n3A_1114 = arith.select %lt3A_1110, %broadcast_in_dim3A_1113, %select_n3A_1097 : vector<128x128xi1>, vector<128x128xi32>
    %slice3A_1115 = vector.extract_strided_slice %dot_general3A_17 {offsets = [384, 1024], sizes = [128, 128], strides = [1, 1]} : vector<1024x2048xf32> to vector<128x128xf32>
    %add3A_1116 = vector.broadcast %get3A_983 : vector<128x1xf32> to vector<128x128xf32>
    %add3A_1117 = arith.addf %slice3A_1115, %add3A_1116 : vector<128x128xf32>
    %mul3A_1118 = arith.constant 2048 : i32
    %mul3A_1119 = arith.muli %arg1, %mul3A_1118 : i32
    %add3A_1120 = arith.constant 1024 : i32
    %add3A_1121 = arith.addi %mul3A_1119, %add3A_1120 : i32
    %get3A_1122 = arith.constant 0 : index
    %get3A_1123 = arith.index_cast %add3A_1121 : i32 to index
    %get3A_1124 = vector.load %arg4[%get3A_1122, %get3A_1123] : memref<1x8192xf32, #tpu.memory_space<vmem>>, vector<1x128xf32>
    %add3A_1125 = vector.broadcast %get3A_1124 : vector<1x128xf32> to vector<128x128xf32>
    %add3A_1126 = arith.addf %add3A_1117, %add3A_1125 : vector<128x128xf32>
    %lt3A_1127 = arith.cmpf olt, %add3A_1126, %select_n3A_1111 : vector<128x128xf32>
    %select_n3A_1128 = arith.select %lt3A_1127, %add3A_1126, %select_n3A_1111 : vector<128x128xi1>, vector<128x128xf32>
    %jit3A_1129 = arith.constant 8 : i32
    %broadcast_in_dim3A_1130 = vector.broadcast %jit3A_1129 : i32 to vector<128x128xi32>
    %select_n3A_1131 = arith.select %lt3A_1127, %broadcast_in_dim3A_1130, %select_n3A_1114 : vector<128x128xi1>, vector<128x128xi32>
    %slice3A_1132 = vector.extract_strided_slice %dot_general3A_17 {offsets = [384, 1152], sizes = [128, 128], strides = [1, 1]} : vector<1024x2048xf32> to vector<128x128xf32>
    %add3A_1133 = vector.broadcast %get3A_983 : vector<128x1xf32> to vector<128x128xf32>
    %add3A_1134 = arith.addf %slice3A_1132, %add3A_1133 : vector<128x128xf32>
    %mul3A_1135 = arith.constant 2048 : i32
    %mul3A_1136 = arith.muli %arg1, %mul3A_1135 : i32
    %add3A_1137 = arith.constant 1152 : i32
    %add3A_1138 = arith.addi %mul3A_1136, %add3A_1137 : i32
    %get3A_1139 = arith.constant 0 : index
    %get3A_1140 = arith.index_cast %add3A_1138 : i32 to index
    %get3A_1141 = vector.load %arg4[%get3A_1139, %get3A_1140] : memref<1x8192xf32, #tpu.memory_space<vmem>>, vector<1x128xf32>
    %add3A_1142 = vector.broadcast %get3A_1141 : vector<1x128xf32> to vector<128x128xf32>
    %add3A_1143 = arith.addf %add3A_1134, %add3A_1142 : vector<128x128xf32>
    %lt3A_1144 = arith.cmpf olt, %add3A_1143, %select_n3A_1128 : vector<128x128xf32>
    %select_n3A_1145 = arith.select %lt3A_1144, %add3A_1143, %select_n3A_1128 : vector<128x128xi1>, vector<128x128xf32>
    %jit3A_1146 = arith.constant 9 : i32
    %broadcast_in_dim3A_1147 = vector.broadcast %jit3A_1146 : i32 to vector<128x128xi32>
    %select_n3A_1148 = arith.select %lt3A_1144, %broadcast_in_dim3A_1147, %select_n3A_1131 : vector<128x128xi1>, vector<128x128xi32>
    %slice3A_1149 = vector.extract_strided_slice %dot_general3A_17 {offsets = [384, 1280], sizes = [128, 128], strides = [1, 1]} : vector<1024x2048xf32> to vector<128x128xf32>
    %add3A_1150 = vector.broadcast %get3A_983 : vector<128x1xf32> to vector<128x128xf32>
    %add3A_1151 = arith.addf %slice3A_1149, %add3A_1150 : vector<128x128xf32>
    %mul3A_1152 = arith.constant 2048 : i32
    %mul3A_1153 = arith.muli %arg1, %mul3A_1152 : i32
    %add3A_1154 = arith.constant 1280 : i32
    %add3A_1155 = arith.addi %mul3A_1153, %add3A_1154 : i32
    %get3A_1156 = arith.constant 0 : index
    %get3A_1157 = arith.index_cast %add3A_1155 : i32 to index
    %get3A_1158 = vector.load %arg4[%get3A_1156, %get3A_1157] : memref<1x8192xf32, #tpu.memory_space<vmem>>, vector<1x128xf32>
    %add3A_1159 = vector.broadcast %get3A_1158 : vector<1x128xf32> to vector<128x128xf32>
    %add3A_1160 = arith.addf %add3A_1151, %add3A_1159 : vector<128x128xf32>
    %lt3A_1161 = arith.cmpf olt, %add3A_1160, %select_n3A_1145 : vector<128x128xf32>
    %select_n3A_1162 = arith.select %lt3A_1161, %add3A_1160, %select_n3A_1145 : vector<128x128xi1>, vector<128x128xf32>
    %jit3A_1163 = arith.constant 10 : i32
    %broadcast_in_dim3A_1164 = vector.broadcast %jit3A_1163 : i32 to vector<128x128xi32>
    %select_n3A_1165 = arith.select %lt3A_1161, %broadcast_in_dim3A_1164, %select_n3A_1148 : vector<128x128xi1>, vector<128x128xi32>
    %slice3A_1166 = vector.extract_strided_slice %dot_general3A_17 {offsets = [384, 1408], sizes = [128, 128], strides = [1, 1]} : vector<1024x2048xf32> to vector<128x128xf32>
    %add3A_1167 = vector.broadcast %get3A_983 : vector<128x1xf32> to vector<128x128xf32>
    %add3A_1168 = arith.addf %slice3A_1166, %add3A_1167 : vector<128x128xf32>
    %mul3A_1169 = arith.constant 2048 : i32
    %mul3A_1170 = arith.muli %arg1, %mul3A_1169 : i32
    %add3A_1171 = arith.constant 1408 : i32
    %add3A_1172 = arith.addi %mul3A_1170, %add3A_1171 : i32
    %get3A_1173 = arith.constant 0 : index
    %get3A_1174 = arith.index_cast %add3A_1172 : i32 to index
    %get3A_1175 = vector.load %arg4[%get3A_1173, %get3A_1174] : memref<1x8192xf32, #tpu.memory_space<vmem>>, vector<1x128xf32>
    %add3A_1176 = vector.broadcast %get3A_1175 : vector<1x128xf32> to vector<128x128xf32>
    %add3A_1177 = arith.addf %add3A_1168, %add3A_1176 : vector<128x128xf32>
    %lt3A_1178 = arith.cmpf olt, %add3A_1177, %select_n3A_1162 : vector<128x128xf32>
    %select_n3A_1179 = arith.select %lt3A_1178, %add3A_1177, %select_n3A_1162 : vector<128x128xi1>, vector<128x128xf32>
    %jit3A_1180 = arith.constant 11 : i32
    %broadcast_in_dim3A_1181 = vector.broadcast %jit3A_1180 : i32 to vector<128x128xi32>
    %select_n3A_1182 = arith.select %lt3A_1178, %broadcast_in_dim3A_1181, %select_n3A_1165 : vector<128x128xi1>, vector<128x128xi32>
    %slice3A_1183 = vector.extract_strided_slice %dot_general3A_17 {offsets = [384, 1536], sizes = [128, 128], strides = [1, 1]} : vector<1024x2048xf32> to vector<128x128xf32>
    %add3A_1184 = vector.broadcast %get3A_983 : vector<128x1xf32> to vector<128x128xf32>
    %add3A_1185 = arith.addf %slice3A_1183, %add3A_1184 : vector<128x128xf32>
    %mul3A_1186 = arith.constant 2048 : i32
    %mul3A_1187 = arith.muli %arg1, %mul3A_1186 : i32
    %add3A_1188 = arith.constant 1536 : i32
    %add3A_1189 = arith.addi %mul3A_1187, %add3A_1188 : i32
    %get3A_1190 = arith.constant 0 : index
    %get3A_1191 = arith.index_cast %add3A_1189 : i32 to index
    %get3A_1192 = vector.load %arg4[%get3A_1190, %get3A_1191] : memref<1x8192xf32, #tpu.memory_space<vmem>>, vector<1x128xf32>
    %add3A_1193 = vector.broadcast %get3A_1192 : vector<1x128xf32> to vector<128x128xf32>
    %add3A_1194 = arith.addf %add3A_1185, %add3A_1193 : vector<128x128xf32>
    %lt3A_1195 = arith.cmpf olt, %add3A_1194, %select_n3A_1179 : vector<128x128xf32>
    %select_n3A_1196 = arith.select %lt3A_1195, %add3A_1194, %select_n3A_1179 : vector<128x128xi1>, vector<128x128xf32>
    %jit3A_1197 = arith.constant 12 : i32
    %broadcast_in_dim3A_1198 = vector.broadcast %jit3A_1197 : i32 to vector<128x128xi32>
    %select_n3A_1199 = arith.select %lt3A_1195, %broadcast_in_dim3A_1198, %select_n3A_1182 : vector<128x128xi1>, vector<128x128xi32>
    %slice3A_1200 = vector.extract_strided_slice %dot_general3A_17 {offsets = [384, 1664], sizes = [128, 128], strides = [1, 1]} : vector<1024x2048xf32> to vector<128x128xf32>
    %add3A_1201 = vector.broadcast %get3A_983 : vector<128x1xf32> to vector<128x128xf32>
    %add3A_1202 = arith.addf %slice3A_1200, %add3A_1201 : vector<128x128xf32>
    %mul3A_1203 = arith.constant 2048 : i32
    %mul3A_1204 = arith.muli %arg1, %mul3A_1203 : i32
    %add3A_1205 = arith.constant 1664 : i32
    %add3A_1206 = arith.addi %mul3A_1204, %add3A_1205 : i32
    %get3A_1207 = arith.constant 0 : index
    %get3A_1208 = arith.index_cast %add3A_1206 : i32 to index
    %get3A_1209 = vector.load %arg4[%get3A_1207, %get3A_1208] : memref<1x8192xf32, #tpu.memory_space<vmem>>, vector<1x128xf32>
    %add3A_1210 = vector.broadcast %get3A_1209 : vector<1x128xf32> to vector<128x128xf32>
    %add3A_1211 = arith.addf %add3A_1202, %add3A_1210 : vector<128x128xf32>
    %lt3A_1212 = arith.cmpf olt, %add3A_1211, %select_n3A_1196 : vector<128x128xf32>
    %select_n3A_1213 = arith.select %lt3A_1212, %add3A_1211, %select_n3A_1196 : vector<128x128xi1>, vector<128x128xf32>
    %jit3A_1214 = arith.constant 13 : i32
    %broadcast_in_dim3A_1215 = vector.broadcast %jit3A_1214 : i32 to vector<128x128xi32>
    %select_n3A_1216 = arith.select %lt3A_1212, %broadcast_in_dim3A_1215, %select_n3A_1199 : vector<128x128xi1>, vector<128x128xi32>
    %slice3A_1217 = vector.extract_strided_slice %dot_general3A_17 {offsets = [384, 1792], sizes = [128, 128], strides = [1, 1]} : vector<1024x2048xf32> to vector<128x128xf32>
    %add3A_1218 = vector.broadcast %get3A_983 : vector<128x1xf32> to vector<128x128xf32>
    %add3A_1219 = arith.addf %slice3A_1217, %add3A_1218 : vector<128x128xf32>
    %mul3A_1220 = arith.constant 2048 : i32
    %mul3A_1221 = arith.muli %arg1, %mul3A_1220 : i32
    %add3A_1222 = arith.constant 1792 : i32
    %add3A_1223 = arith.addi %mul3A_1221, %add3A_1222 : i32
    %get3A_1224 = arith.constant 0 : index
    %get3A_1225 = arith.index_cast %add3A_1223 : i32 to index
    %get3A_1226 = vector.load %arg4[%get3A_1224, %get3A_1225] : memref<1x8192xf32, #tpu.memory_space<vmem>>, vector<1x128xf32>
    %add3A_1227 = vector.broadcast %get3A_1226 : vector<1x128xf32> to vector<128x128xf32>
    %add3A_1228 = arith.addf %add3A_1219, %add3A_1227 : vector<128x128xf32>
    %lt3A_1229 = arith.cmpf olt, %add3A_1228, %select_n3A_1213 : vector<128x128xf32>
    %select_n3A_1230 = arith.select %lt3A_1229, %add3A_1228, %select_n3A_1213 : vector<128x128xi1>, vector<128x128xf32>
    %jit3A_1231 = arith.constant 14 : i32
    %broadcast_in_dim3A_1232 = vector.broadcast %jit3A_1231 : i32 to vector<128x128xi32>
    %select_n3A_1233 = arith.select %lt3A_1229, %broadcast_in_dim3A_1232, %select_n3A_1216 : vector<128x128xi1>, vector<128x128xi32>
    %slice3A_1234 = vector.extract_strided_slice %dot_general3A_17 {offsets = [384, 1920], sizes = [128, 128], strides = [1, 1]} : vector<1024x2048xf32> to vector<128x128xf32>
    %add3A_1235 = vector.broadcast %get3A_983 : vector<128x1xf32> to vector<128x128xf32>
    %add3A_1236 = arith.addf %slice3A_1234, %add3A_1235 : vector<128x128xf32>
    %mul3A_1237 = arith.constant 2048 : i32
    %mul3A_1238 = arith.muli %arg1, %mul3A_1237 : i32
    %add3A_1239 = arith.constant 1920 : i32
    %add3A_1240 = arith.addi %mul3A_1238, %add3A_1239 : i32
    %get3A_1241 = arith.constant 0 : index
    %get3A_1242 = arith.index_cast %add3A_1240 : i32 to index
    %get3A_1243 = vector.load %arg4[%get3A_1241, %get3A_1242] : memref<1x8192xf32, #tpu.memory_space<vmem>>, vector<1x128xf32>
    %add3A_1244 = vector.broadcast %get3A_1243 : vector<1x128xf32> to vector<128x128xf32>
    %add3A_1245 = arith.addf %add3A_1236, %add3A_1244 : vector<128x128xf32>
    %lt3A_1246 = arith.cmpf olt, %add3A_1245, %select_n3A_1230 : vector<128x128xf32>
    %select_n3A_1247 = arith.select %lt3A_1246, %add3A_1245, %select_n3A_1230 : vector<128x128xi1>, vector<128x128xf32>
    %jit3A_1248 = arith.constant 15 : i32
    %broadcast_in_dim3A_1249 = vector.broadcast %jit3A_1248 : i32 to vector<128x128xi32>
    %select_n3A_1250 = arith.select %lt3A_1246, %broadcast_in_dim3A_1249, %select_n3A_1233 : vector<128x128xi1>, vector<128x128xi32>
    %reduce_min3A_1251 = arith.constant dense<0x7F800000> : vector<128xf32>
    %reduce_min3A_1252 = vector.multi_reduction <minimumf>, %select_n3A_1247, %reduce_min3A_1251 [1] : vector<128x128xf32> to vector<128xf32>
    %broadcast_in_dim3A_1253 = vector.shape_cast %reduce_min3A_1252 : vector<128xf32> to vector<128x1xf32>
    %mul3A_1254 = arith.constant 128 : i32
    %mul3A_1255 = vector.broadcast %mul3A_1254 : i32 to vector<128x128xi32>
    %mul3A_1256 = arith.muli %select_n3A_1250, %mul3A_1255 : vector<128x128xi32>
    %add3A_1257 = arith.addi %mul3A_1256, %iota3A : vector<128x128xi32>
    %eq3A_1258 = vector.broadcast %broadcast_in_dim3A_1253 : vector<128x1xf32> to vector<128x128xf32>
    %eq3A_1259 = arith.cmpf oeq, %select_n3A_1247, %eq3A_1258 : vector<128x128xf32>
    %jit3A_1260 = arith.constant 8192 : i32
    %broadcast_in_dim3A_1261 = vector.broadcast %jit3A_1260 : i32 to vector<128x128xi32>
    %select_n3A_1262 = arith.select %eq3A_1259, %add3A_1257, %broadcast_in_dim3A_1261 : vector<128x128xi1>, vector<128x128xi32>
    %reduce_min3A_1263 = arith.constant dense<2147483647> : vector<128xi32>
    %reduce_min3A_1264 = vector.multi_reduction <minsi>, %select_n3A_1262, %reduce_min3A_1263 [1] : vector<128x128xi32> to vector<128xi32>
    %broadcast_in_dim3A_1265 = vector.shape_cast %reduce_min3A_1264 : vector<128xi32> to vector<128x1xi32>
    %mul3A_1266 = arith.constant 2048 : i32
    %mul3A_1267 = arith.muli %arg1, %mul3A_1266 : i32
    %add3A_1268 = vector.broadcast %mul3A_1267 : i32 to vector<128x1xi32>
    %add3A_1269 = arith.addi %broadcast_in_dim3A_1265, %add3A_1268 : vector<128x1xi32>
    %get3A_1270 = arith.constant 384 : index
    %get3A_1271 = arith.constant 0 : index
    %get3A_1272 = vector.load %arg11[%get3A_1270, %get3A_1271] : memref<1024x1xf32, #tpu.memory_space<vmem>>, vector<128x1xf32>
    %lt3A_1273 = arith.cmpf olt, %broadcast_in_dim3A_1253, %get3A_1272 : vector<128x1xf32>
    %bitcast_convert_type3A_1274 = tpu.bitcast %broadcast_in_dim3A_1253 : vector<128x1xf32> -> vector<128x1xi32>
    %shift_right_logical3A_1275 = arith.constant 16 : i32
    %shift_right_logical3A_1276 = vector.broadcast %shift_right_logical3A_1275 : i32 to vector<128x1xi32>
    %shift_right_logical3A_1277 = arith.shrui %bitcast_convert_type3A_1274, %shift_right_logical3A_1276 : vector<128x1xi32>
    %and3A_1278 = arith.constant 1 : i32
    %and3A_1279 = vector.broadcast %and3A_1278 : i32 to vector<128x1xi32>
    %and3A_1280 = arith.andi %shift_right_logical3A_1277, %and3A_1279 : vector<128x1xi32>
    %add3A_1281 = arith.addi %bitcast_convert_type3A_1274, %and3A_1280 : vector<128x1xi32>
    %add3A_1282 = arith.constant 32767 : i32
    %add3A_1283 = vector.broadcast %add3A_1282 : i32 to vector<128x1xi32>
    %add3A_1284 = arith.addi %add3A_1281, %add3A_1283 : vector<128x1xi32>
    %and3A_1285 = arith.constant -65536 : i32
    %and3A_1286 = vector.broadcast %and3A_1285 : i32 to vector<128x1xi32>
    %and3A_1287 = arith.andi %add3A_1284, %and3A_1286 : vector<128x1xi32>
    %bitcast_convert_type3A_1288 = tpu.bitcast %and3A_1287 : vector<128x1xi32> -> vector<128x1xf32>
    %select_n3A_1289 = arith.select %lt3A_1273, %bitcast_convert_type3A_1288, %get3A_1272 : vector<128x1xi1>, vector<128x1xf32>
    %swap3A_1290 = arith.constant 384 : index
    %swap3A_1291 = arith.constant 0 : index
    %swap3A_1292 = vector.load %arg11[%swap3A_1290, %swap3A_1291] : memref<1024x1xf32, #tpu.memory_space<vmem>>, vector<128x1xf32>
    tpu.vector_store %arg11[%swap3A_1290, %swap3A_1291], %select_n3A_1289 {strides = array<i32>} : memref<1024x1xf32, #tpu.memory_space<vmem>>, vector<128x1xf32>,
    %get3A_1293 = arith.constant 384 : index
    %get3A_1294 = arith.constant 0 : index
    %get3A_1295 = vector.load %arg12[%get3A_1293, %get3A_1294] : memref<1024x1xi32, #tpu.memory_space<vmem>>, vector<128x1xi32>
    %select_n3A_1296 = arith.select %lt3A_1273, %add3A_1269, %get3A_1295 : vector<128x1xi1>, vector<128x1xi32>
    %swap3A_1297 = arith.constant 384 : index
    %swap3A_1298 = arith.constant 0 : index
    %swap3A_1299 = vector.load %arg12[%swap3A_1297, %swap3A_1298] : memref<1024x1xi32, #tpu.memory_space<vmem>>, vector<128x1xi32>
    tpu.vector_store %arg12[%swap3A_1297, %swap3A_1298], %select_n3A_1296 {strides = array<i32>} : memref<1024x1xi32, #tpu.memory_space<vmem>>, vector<128x1xi32>,
    %mul3A_1300 = arith.constant 1024 : i32
    %mul3A_1301 = arith.muli %arg0, %mul3A_1300 : i32
    %add3A_1302 = arith.constant 512 : i32
    %add3A_1303 = arith.addi %mul3A_1301, %add3A_1302 : i32
    %get3A_1304 = arith.index_cast %add3A_1303 : i32 to index
    %get3A_1305 = arith.constant 0 : index
    %get3A_1306 = vector.load %arg3[%get3A_1304, %get3A_1305] : memref<8192x1xf32, #tpu.memory_space<vmem>>, vector<128x1xf32>
    %slice3A_1307 = vector.extract_strided_slice %dot_general3A_17 {offsets = [512, 0], sizes = [128, 128], strides = [1, 1]} : vector<1024x2048xf32> to vector<128x128xf32>
    %add3A_1308 = vector.broadcast %get3A_1306 : vector<128x1xf32> to vector<128x128xf32>
    %add3A_1309 = arith.addf %slice3A_1307, %add3A_1308 : vector<128x128xf32>
    %mul3A_1310 = arith.constant 2048 : i32
    %mul3A_1311 = arith.muli %arg1, %mul3A_1310 : i32
    %get3A_1312 = arith.constant 0 : index
    %get3A_1313 = arith.index_cast %mul3A_1311 : i32 to index
    %get3A_1314 = vector.load %arg4[%get3A_1312, %get3A_1313] : memref<1x8192xf32, #tpu.memory_space<vmem>>, vector<1x128xf32>
    %add3A_1315 = vector.broadcast %get3A_1314 : vector<1x128xf32> to vector<128x128xf32>
    %add3A_1316 = arith.addf %add3A_1309, %add3A_1315 : vector<128x128xf32>
    %broadcast_in_dim3A_1317 = arith.constant 0 : i32
    %broadcast_in_dim3A_1318 = vector.broadcast %broadcast_in_dim3A_1317 : i32 to vector<128x128xi32>
    %slice3A_1319 = vector.extract_strided_slice %dot_general3A_17 {offsets = [512, 128], sizes = [128, 128], strides = [1, 1]} : vector<1024x2048xf32> to vector<128x128xf32>
    %add3A_1320 = vector.broadcast %get3A_1306 : vector<128x1xf32> to vector<128x128xf32>
    %add3A_1321 = arith.addf %slice3A_1319, %add3A_1320 : vector<128x128xf32>
    %mul3A_1322 = arith.constant 2048 : i32
    %mul3A_1323 = arith.muli %arg1, %mul3A_1322 : i32
    %add3A_1324 = arith.constant 128 : i32
    %add3A_1325 = arith.addi %mul3A_1323, %add3A_1324 : i32
    %get3A_1326 = arith.constant 0 : index
    %get3A_1327 = arith.index_cast %add3A_1325 : i32 to index
    %get3A_1328 = vector.load %arg4[%get3A_1326, %get3A_1327] : memref<1x8192xf32, #tpu.memory_space<vmem>>, vector<1x128xf32>
    %add3A_1329 = vector.broadcast %get3A_1328 : vector<1x128xf32> to vector<128x128xf32>
    %add3A_1330 = arith.addf %add3A_1321, %add3A_1329 : vector<128x128xf32>
    %lt3A_1331 = arith.cmpf olt, %add3A_1330, %add3A_1316 : vector<128x128xf32>
    %select_n3A_1332 = arith.select %lt3A_1331, %add3A_1330, %add3A_1316 : vector<128x128xi1>, vector<128x128xf32>
    %jit3A_1333 = arith.constant 1 : i32
    %broadcast_in_dim3A_1334 = vector.broadcast %jit3A_1333 : i32 to vector<128x128xi32>
    %select_n3A_1335 = arith.select %lt3A_1331, %broadcast_in_dim3A_1334, %broadcast_in_dim3A_1318 : vector<128x128xi1>, vector<128x128xi32>
    %slice3A_1336 = vector.extract_strided_slice %dot_general3A_17 {offsets = [512, 256], sizes = [128, 128], strides = [1, 1]} : vector<1024x2048xf32> to vector<128x128xf32>
    %add3A_1337 = vector.broadcast %get3A_1306 : vector<128x1xf32> to vector<128x128xf32>
    %add3A_1338 = arith.addf %slice3A_1336, %add3A_1337 : vector<128x128xf32>
    %mul3A_1339 = arith.constant 2048 : i32
    %mul3A_1340 = arith.muli %arg1, %mul3A_1339 : i32
    %add3A_1341 = arith.constant 256 : i32
    %add3A_1342 = arith.addi %mul3A_1340, %add3A_1341 : i32
    %get3A_1343 = arith.constant 0 : index
    %get3A_1344 = arith.index_cast %add3A_1342 : i32 to index
    %get3A_1345 = vector.load %arg4[%get3A_1343, %get3A_1344] : memref<1x8192xf32, #tpu.memory_space<vmem>>, vector<1x128xf32>
    %add3A_1346 = vector.broadcast %get3A_1345 : vector<1x128xf32> to vector<128x128xf32>
    %add3A_1347 = arith.addf %add3A_1338, %add3A_1346 : vector<128x128xf32>
    %lt3A_1348 = arith.cmpf olt, %add3A_1347, %select_n3A_1332 : vector<128x128xf32>
    %select_n3A_1349 = arith.select %lt3A_1348, %add3A_1347, %select_n3A_1332 : vector<128x128xi1>, vector<128x128xf32>
    %jit3A_1350 = arith.constant 2 : i32
    %broadcast_in_dim3A_1351 = vector.broadcast %jit3A_1350 : i32 to vector<128x128xi32>
    %select_n3A_1352 = arith.select %lt3A_1348, %broadcast_in_dim3A_1351, %select_n3A_1335 : vector<128x128xi1>, vector<128x128xi32>
    %slice3A_1353 = vector.extract_strided_slice %dot_general3A_17 {offsets = [512, 384], sizes = [128, 128], strides = [1, 1]} : vector<1024x2048xf32> to vector<128x128xf32>
    %add3A_1354 = vector.broadcast %get3A_1306 : vector<128x1xf32> to vector<128x128xf32>
    %add3A_1355 = arith.addf %slice3A_1353, %add3A_1354 : vector<128x128xf32>
    %mul3A_1356 = arith.constant 2048 : i32
    %mul3A_1357 = arith.muli %arg1, %mul3A_1356 : i32
    %add3A_1358 = arith.constant 384 : i32
    %add3A_1359 = arith.addi %mul3A_1357, %add3A_1358 : i32
    %get3A_1360 = arith.constant 0 : index
    %get3A_1361 = arith.index_cast %add3A_1359 : i32 to index
    %get3A_1362 = vector.load %arg4[%get3A_1360, %get3A_1361] : memref<1x8192xf32, #tpu.memory_space<vmem>>, vector<1x128xf32>
    %add3A_1363 = vector.broadcast %get3A_1362 : vector<1x128xf32> to vector<128x128xf32>
    %add3A_1364 = arith.addf %add3A_1355, %add3A_1363 : vector<128x128xf32>
    %lt3A_1365 = arith.cmpf olt, %add3A_1364, %select_n3A_1349 : vector<128x128xf32>
    %select_n3A_1366 = arith.select %lt3A_1365, %add3A_1364, %select_n3A_1349 : vector<128x128xi1>, vector<128x128xf32>
    %jit3A_1367 = arith.constant 3 : i32
    %broadcast_in_dim3A_1368 = vector.broadcast %jit3A_1367 : i32 to vector<128x128xi32>
    %select_n3A_1369 = arith.select %lt3A_1365, %broadcast_in_dim3A_1368, %select_n3A_1352 : vector<128x128xi1>, vector<128x128xi32>
    %slice3A_1370 = vector.extract_strided_slice %dot_general3A_17 {offsets = [512, 512], sizes = [128, 128], strides = [1, 1]} : vector<1024x2048xf32> to vector<128x128xf32>
    %add3A_1371 = vector.broadcast %get3A_1306 : vector<128x1xf32> to vector<128x128xf32>
    %add3A_1372 = arith.addf %slice3A_1370, %add3A_1371 : vector<128x128xf32>
    %mul3A_1373 = arith.constant 2048 : i32
    %mul3A_1374 = arith.muli %arg1, %mul3A_1373 : i32
    %add3A_1375 = arith.constant 512 : i32
    %add3A_1376 = arith.addi %mul3A_1374, %add3A_1375 : i32
    %get3A_1377 = arith.constant 0 : index
    %get3A_1378 = arith.index_cast %add3A_1376 : i32 to index
    %get3A_1379 = vector.load %arg4[%get3A_1377, %get3A_1378] : memref<1x8192xf32, #tpu.memory_space<vmem>>, vector<1x128xf32>
    %add3A_1380 = vector.broadcast %get3A_1379 : vector<1x128xf32> to vector<128x128xf32>
    %add3A_1381 = arith.addf %add3A_1372, %add3A_1380 : vector<128x128xf32>
    %lt3A_1382 = arith.cmpf olt, %add3A_1381, %select_n3A_1366 : vector<128x128xf32>
    %select_n3A_1383 = arith.select %lt3A_1382, %add3A_1381, %select_n3A_1366 : vector<128x128xi1>, vector<128x128xf32>
    %jit3A_1384 = arith.constant 4 : i32
    %broadcast_in_dim3A_1385 = vector.broadcast %jit3A_1384 : i32 to vector<128x128xi32>
    %select_n3A_1386 = arith.select %lt3A_1382, %broadcast_in_dim3A_1385, %select_n3A_1369 : vector<128x128xi1>, vector<128x128xi32>
    %slice3A_1387 = vector.extract_strided_slice %dot_general3A_17 {offsets = [512, 640], sizes = [128, 128], strides = [1, 1]} : vector<1024x2048xf32> to vector<128x128xf32>
    %add3A_1388 = vector.broadcast %get3A_1306 : vector<128x1xf32> to vector<128x128xf32>
    %add3A_1389 = arith.addf %slice3A_1387, %add3A_1388 : vector<128x128xf32>
    %mul3A_1390 = arith.constant 2048 : i32
    %mul3A_1391 = arith.muli %arg1, %mul3A_1390 : i32
    %add3A_1392 = arith.constant 640 : i32
    %add3A_1393 = arith.addi %mul3A_1391, %add3A_1392 : i32
    %get3A_1394 = arith.constant 0 : index
    %get3A_1395 = arith.index_cast %add3A_1393 : i32 to index
    %get3A_1396 = vector.load %arg4[%get3A_1394, %get3A_1395] : memref<1x8192xf32, #tpu.memory_space<vmem>>, vector<1x128xf32>
    %add3A_1397 = vector.broadcast %get3A_1396 : vector<1x128xf32> to vector<128x128xf32>
    %add3A_1398 = arith.addf %add3A_1389, %add3A_1397 : vector<128x128xf32>
    %lt3A_1399 = arith.cmpf olt, %add3A_1398, %select_n3A_1383 : vector<128x128xf32>
    %select_n3A_1400 = arith.select %lt3A_1399, %add3A_1398, %select_n3A_1383 : vector<128x128xi1>, vector<128x128xf32>
    %jit3A_1401 = arith.constant 5 : i32
    %broadcast_in_dim3A_1402 = vector.broadcast %jit3A_1401 : i32 to vector<128x128xi32>
    %select_n3A_1403 = arith.select %lt3A_1399, %broadcast_in_dim3A_1402, %select_n3A_1386 : vector<128x128xi1>, vector<128x128xi32>
    %slice3A_1404 = vector.extract_strided_slice %dot_general3A_17 {offsets = [512, 768], sizes = [128, 128], strides = [1, 1]} : vector<1024x2048xf32> to vector<128x128xf32>
    %add3A_1405 = vector.broadcast %get3A_1306 : vector<128x1xf32> to vector<128x128xf32>
    %add3A_1406 = arith.addf %slice3A_1404, %add3A_1405 : vector<128x128xf32>
    %mul3A_1407 = arith.constant 2048 : i32
    %mul3A_1408 = arith.muli %arg1, %mul3A_1407 : i32
    %add3A_1409 = arith.constant 768 : i32
    %add3A_1410 = arith.addi %mul3A_1408, %add3A_1409 : i32
    %get3A_1411 = arith.constant 0 : index
    %get3A_1412 = arith.index_cast %add3A_1410 : i32 to index
    %get3A_1413 = vector.load %arg4[%get3A_1411, %get3A_1412] : memref<1x8192xf32, #tpu.memory_space<vmem>>, vector<1x128xf32>
    %add3A_1414 = vector.broadcast %get3A_1413 : vector<1x128xf32> to vector<128x128xf32>
    %add3A_1415 = arith.addf %add3A_1406, %add3A_1414 : vector<128x128xf32>
    %lt3A_1416 = arith.cmpf olt, %add3A_1415, %select_n3A_1400 : vector<128x128xf32>
    %select_n3A_1417 = arith.select %lt3A_1416, %add3A_1415, %select_n3A_1400 : vector<128x128xi1>, vector<128x128xf32>
    %jit3A_1418 = arith.constant 6 : i32
    %broadcast_in_dim3A_1419 = vector.broadcast %jit3A_1418 : i32 to vector<128x128xi32>
    %select_n3A_1420 = arith.select %lt3A_1416, %broadcast_in_dim3A_1419, %select_n3A_1403 : vector<128x128xi1>, vector<128x128xi32>
    %slice3A_1421 = vector.extract_strided_slice %dot_general3A_17 {offsets = [512, 896], sizes = [128, 128], strides = [1, 1]} : vector<1024x2048xf32> to vector<128x128xf32>
    %add3A_1422 = vector.broadcast %get3A_1306 : vector<128x1xf32> to vector<128x128xf32>
    %add3A_1423 = arith.addf %slice3A_1421, %add3A_1422 : vector<128x128xf32>
    %mul3A_1424 = arith.constant 2048 : i32
    %mul3A_1425 = arith.muli %arg1, %mul3A_1424 : i32
    %add3A_1426 = arith.constant 896 : i32
    %add3A_1427 = arith.addi %mul3A_1425, %add3A_1426 : i32
    %get3A_1428 = arith.constant 0 : index
    %get3A_1429 = arith.index_cast %add3A_1427 : i32 to index
    %get3A_1430 = vector.load %arg4[%get3A_1428, %get3A_1429] : memref<1x8192xf32, #tpu.memory_space<vmem>>, vector<1x128xf32>
    %add3A_1431 = vector.broadcast %get3A_1430 : vector<1x128xf32> to vector<128x128xf32>
    %add3A_1432 = arith.addf %add3A_1423, %add3A_1431 : vector<128x128xf32>
    %lt3A_1433 = arith.cmpf olt, %add3A_1432, %select_n3A_1417 : vector<128x128xf32>
    %select_n3A_1434 = arith.select %lt3A_1433, %add3A_1432, %select_n3A_1417 : vector<128x128xi1>, vector<128x128xf32>
    %jit3A_1435 = arith.constant 7 : i32
    %broadcast_in_dim3A_1436 = vector.broadcast %jit3A_1435 : i32 to vector<128x128xi32>
    %select_n3A_1437 = arith.select %lt3A_1433, %broadcast_in_dim3A_1436, %select_n3A_1420 : vector<128x128xi1>, vector<128x128xi32>
    %slice3A_1438 = vector.extract_strided_slice %dot_general3A_17 {offsets = [512, 1024], sizes = [128, 128], strides = [1, 1]} : vector<1024x2048xf32> to vector<128x128xf32>
    %add3A_1439 = vector.broadcast %get3A_1306 : vector<128x1xf32> to vector<128x128xf32>
    %add3A_1440 = arith.addf %slice3A_1438, %add3A_1439 : vector<128x128xf32>
    %mul3A_1441 = arith.constant 2048 : i32
    %mul3A_1442 = arith.muli %arg1, %mul3A_1441 : i32
    %add3A_1443 = arith.constant 1024 : i32
    %add3A_1444 = arith.addi %mul3A_1442, %add3A_1443 : i32
    %get3A_1445 = arith.constant 0 : index
    %get3A_1446 = arith.index_cast %add3A_1444 : i32 to index
    %get3A_1447 = vector.load %arg4[%get3A_1445, %get3A_1446] : memref<1x8192xf32, #tpu.memory_space<vmem>>, vector<1x128xf32>
    %add3A_1448 = vector.broadcast %get3A_1447 : vector<1x128xf32> to vector<128x128xf32>
    %add3A_1449 = arith.addf %add3A_1440, %add3A_1448 : vector<128x128xf32>
    %lt3A_1450 = arith.cmpf olt, %add3A_1449, %select_n3A_1434 : vector<128x128xf32>
    %select_n3A_1451 = arith.select %lt3A_1450, %add3A_1449, %select_n3A_1434 : vector<128x128xi1>, vector<128x128xf32>
    %jit3A_1452 = arith.constant 8 : i32
    %broadcast_in_dim3A_1453 = vector.broadcast %jit3A_1452 : i32 to vector<128x128xi32>
    %select_n3A_1454 = arith.select %lt3A_1450, %broadcast_in_dim3A_1453, %select_n3A_1437 : vector<128x128xi1>, vector<128x128xi32>
    %slice3A_1455 = vector.extract_strided_slice %dot_general3A_17 {offsets = [512, 1152], sizes = [128, 128], strides = [1, 1]} : vector<1024x2048xf32> to vector<128x128xf32>
    %add3A_1456 = vector.broadcast %get3A_1306 : vector<128x1xf32> to vector<128x128xf32>
    %add3A_1457 = arith.addf %slice3A_1455, %add3A_1456 : vector<128x128xf32>
    %mul3A_1458 = arith.constant 2048 : i32
    %mul3A_1459 = arith.muli %arg1, %mul3A_1458 : i32
    %add3A_1460 = arith.constant 1152 : i32
    %add3A_1461 = arith.addi %mul3A_1459, %add3A_1460 : i32
    %get3A_1462 = arith.constant 0 : index
    %get3A_1463 = arith.index_cast %add3A_1461 : i32 to index
    %get3A_1464 = vector.load %arg4[%get3A_1462, %get3A_1463] : memref<1x8192xf32, #tpu.memory_space<vmem>>, vector<1x128xf32>
    %add3A_1465 = vector.broadcast %get3A_1464 : vector<1x128xf32> to vector<128x128xf32>
    %add3A_1466 = arith.addf %add3A_1457, %add3A_1465 : vector<128x128xf32>
    %lt3A_1467 = arith.cmpf olt, %add3A_1466, %select_n3A_1451 : vector<128x128xf32>
    %select_n3A_1468 = arith.select %lt3A_1467, %add3A_1466, %select_n3A_1451 : vector<128x128xi1>, vector<128x128xf32>
    %jit3A_1469 = arith.constant 9 : i32
    %broadcast_in_dim3A_1470 = vector.broadcast %jit3A_1469 : i32 to vector<128x128xi32>
    %select_n3A_1471 = arith.select %lt3A_1467, %broadcast_in_dim3A_1470, %select_n3A_1454 : vector<128x128xi1>, vector<128x128xi32>
    %slice3A_1472 = vector.extract_strided_slice %dot_general3A_17 {offsets = [512, 1280], sizes = [128, 128], strides = [1, 1]} : vector<1024x2048xf32> to vector<128x128xf32>
    %add3A_1473 = vector.broadcast %get3A_1306 : vector<128x1xf32> to vector<128x128xf32>
    %add3A_1474 = arith.addf %slice3A_1472, %add3A_1473 : vector<128x128xf32>
    %mul3A_1475 = arith.constant 2048 : i32
    %mul3A_1476 = arith.muli %arg1, %mul3A_1475 : i32
    %add3A_1477 = arith.constant 1280 : i32
    %add3A_1478 = arith.addi %mul3A_1476, %add3A_1477 : i32
    %get3A_1479 = arith.constant 0 : index
    %get3A_1480 = arith.index_cast %add3A_1478 : i32 to index
    %get3A_1481 = vector.load %arg4[%get3A_1479, %get3A_1480] : memref<1x8192xf32, #tpu.memory_space<vmem>>, vector<1x128xf32>
    %add3A_1482 = vector.broadcast %get3A_1481 : vector<1x128xf32> to vector<128x128xf32>
    %add3A_1483 = arith.addf %add3A_1474, %add3A_1482 : vector<128x128xf32>
    %lt3A_1484 = arith.cmpf olt, %add3A_1483, %select_n3A_1468 : vector<128x128xf32>
    %select_n3A_1485 = arith.select %lt3A_1484, %add3A_1483, %select_n3A_1468 : vector<128x128xi1>, vector<128x128xf32>
    %jit3A_1486 = arith.constant 10 : i32
    %broadcast_in_dim3A_1487 = vector.broadcast %jit3A_1486 : i32 to vector<128x128xi32>
    %select_n3A_1488 = arith.select %lt3A_1484, %broadcast_in_dim3A_1487, %select_n3A_1471 : vector<128x128xi1>, vector<128x128xi32>
    %slice3A_1489 = vector.extract_strided_slice %dot_general3A_17 {offsets = [512, 1408], sizes = [128, 128], strides = [1, 1]} : vector<1024x2048xf32> to vector<128x128xf32>
    %add3A_1490 = vector.broadcast %get3A_1306 : vector<128x1xf32> to vector<128x128xf32>
    %add3A_1491 = arith.addf %slice3A_1489, %add3A_1490 : vector<128x128xf32>
    %mul3A_1492 = arith.constant 2048 : i32
    %mul3A_1493 = arith.muli %arg1, %mul3A_1492 : i32
    %add3A_1494 = arith.constant 1408 : i32
    %add3A_1495 = arith.addi %mul3A_1493, %add3A_1494 : i32
    %get3A_1496 = arith.constant 0 : index
    %get3A_1497 = arith.index_cast %add3A_1495 : i32 to index
    %get3A_1498 = vector.load %arg4[%get3A_1496, %get3A_1497] : memref<1x8192xf32, #tpu.memory_space<vmem>>, vector<1x128xf32>
    %add3A_1499 = vector.broadcast %get3A_1498 : vector<1x128xf32> to vector<128x128xf32>
    %add3A_1500 = arith.addf %add3A_1491, %add3A_1499 : vector<128x128xf32>
    %lt3A_1501 = arith.cmpf olt, %add3A_1500, %select_n3A_1485 : vector<128x128xf32>
    %select_n3A_1502 = arith.select %lt3A_1501, %add3A_1500, %select_n3A_1485 : vector<128x128xi1>, vector<128x128xf32>
    %jit3A_1503 = arith.constant 11 : i32
    %broadcast_in_dim3A_1504 = vector.broadcast %jit3A_1503 : i32 to vector<128x128xi32>
    %select_n3A_1505 = arith.select %lt3A_1501, %broadcast_in_dim3A_1504, %select_n3A_1488 : vector<128x128xi1>, vector<128x128xi32>
    %slice3A_1506 = vector.extract_strided_slice %dot_general3A_17 {offsets = [512, 1536], sizes = [128, 128], strides = [1, 1]} : vector<1024x2048xf32> to vector<128x128xf32>
    %add3A_1507 = vector.broadcast %get3A_1306 : vector<128x1xf32> to vector<128x128xf32>
    %add3A_1508 = arith.addf %slice3A_1506, %add3A_1507 : vector<128x128xf32>
    %mul3A_1509 = arith.constant 2048 : i32
    %mul3A_1510 = arith.muli %arg1, %mul3A_1509 : i32
    %add3A_1511 = arith.constant 1536 : i32
    %add3A_1512 = arith.addi %mul3A_1510, %add3A_1511 : i32
    %get3A_1513 = arith.constant 0 : index
    %get3A_1514 = arith.index_cast %add3A_1512 : i32 to index
    %get3A_1515 = vector.load %arg4[%get3A_1513, %get3A_1514] : memref<1x8192xf32, #tpu.memory_space<vmem>>, vector<1x128xf32>
    %add3A_1516 = vector.broadcast %get3A_1515 : vector<1x128xf32> to vector<128x128xf32>
    %add3A_1517 = arith.addf %add3A_1508, %add3A_1516 : vector<128x128xf32>
    %lt3A_1518 = arith.cmpf olt, %add3A_1517, %select_n3A_1502 : vector<128x128xf32>
    %select_n3A_1519 = arith.select %lt3A_1518, %add3A_1517, %select_n3A_1502 : vector<128x128xi1>, vector<128x128xf32>
    %jit3A_1520 = arith.constant 12 : i32
    %broadcast_in_dim3A_1521 = vector.broadcast %jit3A_1520 : i32 to vector<128x128xi32>
    %select_n3A_1522 = arith.select %lt3A_1518, %broadcast_in_dim3A_1521, %select_n3A_1505 : vector<128x128xi1>, vector<128x128xi32>
    %slice3A_1523 = vector.extract_strided_slice %dot_general3A_17 {offsets = [512, 1664], sizes = [128, 128], strides = [1, 1]} : vector<1024x2048xf32> to vector<128x128xf32>
    %add3A_1524 = vector.broadcast %get3A_1306 : vector<128x1xf32> to vector<128x128xf32>
    %add3A_1525 = arith.addf %slice3A_1523, %add3A_1524 : vector<128x128xf32>
    %mul3A_1526 = arith.constant 2048 : i32
    %mul3A_1527 = arith.muli %arg1, %mul3A_1526 : i32
    %add3A_1528 = arith.constant 1664 : i32
    %add3A_1529 = arith.addi %mul3A_1527, %add3A_1528 : i32
    %get3A_1530 = arith.constant 0 : index
    %get3A_1531 = arith.index_cast %add3A_1529 : i32 to index
    %get3A_1532 = vector.load %arg4[%get3A_1530, %get3A_1531] : memref<1x8192xf32, #tpu.memory_space<vmem>>, vector<1x128xf32>
    %add3A_1533 = vector.broadcast %get3A_1532 : vector<1x128xf32> to vector<128x128xf32>
    %add3A_1534 = arith.addf %add3A_1525, %add3A_1533 : vector<128x128xf32>
    %lt3A_1535 = arith.cmpf olt, %add3A_1534, %select_n3A_1519 : vector<128x128xf32>
    %select_n3A_1536 = arith.select %lt3A_1535, %add3A_1534, %select_n3A_1519 : vector<128x128xi1>, vector<128x128xf32>
    %jit3A_1537 = arith.constant 13 : i32
    %broadcast_in_dim3A_1538 = vector.broadcast %jit3A_1537 : i32 to vector<128x128xi32>
    %select_n3A_1539 = arith.select %lt3A_1535, %broadcast_in_dim3A_1538, %select_n3A_1522 : vector<128x128xi1>, vector<128x128xi32>
    %slice3A_1540 = vector.extract_strided_slice %dot_general3A_17 {offsets = [512, 1792], sizes = [128, 128], strides = [1, 1]} : vector<1024x2048xf32> to vector<128x128xf32>
    %add3A_1541 = vector.broadcast %get3A_1306 : vector<128x1xf32> to vector<128x128xf32>
    %add3A_1542 = arith.addf %slice3A_1540, %add3A_1541 : vector<128x128xf32>
    %mul3A_1543 = arith.constant 2048 : i32
    %mul3A_1544 = arith.muli %arg1, %mul3A_1543 : i32
    %add3A_1545 = arith.constant 1792 : i32
    %add3A_1546 = arith.addi %mul3A_1544, %add3A_1545 : i32
    %get3A_1547 = arith.constant 0 : index
    %get3A_1548 = arith.index_cast %add3A_1546 : i32 to index
    %get3A_1549 = vector.load %arg4[%get3A_1547, %get3A_1548] : memref<1x8192xf32, #tpu.memory_space<vmem>>, vector<1x128xf32>
    %add3A_1550 = vector.broadcast %get3A_1549 : vector<1x128xf32> to vector<128x128xf32>
    %add3A_1551 = arith.addf %add3A_1542, %add3A_1550 : vector<128x128xf32>
    %lt3A_1552 = arith.cmpf olt, %add3A_1551, %select_n3A_1536 : vector<128x128xf32>
    %select_n3A_1553 = arith.select %lt3A_1552, %add3A_1551, %select_n3A_1536 : vector<128x128xi1>, vector<128x128xf32>
    %jit3A_1554 = arith.constant 14 : i32
    %broadcast_in_dim3A_1555 = vector.broadcast %jit3A_1554 : i32 to vector<128x128xi32>
    %select_n3A_1556 = arith.select %lt3A_1552, %broadcast_in_dim3A_1555, %select_n3A_1539 : vector<128x128xi1>, vector<128x128xi32>
    %slice3A_1557 = vector.extract_strided_slice %dot_general3A_17 {offsets = [512, 1920], sizes = [128, 128], strides = [1, 1]} : vector<1024x2048xf32> to vector<128x128xf32>
    %add3A_1558 = vector.broadcast %get3A_1306 : vector<128x1xf32> to vector<128x128xf32>
    %add3A_1559 = arith.addf %slice3A_1557, %add3A_1558 : vector<128x128xf32>
    %mul3A_1560 = arith.constant 2048 : i32
    %mul3A_1561 = arith.muli %arg1, %mul3A_1560 : i32
    %add3A_1562 = arith.constant 1920 : i32
    %add3A_1563 = arith.addi %mul3A_1561, %add3A_1562 : i32
    %get3A_1564 = arith.constant 0 : index
    %get3A_1565 = arith.index_cast %add3A_1563 : i32 to index
    %get3A_1566 = vector.load %arg4[%get3A_1564, %get3A_1565] : memref<1x8192xf32, #tpu.memory_space<vmem>>, vector<1x128xf32>
    %add3A_1567 = vector.broadcast %get3A_1566 : vector<1x128xf32> to vector<128x128xf32>
    %add3A_1568 = arith.addf %add3A_1559, %add3A_1567 : vector<128x128xf32>
    %lt3A_1569 = arith.cmpf olt, %add3A_1568, %select_n3A_1553 : vector<128x128xf32>
    %select_n3A_1570 = arith.select %lt3A_1569, %add3A_1568, %select_n3A_1553 : vector<128x128xi1>, vector<128x128xf32>
    %jit3A_1571 = arith.constant 15 : i32
    %broadcast_in_dim3A_1572 = vector.broadcast %jit3A_1571 : i32 to vector<128x128xi32>
    %select_n3A_1573 = arith.select %lt3A_1569, %broadcast_in_dim3A_1572, %select_n3A_1556 : vector<128x128xi1>, vector<128x128xi32>
    %reduce_min3A_1574 = arith.constant dense<0x7F800000> : vector<128xf32>
    %reduce_min3A_1575 = vector.multi_reduction <minimumf>, %select_n3A_1570, %reduce_min3A_1574 [1] : vector<128x128xf32> to vector<128xf32>
    %broadcast_in_dim3A_1576 = vector.shape_cast %reduce_min3A_1575 : vector<128xf32> to vector<128x1xf32>
    %mul3A_1577 = arith.constant 128 : i32
    %mul3A_1578 = vector.broadcast %mul3A_1577 : i32 to vector<128x128xi32>
    %mul3A_1579 = arith.muli %select_n3A_1573, %mul3A_1578 : vector<128x128xi32>
    %add3A_1580 = arith.addi %mul3A_1579, %iota3A : vector<128x128xi32>
    %eq3A_1581 = vector.broadcast %broadcast_in_dim3A_1576 : vector<128x1xf32> to vector<128x128xf32>
    %eq3A_1582 = arith.cmpf oeq, %select_n3A_1570, %eq3A_1581 : vector<128x128xf32>
    %jit3A_1583 = arith.constant 8192 : i32
    %broadcast_in_dim3A_1584 = vector.broadcast %jit3A_1583 : i32 to vector<128x128xi32>
    %select_n3A_1585 = arith.select %eq3A_1582, %add3A_1580, %broadcast_in_dim3A_1584 : vector<128x128xi1>, vector<128x128xi32>
    %reduce_min3A_1586 = arith.constant dense<2147483647> : vector<128xi32>
    %reduce_min3A_1587 = vector.multi_reduction <minsi>, %select_n3A_1585, %reduce_min3A_1586 [1] : vector<128x128xi32> to vector<128xi32>
    %broadcast_in_dim3A_1588 = vector.shape_cast %reduce_min3A_1587 : vector<128xi32> to vector<128x1xi32>
    %mul3A_1589 = arith.constant 2048 : i32
    %mul3A_1590 = arith.muli %arg1, %mul3A_1589 : i32
    %add3A_1591 = vector.broadcast %mul3A_1590 : i32 to vector<128x1xi32>
    %add3A_1592 = arith.addi %broadcast_in_dim3A_1588, %add3A_1591 : vector<128x1xi32>
    %get3A_1593 = arith.constant 512 : index
    %get3A_1594 = arith.constant 0 : index
    %get3A_1595 = vector.load %arg11[%get3A_1593, %get3A_1594] : memref<1024x1xf32, #tpu.memory_space<vmem>>, vector<128x1xf32>
    %lt3A_1596 = arith.cmpf olt, %broadcast_in_dim3A_1576, %get3A_1595 : vector<128x1xf32>
    %bitcast_convert_type3A_1597 = tpu.bitcast %broadcast_in_dim3A_1576 : vector<128x1xf32> -> vector<128x1xi32>
    %shift_right_logical3A_1598 = arith.constant 16 : i32
    %shift_right_logical3A_1599 = vector.broadcast %shift_right_logical3A_1598 : i32 to vector<128x1xi32>
    %shift_right_logical3A_1600 = arith.shrui %bitcast_convert_type3A_1597, %shift_right_logical3A_1599 : vector<128x1xi32>
    %and3A_1601 = arith.constant 1 : i32
    %and3A_1602 = vector.broadcast %and3A_1601 : i32 to vector<128x1xi32>
    %and3A_1603 = arith.andi %shift_right_logical3A_1600, %and3A_1602 : vector<128x1xi32>
    %add3A_1604 = arith.addi %bitcast_convert_type3A_1597, %and3A_1603 : vector<128x1xi32>
    %add3A_1605 = arith.constant 32767 : i32
    %add3A_1606 = vector.broadcast %add3A_1605 : i32 to vector<128x1xi32>
    %add3A_1607 = arith.addi %add3A_1604, %add3A_1606 : vector<128x1xi32>
    %and3A_1608 = arith.constant -65536 : i32
    %and3A_1609 = vector.broadcast %and3A_1608 : i32 to vector<128x1xi32>
    %and3A_1610 = arith.andi %add3A_1607, %and3A_1609 : vector<128x1xi32>
    %bitcast_convert_type3A_1611 = tpu.bitcast %and3A_1610 : vector<128x1xi32> -> vector<128x1xf32>
    %select_n3A_1612 = arith.select %lt3A_1596, %bitcast_convert_type3A_1611, %get3A_1595 : vector<128x1xi1>, vector<128x1xf32>
    %swap3A_1613 = arith.constant 512 : index
    %swap3A_1614 = arith.constant 0 : index
    %swap3A_1615 = vector.load %arg11[%swap3A_1613, %swap3A_1614] : memref<1024x1xf32, #tpu.memory_space<vmem>>, vector<128x1xf32>
    tpu.vector_store %arg11[%swap3A_1613, %swap3A_1614], %select_n3A_1612 {strides = array<i32>} : memref<1024x1xf32, #tpu.memory_space<vmem>>, vector<128x1xf32>,
    %get3A_1616 = arith.constant 512 : index
    %get3A_1617 = arith.constant 0 : index
    %get3A_1618 = vector.load %arg12[%get3A_1616, %get3A_1617] : memref<1024x1xi32, #tpu.memory_space<vmem>>, vector<128x1xi32>
    %select_n3A_1619 = arith.select %lt3A_1596, %add3A_1592, %get3A_1618 : vector<128x1xi1>, vector<128x1xi32>
    %swap3A_1620 = arith.constant 512 : index
    %swap3A_1621 = arith.constant 0 : index
    %swap3A_1622 = vector.load %arg12[%swap3A_1620, %swap3A_1621] : memref<1024x1xi32, #tpu.memory_space<vmem>>, vector<128x1xi32>
    tpu.vector_store %arg12[%swap3A_1620, %swap3A_1621], %select_n3A_1619 {strides = array<i32>} : memref<1024x1xi32, #tpu.memory_space<vmem>>, vector<128x1xi32>,
    %mul3A_1623 = arith.constant 1024 : i32
    %mul3A_1624 = arith.muli %arg0, %mul3A_1623 : i32
    %add3A_1625 = arith.constant 640 : i32
    %add3A_1626 = arith.addi %mul3A_1624, %add3A_1625 : i32
    %get3A_1627 = arith.index_cast %add3A_1626 : i32 to index
    %get3A_1628 = arith.constant 0 : index
    %get3A_1629 = vector.load %arg3[%get3A_1627, %get3A_1628] : memref<8192x1xf32, #tpu.memory_space<vmem>>, vector<128x1xf32>
    %slice3A_1630 = vector.extract_strided_slice %dot_general3A_17 {offsets = [640, 0], sizes = [128, 128], strides = [1, 1]} : vector<1024x2048xf32> to vector<128x128xf32>
    %add3A_1631 = vector.broadcast %get3A_1629 : vector<128x1xf32> to vector<128x128xf32>
    %add3A_1632 = arith.addf %slice3A_1630, %add3A_1631 : vector<128x128xf32>
    %mul3A_1633 = arith.constant 2048 : i32
    %mul3A_1634 = arith.muli %arg1, %mul3A_1633 : i32
    %get3A_1635 = arith.constant 0 : index
    %get3A_1636 = arith.index_cast %mul3A_1634 : i32 to index
    %get3A_1637 = vector.load %arg4[%get3A_1635, %get3A_1636] : memref<1x8192xf32, #tpu.memory_space<vmem>>, vector<1x128xf32>
    %add3A_1638 = vector.broadcast %get3A_1637 : vector<1x128xf32> to vector<128x128xf32>
    %add3A_1639 = arith.addf %add3A_1632, %add3A_1638 : vector<128x128xf32>
    %broadcast_in_dim3A_1640 = arith.constant 0 : i32
    %broadcast_in_dim3A_1641 = vector.broadcast %broadcast_in_dim3A_1640 : i32 to vector<128x128xi32>
    %slice3A_1642 = vector.extract_strided_slice %dot_general3A_17 {offsets = [640, 128], sizes = [128, 128], strides = [1, 1]} : vector<1024x2048xf32> to vector<128x128xf32>
    %add3A_1643 = vector.broadcast %get3A_1629 : vector<128x1xf32> to vector<128x128xf32>
    %add3A_1644 = arith.addf %slice3A_1642, %add3A_1643 : vector<128x128xf32>
    %mul3A_1645 = arith.constant 2048 : i32
    %mul3A_1646 = arith.muli %arg1, %mul3A_1645 : i32
    %add3A_1647 = arith.constant 128 : i32
    %add3A_1648 = arith.addi %mul3A_1646, %add3A_1647 : i32
    %get3A_1649 = arith.constant 0 : index
    %get3A_1650 = arith.index_cast %add3A_1648 : i32 to index
    %get3A_1651 = vector.load %arg4[%get3A_1649, %get3A_1650] : memref<1x8192xf32, #tpu.memory_space<vmem>>, vector<1x128xf32>
    %add3A_1652 = vector.broadcast %get3A_1651 : vector<1x128xf32> to vector<128x128xf32>
    %add3A_1653 = arith.addf %add3A_1644, %add3A_1652 : vector<128x128xf32>
    %lt3A_1654 = arith.cmpf olt, %add3A_1653, %add3A_1639 : vector<128x128xf32>
    %select_n3A_1655 = arith.select %lt3A_1654, %add3A_1653, %add3A_1639 : vector<128x128xi1>, vector<128x128xf32>
    %jit3A_1656 = arith.constant 1 : i32
    %broadcast_in_dim3A_1657 = vector.broadcast %jit3A_1656 : i32 to vector<128x128xi32>
    %select_n3A_1658 = arith.select %lt3A_1654, %broadcast_in_dim3A_1657, %broadcast_in_dim3A_1641 : vector<128x128xi1>, vector<128x128xi32>
    %slice3A_1659 = vector.extract_strided_slice %dot_general3A_17 {offsets = [640, 256], sizes = [128, 128], strides = [1, 1]} : vector<1024x2048xf32> to vector<128x128xf32>
    %add3A_1660 = vector.broadcast %get3A_1629 : vector<128x1xf32> to vector<128x128xf32>
    %add3A_1661 = arith.addf %slice3A_1659, %add3A_1660 : vector<128x128xf32>
    %mul3A_1662 = arith.constant 2048 : i32
    %mul3A_1663 = arith.muli %arg1, %mul3A_1662 : i32
    %add3A_1664 = arith.constant 256 : i32
    %add3A_1665 = arith.addi %mul3A_1663, %add3A_1664 : i32
    %get3A_1666 = arith.constant 0 : index
    %get3A_1667 = arith.index_cast %add3A_1665 : i32 to index
    %get3A_1668 = vector.load %arg4[%get3A_1666, %get3A_1667] : memref<1x8192xf32, #tpu.memory_space<vmem>>, vector<1x128xf32>
    %add3A_1669 = vector.broadcast %get3A_1668 : vector<1x128xf32> to vector<128x128xf32>
    %add3A_1670 = arith.addf %add3A_1661, %add3A_1669 : vector<128x128xf32>
    %lt3A_1671 = arith.cmpf olt, %add3A_1670, %select_n3A_1655 : vector<128x128xf32>
    %select_n3A_1672 = arith.select %lt3A_1671, %add3A_1670, %select_n3A_1655 : vector<128x128xi1>, vector<128x128xf32>
    %jit3A_1673 = arith.constant 2 : i32
    %broadcast_in_dim3A_1674 = vector.broadcast %jit3A_1673 : i32 to vector<128x128xi32>
    %select_n3A_1675 = arith.select %lt3A_1671, %broadcast_in_dim3A_1674, %select_n3A_1658 : vector<128x128xi1>, vector<128x128xi32>
    %slice3A_1676 = vector.extract_strided_slice %dot_general3A_17 {offsets = [640, 384], sizes = [128, 128], strides = [1, 1]} : vector<1024x2048xf32> to vector<128x128xf32>
    %add3A_1677 = vector.broadcast %get3A_1629 : vector<128x1xf32> to vector<128x128xf32>
    %add3A_1678 = arith.addf %slice3A_1676, %add3A_1677 : vector<128x128xf32>
    %mul3A_1679 = arith.constant 2048 : i32
    %mul3A_1680 = arith.muli %arg1, %mul3A_1679 : i32
    %add3A_1681 = arith.constant 384 : i32
    %add3A_1682 = arith.addi %mul3A_1680, %add3A_1681 : i32
    %get3A_1683 = arith.constant 0 : index
    %get3A_1684 = arith.index_cast %add3A_1682 : i32 to index
    %get3A_1685 = vector.load %arg4[%get3A_1683, %get3A_1684] : memref<1x8192xf32, #tpu.memory_space<vmem>>, vector<1x128xf32>
    %add3A_1686 = vector.broadcast %get3A_1685 : vector<1x128xf32> to vector<128x128xf32>
    %add3A_1687 = arith.addf %add3A_1678, %add3A_1686 : vector<128x128xf32>
    %lt3A_1688 = arith.cmpf olt, %add3A_1687, %select_n3A_1672 : vector<128x128xf32>
    %select_n3A_1689 = arith.select %lt3A_1688, %add3A_1687, %select_n3A_1672 : vector<128x128xi1>, vector<128x128xf32>
    %jit3A_1690 = arith.constant 3 : i32
    %broadcast_in_dim3A_1691 = vector.broadcast %jit3A_1690 : i32 to vector<128x128xi32>
    %select_n3A_1692 = arith.select %lt3A_1688, %broadcast_in_dim3A_1691, %select_n3A_1675 : vector<128x128xi1>, vector<128x128xi32>
    %slice3A_1693 = vector.extract_strided_slice %dot_general3A_17 {offsets = [640, 512], sizes = [128, 128], strides = [1, 1]} : vector<1024x2048xf32> to vector<128x128xf32>
    %add3A_1694 = vector.broadcast %get3A_1629 : vector<128x1xf32> to vector<128x128xf32>
    %add3A_1695 = arith.addf %slice3A_1693, %add3A_1694 : vector<128x128xf32>
    %mul3A_1696 = arith.constant 2048 : i32
    %mul3A_1697 = arith.muli %arg1, %mul3A_1696 : i32
    %add3A_1698 = arith.constant 512 : i32
    %add3A_1699 = arith.addi %mul3A_1697, %add3A_1698 : i32
    %get3A_1700 = arith.constant 0 : index
    %get3A_1701 = arith.index_cast %add3A_1699 : i32 to index
    %get3A_1702 = vector.load %arg4[%get3A_1700, %get3A_1701] : memref<1x8192xf32, #tpu.memory_space<vmem>>, vector<1x128xf32>
    %add3A_1703 = vector.broadcast %get3A_1702 : vector<1x128xf32> to vector<128x128xf32>
    %add3A_1704 = arith.addf %add3A_1695, %add3A_1703 : vector<128x128xf32>
    %lt3A_1705 = arith.cmpf olt, %add3A_1704, %select_n3A_1689 : vector<128x128xf32>
    %select_n3A_1706 = arith.select %lt3A_1705, %add3A_1704, %select_n3A_1689 : vector<128x128xi1>, vector<128x128xf32>
    %jit3A_1707 = arith.constant 4 : i32
    %broadcast_in_dim3A_1708 = vector.broadcast %jit3A_1707 : i32 to vector<128x128xi32>
    %select_n3A_1709 = arith.select %lt3A_1705, %broadcast_in_dim3A_1708, %select_n3A_1692 : vector<128x128xi1>, vector<128x128xi32>
    %slice3A_1710 = vector.extract_strided_slice %dot_general3A_17 {offsets = [640, 640], sizes = [128, 128], strides = [1, 1]} : vector<1024x2048xf32> to vector<128x128xf32>
    %add3A_1711 = vector.broadcast %get3A_1629 : vector<128x1xf32> to vector<128x128xf32>
    %add3A_1712 = arith.addf %slice3A_1710, %add3A_1711 : vector<128x128xf32>
    %mul3A_1713 = arith.constant 2048 : i32
    %mul3A_1714 = arith.muli %arg1, %mul3A_1713 : i32
    %add3A_1715 = arith.constant 640 : i32
    %add3A_1716 = arith.addi %mul3A_1714, %add3A_1715 : i32
    %get3A_1717 = arith.constant 0 : index
    %get3A_1718 = arith.index_cast %add3A_1716 : i32 to index
    %get3A_1719 = vector.load %arg4[%get3A_1717, %get3A_1718] : memref<1x8192xf32, #tpu.memory_space<vmem>>, vector<1x128xf32>
    %add3A_1720 = vector.broadcast %get3A_1719 : vector<1x128xf32> to vector<128x128xf32>
    %add3A_1721 = arith.addf %add3A_1712, %add3A_1720 : vector<128x128xf32>
    %lt3A_1722 = arith.cmpf olt, %add3A_1721, %select_n3A_1706 : vector<128x128xf32>
    %select_n3A_1723 = arith.select %lt3A_1722, %add3A_1721, %select_n3A_1706 : vector<128x128xi1>, vector<128x128xf32>
    %jit3A_1724 = arith.constant 5 : i32
    %broadcast_in_dim3A_1725 = vector.broadcast %jit3A_1724 : i32 to vector<128x128xi32>
    %select_n3A_1726 = arith.select %lt3A_1722, %broadcast_in_dim3A_1725, %select_n3A_1709 : vector<128x128xi1>, vector<128x128xi32>
    %slice3A_1727 = vector.extract_strided_slice %dot_general3A_17 {offsets = [640, 768], sizes = [128, 128], strides = [1, 1]} : vector<1024x2048xf32> to vector<128x128xf32>
    %add3A_1728 = vector.broadcast %get3A_1629 : vector<128x1xf32> to vector<128x128xf32>
    %add3A_1729 = arith.addf %slice3A_1727, %add3A_1728 : vector<128x128xf32>
    %mul3A_1730 = arith.constant 2048 : i32
    %mul3A_1731 = arith.muli %arg1, %mul3A_1730 : i32
    %add3A_1732 = arith.constant 768 : i32
    %add3A_1733 = arith.addi %mul3A_1731, %add3A_1732 : i32
    %get3A_1734 = arith.constant 0 : index
    %get3A_1735 = arith.index_cast %add3A_1733 : i32 to index
    %get3A_1736 = vector.load %arg4[%get3A_1734, %get3A_1735] : memref<1x8192xf32, #tpu.memory_space<vmem>>, vector<1x128xf32>
    %add3A_1737 = vector.broadcast %get3A_1736 : vector<1x128xf32> to vector<128x128xf32>
    %add3A_1738 = arith.addf %add3A_1729, %add3A_1737 : vector<128x128xf32>
    %lt3A_1739 = arith.cmpf olt, %add3A_1738, %select_n3A_1723 : vector<128x128xf32>
    %select_n3A_1740 = arith.select %lt3A_1739, %add3A_1738, %select_n3A_1723 : vector<128x128xi1>, vector<128x128xf32>
    %jit3A_1741 = arith.constant 6 : i32
    %broadcast_in_dim3A_1742 = vector.broadcast %jit3A_1741 : i32 to vector<128x128xi32>
    %select_n3A_1743 = arith.select %lt3A_1739, %broadcast_in_dim3A_1742, %select_n3A_1726 : vector<128x128xi1>, vector<128x128xi32>
    %slice3A_1744 = vector.extract_strided_slice %dot_general3A_17 {offsets = [640, 896], sizes = [128, 128], strides = [1, 1]} : vector<1024x2048xf32> to vector<128x128xf32>
    %add3A_1745 = vector.broadcast %get3A_1629 : vector<128x1xf32> to vector<128x128xf32>
    %add3A_1746 = arith.addf %slice3A_1744, %add3A_1745 : vector<128x128xf32>
    %mul3A_1747 = arith.constant 2048 : i32
    %mul3A_1748 = arith.muli %arg1, %mul3A_1747 : i32
    %add3A_1749 = arith.constant 896 : i32
    %add3A_1750 = arith.addi %mul3A_1748, %add3A_1749 : i32
    %get3A_1751 = arith.constant 0 : index
    %get3A_1752 = arith.index_cast %add3A_1750 : i32 to index
    %get3A_1753 = vector.load %arg4[%get3A_1751, %get3A_1752] : memref<1x8192xf32, #tpu.memory_space<vmem>>, vector<1x128xf32>
    %add3A_1754 = vector.broadcast %get3A_1753 : vector<1x128xf32> to vector<128x128xf32>
    %add3A_1755 = arith.addf %add3A_1746, %add3A_1754 : vector<128x128xf32>
    %lt3A_1756 = arith.cmpf olt, %add3A_1755, %select_n3A_1740 : vector<128x128xf32>
    %select_n3A_1757 = arith.select %lt3A_1756, %add3A_1755, %select_n3A_1740 : vector<128x128xi1>, vector<128x128xf32>
    %jit3A_1758 = arith.constant 7 : i32
    %broadcast_in_dim3A_1759 = vector.broadcast %jit3A_1758 : i32 to vector<128x128xi32>
    %select_n3A_1760 = arith.select %lt3A_1756, %broadcast_in_dim3A_1759, %select_n3A_1743 : vector<128x128xi1>, vector<128x128xi32>
    %slice3A_1761 = vector.extract_strided_slice %dot_general3A_17 {offsets = [640, 1024], sizes = [128, 128], strides = [1, 1]} : vector<1024x2048xf32> to vector<128x128xf32>
    %add3A_1762 = vector.broadcast %get3A_1629 : vector<128x1xf32> to vector<128x128xf32>
    %add3A_1763 = arith.addf %slice3A_1761, %add3A_1762 : vector<128x128xf32>
    %mul3A_1764 = arith.constant 2048 : i32
    %mul3A_1765 = arith.muli %arg1, %mul3A_1764 : i32
    %add3A_1766 = arith.constant 1024 : i32
    %add3A_1767 = arith.addi %mul3A_1765, %add3A_1766 : i32
    %get3A_1768 = arith.constant 0 : index
    %get3A_1769 = arith.index_cast %add3A_1767 : i32 to index
    %get3A_1770 = vector.load %arg4[%get3A_1768, %get3A_1769] : memref<1x8192xf32, #tpu.memory_space<vmem>>, vector<1x128xf32>
    %add3A_1771 = vector.broadcast %get3A_1770 : vector<1x128xf32> to vector<128x128xf32>
    %add3A_1772 = arith.addf %add3A_1763, %add3A_1771 : vector<128x128xf32>
    %lt3A_1773 = arith.cmpf olt, %add3A_1772, %select_n3A_1757 : vector<128x128xf32>
    %select_n3A_1774 = arith.select %lt3A_1773, %add3A_1772, %select_n3A_1757 : vector<128x128xi1>, vector<128x128xf32>
    %jit3A_1775 = arith.constant 8 : i32
    %broadcast_in_dim3A_1776 = vector.broadcast %jit3A_1775 : i32 to vector<128x128xi32>
    %select_n3A_1777 = arith.select %lt3A_1773, %broadcast_in_dim3A_1776, %select_n3A_1760 : vector<128x128xi1>, vector<128x128xi32>
    %slice3A_1778 = vector.extract_strided_slice %dot_general3A_17 {offsets = [640, 1152], sizes = [128, 128], strides = [1, 1]} : vector<1024x2048xf32> to vector<128x128xf32>
    %add3A_1779 = vector.broadcast %get3A_1629 : vector<128x1xf32> to vector<128x128xf32>
    %add3A_1780 = arith.addf %slice3A_1778, %add3A_1779 : vector<128x128xf32>
    %mul3A_1781 = arith.constant 2048 : i32
    %mul3A_1782 = arith.muli %arg1, %mul3A_1781 : i32
    %add3A_1783 = arith.constant 1152 : i32
    %add3A_1784 = arith.addi %mul3A_1782, %add3A_1783 : i32
    %get3A_1785 = arith.constant 0 : index
    %get3A_1786 = arith.index_cast %add3A_1784 : i32 to index
    %get3A_1787 = vector.load %arg4[%get3A_1785, %get3A_1786] : memref<1x8192xf32, #tpu.memory_space<vmem>>, vector<1x128xf32>
    %add3A_1788 = vector.broadcast %get3A_1787 : vector<1x128xf32> to vector<128x128xf32>
    %add3A_1789 = arith.addf %add3A_1780, %add3A_1788 : vector<128x128xf32>
    %lt3A_1790 = arith.cmpf olt, %add3A_1789, %select_n3A_1774 : vector<128x128xf32>
    %select_n3A_1791 = arith.select %lt3A_1790, %add3A_1789, %select_n3A_1774 : vector<128x128xi1>, vector<128x128xf32>
    %jit3A_1792 = arith.constant 9 : i32
    %broadcast_in_dim3A_1793 = vector.broadcast %jit3A_1792 : i32 to vector<128x128xi32>
    %select_n3A_1794 = arith.select %lt3A_1790, %broadcast_in_dim3A_1793, %select_n3A_1777 : vector<128x128xi1>, vector<128x128xi32>
    %slice3A_1795 = vector.extract_strided_slice %dot_general3A_17 {offsets = [640, 1280], sizes = [128, 128], strides = [1, 1]} : vector<1024x2048xf32> to vector<128x128xf32>
    %add3A_1796 = vector.broadcast %get3A_1629 : vector<128x1xf32> to vector<128x128xf32>
    %add3A_1797 = arith.addf %slice3A_1795, %add3A_1796 : vector<128x128xf32>
    %mul3A_1798 = arith.constant 2048 : i32
    %mul3A_1799 = arith.muli %arg1, %mul3A_1798 : i32
    %add3A_1800 = arith.constant 1280 : i32
    %add3A_1801 = arith.addi %mul3A_1799, %add3A_1800 : i32
    %get3A_1802 = arith.constant 0 : index
    %get3A_1803 = arith.index_cast %add3A_1801 : i32 to index
    %get3A_1804 = vector.load %arg4[%get3A_1802, %get3A_1803] : memref<1x8192xf32, #tpu.memory_space<vmem>>, vector<1x128xf32>
    %add3A_1805 = vector.broadcast %get3A_1804 : vector<1x128xf32> to vector<128x128xf32>
    %add3A_1806 = arith.addf %add3A_1797, %add3A_1805 : vector<128x128xf32>
    %lt3A_1807 = arith.cmpf olt, %add3A_1806, %select_n3A_1791 : vector<128x128xf32>
    %select_n3A_1808 = arith.select %lt3A_1807, %add3A_1806, %select_n3A_1791 : vector<128x128xi1>, vector<128x128xf32>
    %jit3A_1809 = arith.constant 10 : i32
    %broadcast_in_dim3A_1810 = vector.broadcast %jit3A_1809 : i32 to vector<128x128xi32>
    %select_n3A_1811 = arith.select %lt3A_1807, %broadcast_in_dim3A_1810, %select_n3A_1794 : vector<128x128xi1>, vector<128x128xi32>
    %slice3A_1812 = vector.extract_strided_slice %dot_general3A_17 {offsets = [640, 1408], sizes = [128, 128], strides = [1, 1]} : vector<1024x2048xf32> to vector<128x128xf32>
    %add3A_1813 = vector.broadcast %get3A_1629 : vector<128x1xf32> to vector<128x128xf32>
    %add3A_1814 = arith.addf %slice3A_1812, %add3A_1813 : vector<128x128xf32>
    %mul3A_1815 = arith.constant 2048 : i32
    %mul3A_1816 = arith.muli %arg1, %mul3A_1815 : i32
    %add3A_1817 = arith.constant 1408 : i32
    %add3A_1818 = arith.addi %mul3A_1816, %add3A_1817 : i32
    %get3A_1819 = arith.constant 0 : index
    %get3A_1820 = arith.index_cast %add3A_1818 : i32 to index
    %get3A_1821 = vector.load %arg4[%get3A_1819, %get3A_1820] : memref<1x8192xf32, #tpu.memory_space<vmem>>, vector<1x128xf32>
    %add3A_1822 = vector.broadcast %get3A_1821 : vector<1x128xf32> to vector<128x128xf32>
    %add3A_1823 = arith.addf %add3A_1814, %add3A_1822 : vector<128x128xf32>
    %lt3A_1824 = arith.cmpf olt, %add3A_1823, %select_n3A_1808 : vector<128x128xf32>
    %select_n3A_1825 = arith.select %lt3A_1824, %add3A_1823, %select_n3A_1808 : vector<128x128xi1>, vector<128x128xf32>
    %jit3A_1826 = arith.constant 11 : i32
    %broadcast_in_dim3A_1827 = vector.broadcast %jit3A_1826 : i32 to vector<128x128xi32>
    %select_n3A_1828 = arith.select %lt3A_1824, %broadcast_in_dim3A_1827, %select_n3A_1811 : vector<128x128xi1>, vector<128x128xi32>
    %slice3A_1829 = vector.extract_strided_slice %dot_general3A_17 {offsets = [640, 1536], sizes = [128, 128], strides = [1, 1]} : vector<1024x2048xf32> to vector<128x128xf32>
    %add3A_1830 = vector.broadcast %get3A_1629 : vector<128x1xf32> to vector<128x128xf32>
    %add3A_1831 = arith.addf %slice3A_1829, %add3A_1830 : vector<128x128xf32>
    %mul3A_1832 = arith.constant 2048 : i32
    %mul3A_1833 = arith.muli %arg1, %mul3A_1832 : i32
    %add3A_1834 = arith.constant 1536 : i32
    %add3A_1835 = arith.addi %mul3A_1833, %add3A_1834 : i32
    %get3A_1836 = arith.constant 0 : index
    %get3A_1837 = arith.index_cast %add3A_1835 : i32 to index
    %get3A_1838 = vector.load %arg4[%get3A_1836, %get3A_1837] : memref<1x8192xf32, #tpu.memory_space<vmem>>, vector<1x128xf32>
    %add3A_1839 = vector.broadcast %get3A_1838 : vector<1x128xf32> to vector<128x128xf32>
    %add3A_1840 = arith.addf %add3A_1831, %add3A_1839 : vector<128x128xf32>
    %lt3A_1841 = arith.cmpf olt, %add3A_1840, %select_n3A_1825 : vector<128x128xf32>
    %select_n3A_1842 = arith.select %lt3A_1841, %add3A_1840, %select_n3A_1825 : vector<128x128xi1>, vector<128x128xf32>
    %jit3A_1843 = arith.constant 12 : i32
    %broadcast_in_dim3A_1844 = vector.broadcast %jit3A_1843 : i32 to vector<128x128xi32>
    %select_n3A_1845 = arith.select %lt3A_1841, %broadcast_in_dim3A_1844, %select_n3A_1828 : vector<128x128xi1>, vector<128x128xi32>
    %slice3A_1846 = vector.extract_strided_slice %dot_general3A_17 {offsets = [640, 1664], sizes = [128, 128], strides = [1, 1]} : vector<1024x2048xf32> to vector<128x128xf32>
    %add3A_1847 = vector.broadcast %get3A_1629 : vector<128x1xf32> to vector<128x128xf32>
    %add3A_1848 = arith.addf %slice3A_1846, %add3A_1847 : vector<128x128xf32>
    %mul3A_1849 = arith.constant 2048 : i32
    %mul3A_1850 = arith.muli %arg1, %mul3A_1849 : i32
    %add3A_1851 = arith.constant 1664 : i32
    %add3A_1852 = arith.addi %mul3A_1850, %add3A_1851 : i32
    %get3A_1853 = arith.constant 0 : index
    %get3A_1854 = arith.index_cast %add3A_1852 : i32 to index
    %get3A_1855 = vector.load %arg4[%get3A_1853, %get3A_1854] : memref<1x8192xf32, #tpu.memory_space<vmem>>, vector<1x128xf32>
    %add3A_1856 = vector.broadcast %get3A_1855 : vector<1x128xf32> to vector<128x128xf32>
    %add3A_1857 = arith.addf %add3A_1848, %add3A_1856 : vector<128x128xf32>
    %lt3A_1858 = arith.cmpf olt, %add3A_1857, %select_n3A_1842 : vector<128x128xf32>
    %select_n3A_1859 = arith.select %lt3A_1858, %add3A_1857, %select_n3A_1842 : vector<128x128xi1>, vector<128x128xf32>
    %jit3A_1860 = arith.constant 13 : i32
    %broadcast_in_dim3A_1861 = vector.broadcast %jit3A_1860 : i32 to vector<128x128xi32>
    %select_n3A_1862 = arith.select %lt3A_1858, %broadcast_in_dim3A_1861, %select_n3A_1845 : vector<128x128xi1>, vector<128x128xi32>
    %slice3A_1863 = vector.extract_strided_slice %dot_general3A_17 {offsets = [640, 1792], sizes = [128, 128], strides = [1, 1]} : vector<1024x2048xf32> to vector<128x128xf32>
    %add3A_1864 = vector.broadcast %get3A_1629 : vector<128x1xf32> to vector<128x128xf32>
    %add3A_1865 = arith.addf %slice3A_1863, %add3A_1864 : vector<128x128xf32>
    %mul3A_1866 = arith.constant 2048 : i32
    %mul3A_1867 = arith.muli %arg1, %mul3A_1866 : i32
    %add3A_1868 = arith.constant 1792 : i32
    %add3A_1869 = arith.addi %mul3A_1867, %add3A_1868 : i32
    %get3A_1870 = arith.constant 0 : index
    %get3A_1871 = arith.index_cast %add3A_1869 : i32 to index
    %get3A_1872 = vector.load %arg4[%get3A_1870, %get3A_1871] : memref<1x8192xf32, #tpu.memory_space<vmem>>, vector<1x128xf32>
    %add3A_1873 = vector.broadcast %get3A_1872 : vector<1x128xf32> to vector<128x128xf32>
    %add3A_1874 = arith.addf %add3A_1865, %add3A_1873 : vector<128x128xf32>
    %lt3A_1875 = arith.cmpf olt, %add3A_1874, %select_n3A_1859 : vector<128x128xf32>
    %select_n3A_1876 = arith.select %lt3A_1875, %add3A_1874, %select_n3A_1859 : vector<128x128xi1>, vector<128x128xf32>
    %jit3A_1877 = arith.constant 14 : i32
    %broadcast_in_dim3A_1878 = vector.broadcast %jit3A_1877 : i32 to vector<128x128xi32>
    %select_n3A_1879 = arith.select %lt3A_1875, %broadcast_in_dim3A_1878, %select_n3A_1862 : vector<128x128xi1>, vector<128x128xi32>
    %slice3A_1880 = vector.extract_strided_slice %dot_general3A_17 {offsets = [640, 1920], sizes = [128, 128], strides = [1, 1]} : vector<1024x2048xf32> to vector<128x128xf32>
    %add3A_1881 = vector.broadcast %get3A_1629 : vector<128x1xf32> to vector<128x128xf32>
    %add3A_1882 = arith.addf %slice3A_1880, %add3A_1881 : vector<128x128xf32>
    %mul3A_1883 = arith.constant 2048 : i32
    %mul3A_1884 = arith.muli %arg1, %mul3A_1883 : i32
    %add3A_1885 = arith.constant 1920 : i32
    %add3A_1886 = arith.addi %mul3A_1884, %add3A_1885 : i32
    %get3A_1887 = arith.constant 0 : index
    %get3A_1888 = arith.index_cast %add3A_1886 : i32 to index
    %get3A_1889 = vector.load %arg4[%get3A_1887, %get3A_1888] : memref<1x8192xf32, #tpu.memory_space<vmem>>, vector<1x128xf32>
    %add3A_1890 = vector.broadcast %get3A_1889 : vector<1x128xf32> to vector<128x128xf32>
    %add3A_1891 = arith.addf %add3A_1882, %add3A_1890 : vector<128x128xf32>
    %lt3A_1892 = arith.cmpf olt, %add3A_1891, %select_n3A_1876 : vector<128x128xf32>
    %select_n3A_1893 = arith.select %lt3A_1892, %add3A_1891, %select_n3A_1876 : vector<128x128xi1>, vector<128x128xf32>
    %jit3A_1894 = arith.constant 15 : i32
    %broadcast_in_dim3A_1895 = vector.broadcast %jit3A_1894 : i32 to vector<128x128xi32>
    %select_n3A_1896 = arith.select %lt3A_1892, %broadcast_in_dim3A_1895, %select_n3A_1879 : vector<128x128xi1>, vector<128x128xi32>
    %reduce_min3A_1897 = arith.constant dense<0x7F800000> : vector<128xf32>
    %reduce_min3A_1898 = vector.multi_reduction <minimumf>, %select_n3A_1893, %reduce_min3A_1897 [1] : vector<128x128xf32> to vector<128xf32>
    %broadcast_in_dim3A_1899 = vector.shape_cast %reduce_min3A_1898 : vector<128xf32> to vector<128x1xf32>
    %mul3A_1900 = arith.constant 128 : i32
    %mul3A_1901 = vector.broadcast %mul3A_1900 : i32 to vector<128x128xi32>
    %mul3A_1902 = arith.muli %select_n3A_1896, %mul3A_1901 : vector<128x128xi32>
    %add3A_1903 = arith.addi %mul3A_1902, %iota3A : vector<128x128xi32>
    %eq3A_1904 = vector.broadcast %broadcast_in_dim3A_1899 : vector<128x1xf32> to vector<128x128xf32>
    %eq3A_1905 = arith.cmpf oeq, %select_n3A_1893, %eq3A_1904 : vector<128x128xf32>
    %jit3A_1906 = arith.constant 8192 : i32
    %broadcast_in_dim3A_1907 = vector.broadcast %jit3A_1906 : i32 to vector<128x128xi32>
    %select_n3A_1908 = arith.select %eq3A_1905, %add3A_1903, %broadcast_in_dim3A_1907 : vector<128x128xi1>, vector<128x128xi32>
    %reduce_min3A_1909 = arith.constant dense<2147483647> : vector<128xi32>
    %reduce_min3A_1910 = vector.multi_reduction <minsi>, %select_n3A_1908, %reduce_min3A_1909 [1] : vector<128x128xi32> to vector<128xi32>
    %broadcast_in_dim3A_1911 = vector.shape_cast %reduce_min3A_1910 : vector<128xi32> to vector<128x1xi32>
    %mul3A_1912 = arith.constant 2048 : i32
    %mul3A_1913 = arith.muli %arg1, %mul3A_1912 : i32
    %add3A_1914 = vector.broadcast %mul3A_1913 : i32 to vector<128x1xi32>
    %add3A_1915 = arith.addi %broadcast_in_dim3A_1911, %add3A_1914 : vector<128x1xi32>
    %get3A_1916 = arith.constant 640 : index
    %get3A_1917 = arith.constant 0 : index
    %get3A_1918 = vector.load %arg11[%get3A_1916, %get3A_1917] : memref<1024x1xf32, #tpu.memory_space<vmem>>, vector<128x1xf32>
    %lt3A_1919 = arith.cmpf olt, %broadcast_in_dim3A_1899, %get3A_1918 : vector<128x1xf32>
    %bitcast_convert_type3A_1920 = tpu.bitcast %broadcast_in_dim3A_1899 : vector<128x1xf32> -> vector<128x1xi32>
    %shift_right_logical3A_1921 = arith.constant 16 : i32
    %shift_right_logical3A_1922 = vector.broadcast %shift_right_logical3A_1921 : i32 to vector<128x1xi32>
    %shift_right_logical3A_1923 = arith.shrui %bitcast_convert_type3A_1920, %shift_right_logical3A_1922 : vector<128x1xi32>
    %and3A_1924 = arith.constant 1 : i32
    %and3A_1925 = vector.broadcast %and3A_1924 : i32 to vector<128x1xi32>
    %and3A_1926 = arith.andi %shift_right_logical3A_1923, %and3A_1925 : vector<128x1xi32>
    %add3A_1927 = arith.addi %bitcast_convert_type3A_1920, %and3A_1926 : vector<128x1xi32>
    %add3A_1928 = arith.constant 32767 : i32
    %add3A_1929 = vector.broadcast %add3A_1928 : i32 to vector<128x1xi32>
    %add3A_1930 = arith.addi %add3A_1927, %add3A_1929 : vector<128x1xi32>
    %and3A_1931 = arith.constant -65536 : i32
    %and3A_1932 = vector.broadcast %and3A_1931 : i32 to vector<128x1xi32>
    %and3A_1933 = arith.andi %add3A_1930, %and3A_1932 : vector<128x1xi32>
    %bitcast_convert_type3A_1934 = tpu.bitcast %and3A_1933 : vector<128x1xi32> -> vector<128x1xf32>
    %select_n3A_1935 = arith.select %lt3A_1919, %bitcast_convert_type3A_1934, %get3A_1918 : vector<128x1xi1>, vector<128x1xf32>
    %swap3A_1936 = arith.constant 640 : index
    %swap3A_1937 = arith.constant 0 : index
    %swap3A_1938 = vector.load %arg11[%swap3A_1936, %swap3A_1937] : memref<1024x1xf32, #tpu.memory_space<vmem>>, vector<128x1xf32>
    tpu.vector_store %arg11[%swap3A_1936, %swap3A_1937], %select_n3A_1935 {strides = array<i32>} : memref<1024x1xf32, #tpu.memory_space<vmem>>, vector<128x1xf32>,
    %get3A_1939 = arith.constant 640 : index
    %get3A_1940 = arith.constant 0 : index
    %get3A_1941 = vector.load %arg12[%get3A_1939, %get3A_1940] : memref<1024x1xi32, #tpu.memory_space<vmem>>, vector<128x1xi32>
    %select_n3A_1942 = arith.select %lt3A_1919, %add3A_1915, %get3A_1941 : vector<128x1xi1>, vector<128x1xi32>
    %swap3A_1943 = arith.constant 640 : index
    %swap3A_1944 = arith.constant 0 : index
    %swap3A_1945 = vector.load %arg12[%swap3A_1943, %swap3A_1944] : memref<1024x1xi32, #tpu.memory_space<vmem>>, vector<128x1xi32>
    tpu.vector_store %arg12[%swap3A_1943, %swap3A_1944], %select_n3A_1942 {strides = array<i32>} : memref<1024x1xi32, #tpu.memory_space<vmem>>, vector<128x1xi32>,
    %mul3A_1946 = arith.constant 1024 : i32
    %mul3A_1947 = arith.muli %arg0, %mul3A_1946 : i32
    %add3A_1948 = arith.constant 768 : i32
    %add3A_1949 = arith.addi %mul3A_1947, %add3A_1948 : i32
    %get3A_1950 = arith.index_cast %add3A_1949 : i32 to index
    %get3A_1951 = arith.constant 0 : index
    %get3A_1952 = vector.load %arg3[%get3A_1950, %get3A_1951] : memref<8192x1xf32, #tpu.memory_space<vmem>>, vector<128x1xf32>
    %slice3A_1953 = vector.extract_strided_slice %dot_general3A_17 {offsets = [768, 0], sizes = [128, 128], strides = [1, 1]} : vector<1024x2048xf32> to vector<128x128xf32>
    %add3A_1954 = vector.broadcast %get3A_1952 : vector<128x1xf32> to vector<128x128xf32>
    %add3A_1955 = arith.addf %slice3A_1953, %add3A_1954 : vector<128x128xf32>
    %mul3A_1956 = arith.constant 2048 : i32
    %mul3A_1957 = arith.muli %arg1, %mul3A_1956 : i32
    %get3A_1958 = arith.constant 0 : index
    %get3A_1959 = arith.index_cast %mul3A_1957 : i32 to index
    %get3A_1960 = vector.load %arg4[%get3A_1958, %get3A_1959] : memref<1x8192xf32, #tpu.memory_space<vmem>>, vector<1x128xf32>
    %add3A_1961 = vector.broadcast %get3A_1960 : vector<1x128xf32> to vector<128x128xf32>
    %add3A_1962 = arith.addf %add3A_1955, %add3A_1961 : vector<128x128xf32>
    %broadcast_in_dim3A_1963 = arith.constant 0 : i32
    %broadcast_in_dim3A_1964 = vector.broadcast %broadcast_in_dim3A_1963 : i32 to vector<128x128xi32>
    %slice3A_1965 = vector.extract_strided_slice %dot_general3A_17 {offsets = [768, 128], sizes = [128, 128], strides = [1, 1]} : vector<1024x2048xf32> to vector<128x128xf32>
    %add3A_1966 = vector.broadcast %get3A_1952 : vector<128x1xf32> to vector<128x128xf32>
    %add3A_1967 = arith.addf %slice3A_1965, %add3A_1966 : vector<128x128xf32>
    %mul3A_1968 = arith.constant 2048 : i32
    %mul3A_1969 = arith.muli %arg1, %mul3A_1968 : i32
    %add3A_1970 = arith.constant 128 : i32
    %add3A_1971 = arith.addi %mul3A_1969, %add3A_1970 : i32
    %get3A_1972 = arith.constant 0 : index
    %get3A_1973 = arith.index_cast %add3A_1971 : i32 to index
    %get3A_1974 = vector.load %arg4[%get3A_1972, %get3A_1973] : memref<1x8192xf32, #tpu.memory_space<vmem>>, vector<1x128xf32>
    %add3A_1975 = vector.broadcast %get3A_1974 : vector<1x128xf32> to vector<128x128xf32>
    %add3A_1976 = arith.addf %add3A_1967, %add3A_1975 : vector<128x128xf32>
    %lt3A_1977 = arith.cmpf olt, %add3A_1976, %add3A_1962 : vector<128x128xf32>
    %select_n3A_1978 = arith.select %lt3A_1977, %add3A_1976, %add3A_1962 : vector<128x128xi1>, vector<128x128xf32>
    %jit3A_1979 = arith.constant 1 : i32
    %broadcast_in_dim3A_1980 = vector.broadcast %jit3A_1979 : i32 to vector<128x128xi32>
    %select_n3A_1981 = arith.select %lt3A_1977, %broadcast_in_dim3A_1980, %broadcast_in_dim3A_1964 : vector<128x128xi1>, vector<128x128xi32>
    %slice3A_1982 = vector.extract_strided_slice %dot_general3A_17 {offsets = [768, 256], sizes = [128, 128], strides = [1, 1]} : vector<1024x2048xf32> to vector<128x128xf32>
    %add3A_1983 = vector.broadcast %get3A_1952 : vector<128x1xf32> to vector<128x128xf32>
    %add3A_1984 = arith.addf %slice3A_1982, %add3A_1983 : vector<128x128xf32>
    %mul3A_1985 = arith.constant 2048 : i32
    %mul3A_1986 = arith.muli %arg1, %mul3A_1985 : i32
    %add3A_1987 = arith.constant 256 : i32
    %add3A_1988 = arith.addi %mul3A_1986, %add3A_1987 : i32
    %get3A_1989 = arith.constant 0 : index
    %get3A_1990 = arith.index_cast %add3A_1988 : i32 to index
    %get3A_1991 = vector.load %arg4[%get3A_1989, %get3A_1990] : memref<1x8192xf32, #tpu.memory_space<vmem>>, vector<1x128xf32>
    %add3A_1992 = vector.broadcast %get3A_1991 : vector<1x128xf32> to vector<128x128xf32>
    %add3A_1993 = arith.addf %add3A_1984, %add3A_1992 : vector<128x128xf32>
    %lt3A_1994 = arith.cmpf olt, %add3A_1993, %select_n3A_1978 : vector<128x128xf32>
    %select_n3A_1995 = arith.select %lt3A_1994, %add3A_1993, %select_n3A_1978 : vector<128x128xi1>, vector<128x128xf32>
    %jit3A_1996 = arith.constant 2 : i32
    %broadcast_in_dim3A_1997 = vector.broadcast %jit3A_1996 : i32 to vector<128x128xi32>
    %select_n3A_1998 = arith.select %lt3A_1994, %broadcast_in_dim3A_1997, %select_n3A_1981 : vector<128x128xi1>, vector<128x128xi32>
    %slice3A_1999 = vector.extract_strided_slice %dot_general3A_17 {offsets = [768, 384], sizes = [128, 128], strides = [1, 1]} : vector<1024x2048xf32> to vector<128x128xf32>
    %add3A_2000 = vector.broadcast %get3A_1952 : vector<128x1xf32> to vector<128x128xf32>
    %add3A_2001 = arith.addf %slice3A_1999, %add3A_2000 : vector<128x128xf32>
    %mul3A_2002 = arith.constant 2048 : i32
    %mul3A_2003 = arith.muli %arg1, %mul3A_2002 : i32
    %add3A_2004 = arith.constant 384 : i32
    %add3A_2005 = arith.addi %mul3A_2003, %add3A_2004 : i32
    %get3A_2006 = arith.constant 0 : index
    %get3A_2007 = arith.index_cast %add3A_2005 : i32 to index
    %get3A_2008 = vector.load %arg4[%get3A_2006, %get3A_2007] : memref<1x8192xf32, #tpu.memory_space<vmem>>, vector<1x128xf32>
    %add3A_2009 = vector.broadcast %get3A_2008 : vector<1x128xf32> to vector<128x128xf32>
    %add3A_2010 = arith.addf %add3A_2001, %add3A_2009 : vector<128x128xf32>
    %lt3A_2011 = arith.cmpf olt, %add3A_2010, %select_n3A_1995 : vector<128x128xf32>
    %select_n3A_2012 = arith.select %lt3A_2011, %add3A_2010, %select_n3A_1995 : vector<128x128xi1>, vector<128x128xf32>
    %jit3A_2013 = arith.constant 3 : i32
    %broadcast_in_dim3A_2014 = vector.broadcast %jit3A_2013 : i32 to vector<128x128xi32>
    %select_n3A_2015 = arith.select %lt3A_2011, %broadcast_in_dim3A_2014, %select_n3A_1998 : vector<128x128xi1>, vector<128x128xi32>
    %slice3A_2016 = vector.extract_strided_slice %dot_general3A_17 {offsets = [768, 512], sizes = [128, 128], strides = [1, 1]} : vector<1024x2048xf32> to vector<128x128xf32>
    %add3A_2017 = vector.broadcast %get3A_1952 : vector<128x1xf32> to vector<128x128xf32>
    %add3A_2018 = arith.addf %slice3A_2016, %add3A_2017 : vector<128x128xf32>
    %mul3A_2019 = arith.constant 2048 : i32
    %mul3A_2020 = arith.muli %arg1, %mul3A_2019 : i32
    %add3A_2021 = arith.constant 512 : i32
    %add3A_2022 = arith.addi %mul3A_2020, %add3A_2021 : i32
    %get3A_2023 = arith.constant 0 : index
    %get3A_2024 = arith.index_cast %add3A_2022 : i32 to index
    %get3A_2025 = vector.load %arg4[%get3A_2023, %get3A_2024] : memref<1x8192xf32, #tpu.memory_space<vmem>>, vector<1x128xf32>
    %add3A_2026 = vector.broadcast %get3A_2025 : vector<1x128xf32> to vector<128x128xf32>
    %add3A_2027 = arith.addf %add3A_2018, %add3A_2026 : vector<128x128xf32>
    %lt3A_2028 = arith.cmpf olt, %add3A_2027, %select_n3A_2012 : vector<128x128xf32>
    %select_n3A_2029 = arith.select %lt3A_2028, %add3A_2027, %select_n3A_2012 : vector<128x128xi1>, vector<128x128xf32>
    %jit3A_2030 = arith.constant 4 : i32
    %broadcast_in_dim3A_2031 = vector.broadcast %jit3A_2030 : i32 to vector<128x128xi32>
    %select_n3A_2032 = arith.select %lt3A_2028, %broadcast_in_dim3A_2031, %select_n3A_2015 : vector<128x128xi1>, vector<128x128xi32>
    %slice3A_2033 = vector.extract_strided_slice %dot_general3A_17 {offsets = [768, 640], sizes = [128, 128], strides = [1, 1]} : vector<1024x2048xf32> to vector<128x128xf32>
    %add3A_2034 = vector.broadcast %get3A_1952 : vector<128x1xf32> to vector<128x128xf32>
    %add3A_2035 = arith.addf %slice3A_2033, %add3A_2034 : vector<128x128xf32>
    %mul3A_2036 = arith.constant 2048 : i32
    %mul3A_2037 = arith.muli %arg1, %mul3A_2036 : i32
    %add3A_2038 = arith.constant 640 : i32
    %add3A_2039 = arith.addi %mul3A_2037, %add3A_2038 : i32
    %get3A_2040 = arith.constant 0 : index
    %get3A_2041 = arith.index_cast %add3A_2039 : i32 to index
    %get3A_2042 = vector.load %arg4[%get3A_2040, %get3A_2041] : memref<1x8192xf32, #tpu.memory_space<vmem>>, vector<1x128xf32>
    %add3A_2043 = vector.broadcast %get3A_2042 : vector<1x128xf32> to vector<128x128xf32>
    %add3A_2044 = arith.addf %add3A_2035, %add3A_2043 : vector<128x128xf32>
    %lt3A_2045 = arith.cmpf olt, %add3A_2044, %select_n3A_2029 : vector<128x128xf32>
    %select_n3A_2046 = arith.select %lt3A_2045, %add3A_2044, %select_n3A_2029 : vector<128x128xi1>, vector<128x128xf32>
    %jit3A_2047 = arith.constant 5 : i32
    %broadcast_in_dim3A_2048 = vector.broadcast %jit3A_2047 : i32 to vector<128x128xi32>
    %select_n3A_2049 = arith.select %lt3A_2045, %broadcast_in_dim3A_2048, %select_n3A_2032 : vector<128x128xi1>, vector<128x128xi32>
    %slice3A_2050 = vector.extract_strided_slice %dot_general3A_17 {offsets = [768, 768], sizes = [128, 128], strides = [1, 1]} : vector<1024x2048xf32> to vector<128x128xf32>
    %add3A_2051 = vector.broadcast %get3A_1952 : vector<128x1xf32> to vector<128x128xf32>
    %add3A_2052 = arith.addf %slice3A_2050, %add3A_2051 : vector<128x128xf32>
    %mul3A_2053 = arith.constant 2048 : i32
    %mul3A_2054 = arith.muli %arg1, %mul3A_2053 : i32
    %add3A_2055 = arith.constant 768 : i32
    %add3A_2056 = arith.addi %mul3A_2054, %add3A_2055 : i32
    %get3A_2057 = arith.constant 0 : index
    %get3A_2058 = arith.index_cast %add3A_2056 : i32 to index
    %get3A_2059 = vector.load %arg4[%get3A_2057, %get3A_2058] : memref<1x8192xf32, #tpu.memory_space<vmem>>, vector<1x128xf32>
    %add3A_2060 = vector.broadcast %get3A_2059 : vector<1x128xf32> to vector<128x128xf32>
    %add3A_2061 = arith.addf %add3A_2052, %add3A_2060 : vector<128x128xf32>
    %lt3A_2062 = arith.cmpf olt, %add3A_2061, %select_n3A_2046 : vector<128x128xf32>
    %select_n3A_2063 = arith.select %lt3A_2062, %add3A_2061, %select_n3A_2046 : vector<128x128xi1>, vector<128x128xf32>
    %jit3A_2064 = arith.constant 6 : i32
    %broadcast_in_dim3A_2065 = vector.broadcast %jit3A_2064 : i32 to vector<128x128xi32>
    %select_n3A_2066 = arith.select %lt3A_2062, %broadcast_in_dim3A_2065, %select_n3A_2049 : vector<128x128xi1>, vector<128x128xi32>
    %slice3A_2067 = vector.extract_strided_slice %dot_general3A_17 {offsets = [768, 896], sizes = [128, 128], strides = [1, 1]} : vector<1024x2048xf32> to vector<128x128xf32>
    %add3A_2068 = vector.broadcast %get3A_1952 : vector<128x1xf32> to vector<128x128xf32>
    %add3A_2069 = arith.addf %slice3A_2067, %add3A_2068 : vector<128x128xf32>
    %mul3A_2070 = arith.constant 2048 : i32
    %mul3A_2071 = arith.muli %arg1, %mul3A_2070 : i32
    %add3A_2072 = arith.constant 896 : i32
    %add3A_2073 = arith.addi %mul3A_2071, %add3A_2072 : i32
    %get3A_2074 = arith.constant 0 : index
    %get3A_2075 = arith.index_cast %add3A_2073 : i32 to index
    %get3A_2076 = vector.load %arg4[%get3A_2074, %get3A_2075] : memref<1x8192xf32, #tpu.memory_space<vmem>>, vector<1x128xf32>
    %add3A_2077 = vector.broadcast %get3A_2076 : vector<1x128xf32> to vector<128x128xf32>
    %add3A_2078 = arith.addf %add3A_2069, %add3A_2077 : vector<128x128xf32>
    %lt3A_2079 = arith.cmpf olt, %add3A_2078, %select_n3A_2063 : vector<128x128xf32>
    %select_n3A_2080 = arith.select %lt3A_2079, %add3A_2078, %select_n3A_2063 : vector<128x128xi1>, vector<128x128xf32>
    %jit3A_2081 = arith.constant 7 : i32
    %broadcast_in_dim3A_2082 = vector.broadcast %jit3A_2081 : i32 to vector<128x128xi32>
    %select_n3A_2083 = arith.select %lt3A_2079, %broadcast_in_dim3A_2082, %select_n3A_2066 : vector<128x128xi1>, vector<128x128xi32>
    %slice3A_2084 = vector.extract_strided_slice %dot_general3A_17 {offsets = [768, 1024], sizes = [128, 128], strides = [1, 1]} : vector<1024x2048xf32> to vector<128x128xf32>
    %add3A_2085 = vector.broadcast %get3A_1952 : vector<128x1xf32> to vector<128x128xf32>
    %add3A_2086 = arith.addf %slice3A_2084, %add3A_2085 : vector<128x128xf32>
    %mul3A_2087 = arith.constant 2048 : i32
    %mul3A_2088 = arith.muli %arg1, %mul3A_2087 : i32
    %add3A_2089 = arith.constant 1024 : i32
    %add3A_2090 = arith.addi %mul3A_2088, %add3A_2089 : i32
    %get3A_2091 = arith.constant 0 : index
    %get3A_2092 = arith.index_cast %add3A_2090 : i32 to index
    %get3A_2093 = vector.load %arg4[%get3A_2091, %get3A_2092] : memref<1x8192xf32, #tpu.memory_space<vmem>>, vector<1x128xf32>
    %add3A_2094 = vector.broadcast %get3A_2093 : vector<1x128xf32> to vector<128x128xf32>
    %add3A_2095 = arith.addf %add3A_2086, %add3A_2094 : vector<128x128xf32>
    %lt3A_2096 = arith.cmpf olt, %add3A_2095, %select_n3A_2080 : vector<128x128xf32>
    %select_n3A_2097 = arith.select %lt3A_2096, %add3A_2095, %select_n3A_2080 : vector<128x128xi1>, vector<128x128xf32>
    %jit3A_2098 = arith.constant 8 : i32
    %broadcast_in_dim3A_2099 = vector.broadcast %jit3A_2098 : i32 to vector<128x128xi32>
    %select_n3A_2100 = arith.select %lt3A_2096, %broadcast_in_dim3A_2099, %select_n3A_2083 : vector<128x128xi1>, vector<128x128xi32>
    %slice3A_2101 = vector.extract_strided_slice %dot_general3A_17 {offsets = [768, 1152], sizes = [128, 128], strides = [1, 1]} : vector<1024x2048xf32> to vector<128x128xf32>
    %add3A_2102 = vector.broadcast %get3A_1952 : vector<128x1xf32> to vector<128x128xf32>
    %add3A_2103 = arith.addf %slice3A_2101, %add3A_2102 : vector<128x128xf32>
    %mul3A_2104 = arith.constant 2048 : i32
    %mul3A_2105 = arith.muli %arg1, %mul3A_2104 : i32
    %add3A_2106 = arith.constant 1152 : i32
    %add3A_2107 = arith.addi %mul3A_2105, %add3A_2106 : i32
    %get3A_2108 = arith.constant 0 : index
    %get3A_2109 = arith.index_cast %add3A_2107 : i32 to index
    %get3A_2110 = vector.load %arg4[%get3A_2108, %get3A_2109] : memref<1x8192xf32, #tpu.memory_space<vmem>>, vector<1x128xf32>
    %add3A_2111 = vector.broadcast %get3A_2110 : vector<1x128xf32> to vector<128x128xf32>
    %add3A_2112 = arith.addf %add3A_2103, %add3A_2111 : vector<128x128xf32>
    %lt3A_2113 = arith.cmpf olt, %add3A_2112, %select_n3A_2097 : vector<128x128xf32>
    %select_n3A_2114 = arith.select %lt3A_2113, %add3A_2112, %select_n3A_2097 : vector<128x128xi1>, vector<128x128xf32>
    %jit3A_2115 = arith.constant 9 : i32
    %broadcast_in_dim3A_2116 = vector.broadcast %jit3A_2115 : i32 to vector<128x128xi32>
    %select_n3A_2117 = arith.select %lt3A_2113, %broadcast_in_dim3A_2116, %select_n3A_2100 : vector<128x128xi1>, vector<128x128xi32>
    %slice3A_2118 = vector.extract_strided_slice %dot_general3A_17 {offsets = [768, 1280], sizes = [128, 128], strides = [1, 1]} : vector<1024x2048xf32> to vector<128x128xf32>
    %add3A_2119 = vector.broadcast %get3A_1952 : vector<128x1xf32> to vector<128x128xf32>
    %add3A_2120 = arith.addf %slice3A_2118, %add3A_2119 : vector<128x128xf32>
    %mul3A_2121 = arith.constant 2048 : i32
    %mul3A_2122 = arith.muli %arg1, %mul3A_2121 : i32
    %add3A_2123 = arith.constant 1280 : i32
    %add3A_2124 = arith.addi %mul3A_2122, %add3A_2123 : i32
    %get3A_2125 = arith.constant 0 : index
    %get3A_2126 = arith.index_cast %add3A_2124 : i32 to index
    %get3A_2127 = vector.load %arg4[%get3A_2125, %get3A_2126] : memref<1x8192xf32, #tpu.memory_space<vmem>>, vector<1x128xf32>
    %add3A_2128 = vector.broadcast %get3A_2127 : vector<1x128xf32> to vector<128x128xf32>
    %add3A_2129 = arith.addf %add3A_2120, %add3A_2128 : vector<128x128xf32>
    %lt3A_2130 = arith.cmpf olt, %add3A_2129, %select_n3A_2114 : vector<128x128xf32>
    %select_n3A_2131 = arith.select %lt3A_2130, %add3A_2129, %select_n3A_2114 : vector<128x128xi1>, vector<128x128xf32>
    %jit3A_2132 = arith.constant 10 : i32
    %broadcast_in_dim3A_2133 = vector.broadcast %jit3A_2132 : i32 to vector<128x128xi32>
    %select_n3A_2134 = arith.select %lt3A_2130, %broadcast_in_dim3A_2133, %select_n3A_2117 : vector<128x128xi1>, vector<128x128xi32>
    %slice3A_2135 = vector.extract_strided_slice %dot_general3A_17 {offsets = [768, 1408], sizes = [128, 128], strides = [1, 1]} : vector<1024x2048xf32> to vector<128x128xf32>
    %add3A_2136 = vector.broadcast %get3A_1952 : vector<128x1xf32> to vector<128x128xf32>
    %add3A_2137 = arith.addf %slice3A_2135, %add3A_2136 : vector<128x128xf32>
    %mul3A_2138 = arith.constant 2048 : i32
    %mul3A_2139 = arith.muli %arg1, %mul3A_2138 : i32
    %add3A_2140 = arith.constant 1408 : i32
    %add3A_2141 = arith.addi %mul3A_2139, %add3A_2140 : i32
    %get3A_2142 = arith.constant 0 : index
    %get3A_2143 = arith.index_cast %add3A_2141 : i32 to index
    %get3A_2144 = vector.load %arg4[%get3A_2142, %get3A_2143] : memref<1x8192xf32, #tpu.memory_space<vmem>>, vector<1x128xf32>
    %add3A_2145 = vector.broadcast %get3A_2144 : vector<1x128xf32> to vector<128x128xf32>
    %add3A_2146 = arith.addf %add3A_2137, %add3A_2145 : vector<128x128xf32>
    %lt3A_2147 = arith.cmpf olt, %add3A_2146, %select_n3A_2131 : vector<128x128xf32>
    %select_n3A_2148 = arith.select %lt3A_2147, %add3A_2146, %select_n3A_2131 : vector<128x128xi1>, vector<128x128xf32>
    %jit3A_2149 = arith.constant 11 : i32
    %broadcast_in_dim3A_2150 = vector.broadcast %jit3A_2149 : i32 to vector<128x128xi32>
    %select_n3A_2151 = arith.select %lt3A_2147, %broadcast_in_dim3A_2150, %select_n3A_2134 : vector<128x128xi1>, vector<128x128xi32>
    %slice3A_2152 = vector.extract_strided_slice %dot_general3A_17 {offsets = [768, 1536], sizes = [128, 128], strides = [1, 1]} : vector<1024x2048xf32> to vector<128x128xf32>
    %add3A_2153 = vector.broadcast %get3A_1952 : vector<128x1xf32> to vector<128x128xf32>
    %add3A_2154 = arith.addf %slice3A_2152, %add3A_2153 : vector<128x128xf32>
    %mul3A_2155 = arith.constant 2048 : i32
    %mul3A_2156 = arith.muli %arg1, %mul3A_2155 : i32
    %add3A_2157 = arith.constant 1536 : i32
    %add3A_2158 = arith.addi %mul3A_2156, %add3A_2157 : i32
    %get3A_2159 = arith.constant 0 : index
    %get3A_2160 = arith.index_cast %add3A_2158 : i32 to index
    %get3A_2161 = vector.load %arg4[%get3A_2159, %get3A_2160] : memref<1x8192xf32, #tpu.memory_space<vmem>>, vector<1x128xf32>
    %add3A_2162 = vector.broadcast %get3A_2161 : vector<1x128xf32> to vector<128x128xf32>
    %add3A_2163 = arith.addf %add3A_2154, %add3A_2162 : vector<128x128xf32>
    %lt3A_2164 = arith.cmpf olt, %add3A_2163, %select_n3A_2148 : vector<128x128xf32>
    %select_n3A_2165 = arith.select %lt3A_2164, %add3A_2163, %select_n3A_2148 : vector<128x128xi1>, vector<128x128xf32>
    %jit3A_2166 = arith.constant 12 : i32
    %broadcast_in_dim3A_2167 = vector.broadcast %jit3A_2166 : i32 to vector<128x128xi32>
    %select_n3A_2168 = arith.select %lt3A_2164, %broadcast_in_dim3A_2167, %select_n3A_2151 : vector<128x128xi1>, vector<128x128xi32>
    %slice3A_2169 = vector.extract_strided_slice %dot_general3A_17 {offsets = [768, 1664], sizes = [128, 128], strides = [1, 1]} : vector<1024x2048xf32> to vector<128x128xf32>
    %add3A_2170 = vector.broadcast %get3A_1952 : vector<128x1xf32> to vector<128x128xf32>
    %add3A_2171 = arith.addf %slice3A_2169, %add3A_2170 : vector<128x128xf32>
    %mul3A_2172 = arith.constant 2048 : i32
    %mul3A_2173 = arith.muli %arg1, %mul3A_2172 : i32
    %add3A_2174 = arith.constant 1664 : i32
    %add3A_2175 = arith.addi %mul3A_2173, %add3A_2174 : i32
    %get3A_2176 = arith.constant 0 : index
    %get3A_2177 = arith.index_cast %add3A_2175 : i32 to index
    %get3A_2178 = vector.load %arg4[%get3A_2176, %get3A_2177] : memref<1x8192xf32, #tpu.memory_space<vmem>>, vector<1x128xf32>
    %add3A_2179 = vector.broadcast %get3A_2178 : vector<1x128xf32> to vector<128x128xf32>
    %add3A_2180 = arith.addf %add3A_2171, %add3A_2179 : vector<128x128xf32>
    %lt3A_2181 = arith.cmpf olt, %add3A_2180, %select_n3A_2165 : vector<128x128xf32>
    %select_n3A_2182 = arith.select %lt3A_2181, %add3A_2180, %select_n3A_2165 : vector<128x128xi1>, vector<128x128xf32>
    %jit3A_2183 = arith.constant 13 : i32
    %broadcast_in_dim3A_2184 = vector.broadcast %jit3A_2183 : i32 to vector<128x128xi32>
    %select_n3A_2185 = arith.select %lt3A_2181, %broadcast_in_dim3A_2184, %select_n3A_2168 : vector<128x128xi1>, vector<128x128xi32>
    %slice3A_2186 = vector.extract_strided_slice %dot_general3A_17 {offsets = [768, 1792], sizes = [128, 128], strides = [1, 1]} : vector<1024x2048xf32> to vector<128x128xf32>
    %add3A_2187 = vector.broadcast %get3A_1952 : vector<128x1xf32> to vector<128x128xf32>
    %add3A_2188 = arith.addf %slice3A_2186, %add3A_2187 : vector<128x128xf32>
    %mul3A_2189 = arith.constant 2048 : i32
    %mul3A_2190 = arith.muli %arg1, %mul3A_2189 : i32
    %add3A_2191 = arith.constant 1792 : i32
    %add3A_2192 = arith.addi %mul3A_2190, %add3A_2191 : i32
    %get3A_2193 = arith.constant 0 : index
    %get3A_2194 = arith.index_cast %add3A_2192 : i32 to index
    %get3A_2195 = vector.load %arg4[%get3A_2193, %get3A_2194] : memref<1x8192xf32, #tpu.memory_space<vmem>>, vector<1x128xf32>
    %add3A_2196 = vector.broadcast %get3A_2195 : vector<1x128xf32> to vector<128x128xf32>
    %add3A_2197 = arith.addf %add3A_2188, %add3A_2196 : vector<128x128xf32>
    %lt3A_2198 = arith.cmpf olt, %add3A_2197, %select_n3A_2182 : vector<128x128xf32>
    %select_n3A_2199 = arith.select %lt3A_2198, %add3A_2197, %select_n3A_2182 : vector<128x128xi1>, vector<128x128xf32>
    %jit3A_2200 = arith.constant 14 : i32
    %broadcast_in_dim3A_2201 = vector.broadcast %jit3A_2200 : i32 to vector<128x128xi32>
    %select_n3A_2202 = arith.select %lt3A_2198, %broadcast_in_dim3A_2201, %select_n3A_2185 : vector<128x128xi1>, vector<128x128xi32>
    %slice3A_2203 = vector.extract_strided_slice %dot_general3A_17 {offsets = [768, 1920], sizes = [128, 128], strides = [1, 1]} : vector<1024x2048xf32> to vector<128x128xf32>
    %add3A_2204 = vector.broadcast %get3A_1952 : vector<128x1xf32> to vector<128x128xf32>
    %add3A_2205 = arith.addf %slice3A_2203, %add3A_2204 : vector<128x128xf32>
    %mul3A_2206 = arith.constant 2048 : i32
    %mul3A_2207 = arith.muli %arg1, %mul3A_2206 : i32
    %add3A_2208 = arith.constant 1920 : i32
    %add3A_2209 = arith.addi %mul3A_2207, %add3A_2208 : i32
    %get3A_2210 = arith.constant 0 : index
    %get3A_2211 = arith.index_cast %add3A_2209 : i32 to index
    %get3A_2212 = vector.load %arg4[%get3A_2210, %get3A_2211] : memref<1x8192xf32, #tpu.memory_space<vmem>>, vector<1x128xf32>
    %add3A_2213 = vector.broadcast %get3A_2212 : vector<1x128xf32> to vector<128x128xf32>
    %add3A_2214 = arith.addf %add3A_2205, %add3A_2213 : vector<128x128xf32>
    %lt3A_2215 = arith.cmpf olt, %add3A_2214, %select_n3A_2199 : vector<128x128xf32>
    %select_n3A_2216 = arith.select %lt3A_2215, %add3A_2214, %select_n3A_2199 : vector<128x128xi1>, vector<128x128xf32>
    %jit3A_2217 = arith.constant 15 : i32
    %broadcast_in_dim3A_2218 = vector.broadcast %jit3A_2217 : i32 to vector<128x128xi32>
    %select_n3A_2219 = arith.select %lt3A_2215, %broadcast_in_dim3A_2218, %select_n3A_2202 : vector<128x128xi1>, vector<128x128xi32>
    %reduce_min3A_2220 = arith.constant dense<0x7F800000> : vector<128xf32>
    %reduce_min3A_2221 = vector.multi_reduction <minimumf>, %select_n3A_2216, %reduce_min3A_2220 [1] : vector<128x128xf32> to vector<128xf32>
    %broadcast_in_dim3A_2222 = vector.shape_cast %reduce_min3A_2221 : vector<128xf32> to vector<128x1xf32>
    %mul3A_2223 = arith.constant 128 : i32
    %mul3A_2224 = vector.broadcast %mul3A_2223 : i32 to vector<128x128xi32>
    %mul3A_2225 = arith.muli %select_n3A_2219, %mul3A_2224 : vector<128x128xi32>
    %add3A_2226 = arith.addi %mul3A_2225, %iota3A : vector<128x128xi32>
    %eq3A_2227 = vector.broadcast %broadcast_in_dim3A_2222 : vector<128x1xf32> to vector<128x128xf32>
    %eq3A_2228 = arith.cmpf oeq, %select_n3A_2216, %eq3A_2227 : vector<128x128xf32>
    %jit3A_2229 = arith.constant 8192 : i32
    %broadcast_in_dim3A_2230 = vector.broadcast %jit3A_2229 : i32 to vector<128x128xi32>
    %select_n3A_2231 = arith.select %eq3A_2228, %add3A_2226, %broadcast_in_dim3A_2230 : vector<128x128xi1>, vector<128x128xi32>
    %reduce_min3A_2232 = arith.constant dense<2147483647> : vector<128xi32>
    %reduce_min3A_2233 = vector.multi_reduction <minsi>, %select_n3A_2231, %reduce_min3A_2232 [1] : vector<128x128xi32> to vector<128xi32>
    %broadcast_in_dim3A_2234 = vector.shape_cast %reduce_min3A_2233 : vector<128xi32> to vector<128x1xi32>
    %mul3A_2235 = arith.constant 2048 : i32
    %mul3A_2236 = arith.muli %arg1, %mul3A_2235 : i32
    %add3A_2237 = vector.broadcast %mul3A_2236 : i32 to vector<128x1xi32>
    %add3A_2238 = arith.addi %broadcast_in_dim3A_2234, %add3A_2237 : vector<128x1xi32>
    %get3A_2239 = arith.constant 768 : index
    %get3A_2240 = arith.constant 0 : index
    %get3A_2241 = vector.load %arg11[%get3A_2239, %get3A_2240] : memref<1024x1xf32, #tpu.memory_space<vmem>>, vector<128x1xf32>
    %lt3A_2242 = arith.cmpf olt, %broadcast_in_dim3A_2222, %get3A_2241 : vector<128x1xf32>
    %bitcast_convert_type3A_2243 = tpu.bitcast %broadcast_in_dim3A_2222 : vector<128x1xf32> -> vector<128x1xi32>
    %shift_right_logical3A_2244 = arith.constant 16 : i32
    %shift_right_logical3A_2245 = vector.broadcast %shift_right_logical3A_2244 : i32 to vector<128x1xi32>
    %shift_right_logical3A_2246 = arith.shrui %bitcast_convert_type3A_2243, %shift_right_logical3A_2245 : vector<128x1xi32>
    %and3A_2247 = arith.constant 1 : i32
    %and3A_2248 = vector.broadcast %and3A_2247 : i32 to vector<128x1xi32>
    %and3A_2249 = arith.andi %shift_right_logical3A_2246, %and3A_2248 : vector<128x1xi32>
    %add3A_2250 = arith.addi %bitcast_convert_type3A_2243, %and3A_2249 : vector<128x1xi32>
    %add3A_2251 = arith.constant 32767 : i32
    %add3A_2252 = vector.broadcast %add3A_2251 : i32 to vector<128x1xi32>
    %add3A_2253 = arith.addi %add3A_2250, %add3A_2252 : vector<128x1xi32>
    %and3A_2254 = arith.constant -65536 : i32
    %and3A_2255 = vector.broadcast %and3A_2254 : i32 to vector<128x1xi32>
    %and3A_2256 = arith.andi %add3A_2253, %and3A_2255 : vector<128x1xi32>
    %bitcast_convert_type3A_2257 = tpu.bitcast %and3A_2256 : vector<128x1xi32> -> vector<128x1xf32>
    %select_n3A_2258 = arith.select %lt3A_2242, %bitcast_convert_type3A_2257, %get3A_2241 : vector<128x1xi1>, vector<128x1xf32>
    %swap3A_2259 = arith.constant 768 : index
    %swap3A_2260 = arith.constant 0 : index
    %swap3A_2261 = vector.load %arg11[%swap3A_2259, %swap3A_2260] : memref<1024x1xf32, #tpu.memory_space<vmem>>, vector<128x1xf32>
    tpu.vector_store %arg11[%swap3A_2259, %swap3A_2260], %select_n3A_2258 {strides = array<i32>} : memref<1024x1xf32, #tpu.memory_space<vmem>>, vector<128x1xf32>,
    %get3A_2262 = arith.constant 768 : index
    %get3A_2263 = arith.constant 0 : index
    %get3A_2264 = vector.load %arg12[%get3A_2262, %get3A_2263] : memref<1024x1xi32, #tpu.memory_space<vmem>>, vector<128x1xi32>
    %select_n3A_2265 = arith.select %lt3A_2242, %add3A_2238, %get3A_2264 : vector<128x1xi1>, vector<128x1xi32>
    %swap3A_2266 = arith.constant 768 : index
    %swap3A_2267 = arith.constant 0 : index
    %swap3A_2268 = vector.load %arg12[%swap3A_2266, %swap3A_2267] : memref<1024x1xi32, #tpu.memory_space<vmem>>, vector<128x1xi32>
    tpu.vector_store %arg12[%swap3A_2266, %swap3A_2267], %select_n3A_2265 {strides = array<i32>} : memref<1024x1xi32, #tpu.memory_space<vmem>>, vector<128x1xi32>,
    %mul3A_2269 = arith.constant 1024 : i32
    %mul3A_2270 = arith.muli %arg0, %mul3A_2269 : i32
    %add3A_2271 = arith.constant 896 : i32
    %add3A_2272 = arith.addi %mul3A_2270, %add3A_2271 : i32
    %get3A_2273 = arith.index_cast %add3A_2272 : i32 to index
    %get3A_2274 = arith.constant 0 : index
    %get3A_2275 = vector.load %arg3[%get3A_2273, %get3A_2274] : memref<8192x1xf32, #tpu.memory_space<vmem>>, vector<128x1xf32>
    %slice3A_2276 = vector.extract_strided_slice %dot_general3A_17 {offsets = [896, 0], sizes = [128, 128], strides = [1, 1]} : vector<1024x2048xf32> to vector<128x128xf32>
    %add3A_2277 = vector.broadcast %get3A_2275 : vector<128x1xf32> to vector<128x128xf32>
    %add3A_2278 = arith.addf %slice3A_2276, %add3A_2277 : vector<128x128xf32>
    %mul3A_2279 = arith.constant 2048 : i32
    %mul3A_2280 = arith.muli %arg1, %mul3A_2279 : i32
    %get3A_2281 = arith.constant 0 : index
    %get3A_2282 = arith.index_cast %mul3A_2280 : i32 to index
    %get3A_2283 = vector.load %arg4[%get3A_2281, %get3A_2282] : memref<1x8192xf32, #tpu.memory_space<vmem>>, vector<1x128xf32>
    %add3A_2284 = vector.broadcast %get3A_2283 : vector<1x128xf32> to vector<128x128xf32>
    %add3A_2285 = arith.addf %add3A_2278, %add3A_2284 : vector<128x128xf32>
    %broadcast_in_dim3A_2286 = arith.constant 0 : i32
    %broadcast_in_dim3A_2287 = vector.broadcast %broadcast_in_dim3A_2286 : i32 to vector<128x128xi32>
    %slice3A_2288 = vector.extract_strided_slice %dot_general3A_17 {offsets = [896, 128], sizes = [128, 128], strides = [1, 1]} : vector<1024x2048xf32> to vector<128x128xf32>
    %add3A_2289 = vector.broadcast %get3A_2275 : vector<128x1xf32> to vector<128x128xf32>
    %add3A_2290 = arith.addf %slice3A_2288, %add3A_2289 : vector<128x128xf32>
    %mul3A_2291 = arith.constant 2048 : i32
    %mul3A_2292 = arith.muli %arg1, %mul3A_2291 : i32
    %add3A_2293 = arith.constant 128 : i32
    %add3A_2294 = arith.addi %mul3A_2292, %add3A_2293 : i32
    %get3A_2295 = arith.constant 0 : index
    %get3A_2296 = arith.index_cast %add3A_2294 : i32 to index
    %get3A_2297 = vector.load %arg4[%get3A_2295, %get3A_2296] : memref<1x8192xf32, #tpu.memory_space<vmem>>, vector<1x128xf32>
    %add3A_2298 = vector.broadcast %get3A_2297 : vector<1x128xf32> to vector<128x128xf32>
    %add3A_2299 = arith.addf %add3A_2290, %add3A_2298 : vector<128x128xf32>
    %lt3A_2300 = arith.cmpf olt, %add3A_2299, %add3A_2285 : vector<128x128xf32>
    %select_n3A_2301 = arith.select %lt3A_2300, %add3A_2299, %add3A_2285 : vector<128x128xi1>, vector<128x128xf32>
    %jit3A_2302 = arith.constant 1 : i32
    %broadcast_in_dim3A_2303 = vector.broadcast %jit3A_2302 : i32 to vector<128x128xi32>
    %select_n3A_2304 = arith.select %lt3A_2300, %broadcast_in_dim3A_2303, %broadcast_in_dim3A_2287 : vector<128x128xi1>, vector<128x128xi32>
    %slice3A_2305 = vector.extract_strided_slice %dot_general3A_17 {offsets = [896, 256], sizes = [128, 128], strides = [1, 1]} : vector<1024x2048xf32> to vector<128x128xf32>
    %add3A_2306 = vector.broadcast %get3A_2275 : vector<128x1xf32> to vector<128x128xf32>
    %add3A_2307 = arith.addf %slice3A_2305, %add3A_2306 : vector<128x128xf32>
    %mul3A_2308 = arith.constant 2048 : i32
    %mul3A_2309 = arith.muli %arg1, %mul3A_2308 : i32
    %add3A_2310 = arith.constant 256 : i32
    %add3A_2311 = arith.addi %mul3A_2309, %add3A_2310 : i32
    %get3A_2312 = arith.constant 0 : index
    %get3A_2313 = arith.index_cast %add3A_2311 : i32 to index
    %get3A_2314 = vector.load %arg4[%get3A_2312, %get3A_2313] : memref<1x8192xf32, #tpu.memory_space<vmem>>, vector<1x128xf32>
    %add3A_2315 = vector.broadcast %get3A_2314 : vector<1x128xf32> to vector<128x128xf32>
    %add3A_2316 = arith.addf %add3A_2307, %add3A_2315 : vector<128x128xf32>
    %lt3A_2317 = arith.cmpf olt, %add3A_2316, %select_n3A_2301 : vector<128x128xf32>
    %select_n3A_2318 = arith.select %lt3A_2317, %add3A_2316, %select_n3A_2301 : vector<128x128xi1>, vector<128x128xf32>
    %jit3A_2319 = arith.constant 2 : i32
    %broadcast_in_dim3A_2320 = vector.broadcast %jit3A_2319 : i32 to vector<128x128xi32>
    %select_n3A_2321 = arith.select %lt3A_2317, %broadcast_in_dim3A_2320, %select_n3A_2304 : vector<128x128xi1>, vector<128x128xi32>
    %slice3A_2322 = vector.extract_strided_slice %dot_general3A_17 {offsets = [896, 384], sizes = [128, 128], strides = [1, 1]} : vector<1024x2048xf32> to vector<128x128xf32>
    %add3A_2323 = vector.broadcast %get3A_2275 : vector<128x1xf32> to vector<128x128xf32>
    %add3A_2324 = arith.addf %slice3A_2322, %add3A_2323 : vector<128x128xf32>
    %mul3A_2325 = arith.constant 2048 : i32
    %mul3A_2326 = arith.muli %arg1, %mul3A_2325 : i32
    %add3A_2327 = arith.constant 384 : i32
    %add3A_2328 = arith.addi %mul3A_2326, %add3A_2327 : i32
    %get3A_2329 = arith.constant 0 : index
    %get3A_2330 = arith.index_cast %add3A_2328 : i32 to index
    %get3A_2331 = vector.load %arg4[%get3A_2329, %get3A_2330] : memref<1x8192xf32, #tpu.memory_space<vmem>>, vector<1x128xf32>
    %add3A_2332 = vector.broadcast %get3A_2331 : vector<1x128xf32> to vector<128x128xf32>
    %add3A_2333 = arith.addf %add3A_2324, %add3A_2332 : vector<128x128xf32>
    %lt3A_2334 = arith.cmpf olt, %add3A_2333, %select_n3A_2318 : vector<128x128xf32>
    %select_n3A_2335 = arith.select %lt3A_2334, %add3A_2333, %select_n3A_2318 : vector<128x128xi1>, vector<128x128xf32>
    %jit3A_2336 = arith.constant 3 : i32
    %broadcast_in_dim3A_2337 = vector.broadcast %jit3A_2336 : i32 to vector<128x128xi32>
    %select_n3A_2338 = arith.select %lt3A_2334, %broadcast_in_dim3A_2337, %select_n3A_2321 : vector<128x128xi1>, vector<128x128xi32>
    %slice3A_2339 = vector.extract_strided_slice %dot_general3A_17 {offsets = [896, 512], sizes = [128, 128], strides = [1, 1]} : vector<1024x2048xf32> to vector<128x128xf32>
    %add3A_2340 = vector.broadcast %get3A_2275 : vector<128x1xf32> to vector<128x128xf32>
    %add3A_2341 = arith.addf %slice3A_2339, %add3A_2340 : vector<128x128xf32>
    %mul3A_2342 = arith.constant 2048 : i32
    %mul3A_2343 = arith.muli %arg1, %mul3A_2342 : i32
    %add3A_2344 = arith.constant 512 : i32
    %add3A_2345 = arith.addi %mul3A_2343, %add3A_2344 : i32
    %get3A_2346 = arith.constant 0 : index
    %get3A_2347 = arith.index_cast %add3A_2345 : i32 to index
    %get3A_2348 = vector.load %arg4[%get3A_2346, %get3A_2347] : memref<1x8192xf32, #tpu.memory_space<vmem>>, vector<1x128xf32>
    %add3A_2349 = vector.broadcast %get3A_2348 : vector<1x128xf32> to vector<128x128xf32>
    %add3A_2350 = arith.addf %add3A_2341, %add3A_2349 : vector<128x128xf32>
    %lt3A_2351 = arith.cmpf olt, %add3A_2350, %select_n3A_2335 : vector<128x128xf32>
    %select_n3A_2352 = arith.select %lt3A_2351, %add3A_2350, %select_n3A_2335 : vector<128x128xi1>, vector<128x128xf32>
    %jit3A_2353 = arith.constant 4 : i32
    %broadcast_in_dim3A_2354 = vector.broadcast %jit3A_2353 : i32 to vector<128x128xi32>
    %select_n3A_2355 = arith.select %lt3A_2351, %broadcast_in_dim3A_2354, %select_n3A_2338 : vector<128x128xi1>, vector<128x128xi32>
    %slice3A_2356 = vector.extract_strided_slice %dot_general3A_17 {offsets = [896, 640], sizes = [128, 128], strides = [1, 1]} : vector<1024x2048xf32> to vector<128x128xf32>
    %add3A_2357 = vector.broadcast %get3A_2275 : vector<128x1xf32> to vector<128x128xf32>
    %add3A_2358 = arith.addf %slice3A_2356, %add3A_2357 : vector<128x128xf32>
    %mul3A_2359 = arith.constant 2048 : i32
    %mul3A_2360 = arith.muli %arg1, %mul3A_2359 : i32
    %add3A_2361 = arith.constant 640 : i32
    %add3A_2362 = arith.addi %mul3A_2360, %add3A_2361 : i32
    %get3A_2363 = arith.constant 0 : index
    %get3A_2364 = arith.index_cast %add3A_2362 : i32 to index
    %get3A_2365 = vector.load %arg4[%get3A_2363, %get3A_2364] : memref<1x8192xf32, #tpu.memory_space<vmem>>, vector<1x128xf32>
    %add3A_2366 = vector.broadcast %get3A_2365 : vector<1x128xf32> to vector<128x128xf32>
    %add3A_2367 = arith.addf %add3A_2358, %add3A_2366 : vector<128x128xf32>
    %lt3A_2368 = arith.cmpf olt, %add3A_2367, %select_n3A_2352 : vector<128x128xf32>
    %select_n3A_2369 = arith.select %lt3A_2368, %add3A_2367, %select_n3A_2352 : vector<128x128xi1>, vector<128x128xf32>
    %jit3A_2370 = arith.constant 5 : i32
    %broadcast_in_dim3A_2371 = vector.broadcast %jit3A_2370 : i32 to vector<128x128xi32>
    %select_n3A_2372 = arith.select %lt3A_2368, %broadcast_in_dim3A_2371, %select_n3A_2355 : vector<128x128xi1>, vector<128x128xi32>
    %slice3A_2373 = vector.extract_strided_slice %dot_general3A_17 {offsets = [896, 768], sizes = [128, 128], strides = [1, 1]} : vector<1024x2048xf32> to vector<128x128xf32>
    %add3A_2374 = vector.broadcast %get3A_2275 : vector<128x1xf32> to vector<128x128xf32>
    %add3A_2375 = arith.addf %slice3A_2373, %add3A_2374 : vector<128x128xf32>
    %mul3A_2376 = arith.constant 2048 : i32
    %mul3A_2377 = arith.muli %arg1, %mul3A_2376 : i32
    %add3A_2378 = arith.constant 768 : i32
    %add3A_2379 = arith.addi %mul3A_2377, %add3A_2378 : i32
    %get3A_2380 = arith.constant 0 : index
    %get3A_2381 = arith.index_cast %add3A_2379 : i32 to index
    %get3A_2382 = vector.load %arg4[%get3A_2380, %get3A_2381] : memref<1x8192xf32, #tpu.memory_space<vmem>>, vector<1x128xf32>
    %add3A_2383 = vector.broadcast %get3A_2382 : vector<1x128xf32> to vector<128x128xf32>
    %add3A_2384 = arith.addf %add3A_2375, %add3A_2383 : vector<128x128xf32>
    %lt3A_2385 = arith.cmpf olt, %add3A_2384, %select_n3A_2369 : vector<128x128xf32>
    %select_n3A_2386 = arith.select %lt3A_2385, %add3A_2384, %select_n3A_2369 : vector<128x128xi1>, vector<128x128xf32>
    %jit3A_2387 = arith.constant 6 : i32
    %broadcast_in_dim3A_2388 = vector.broadcast %jit3A_2387 : i32 to vector<128x128xi32>
    %select_n3A_2389 = arith.select %lt3A_2385, %broadcast_in_dim3A_2388, %select_n3A_2372 : vector<128x128xi1>, vector<128x128xi32>
    %slice3A_2390 = vector.extract_strided_slice %dot_general3A_17 {offsets = [896, 896], sizes = [128, 128], strides = [1, 1]} : vector<1024x2048xf32> to vector<128x128xf32>
    %add3A_2391 = vector.broadcast %get3A_2275 : vector<128x1xf32> to vector<128x128xf32>
    %add3A_2392 = arith.addf %slice3A_2390, %add3A_2391 : vector<128x128xf32>
    %mul3A_2393 = arith.constant 2048 : i32
    %mul3A_2394 = arith.muli %arg1, %mul3A_2393 : i32
    %add3A_2395 = arith.constant 896 : i32
    %add3A_2396 = arith.addi %mul3A_2394, %add3A_2395 : i32
    %get3A_2397 = arith.constant 0 : index
    %get3A_2398 = arith.index_cast %add3A_2396 : i32 to index
    %get3A_2399 = vector.load %arg4[%get3A_2397, %get3A_2398] : memref<1x8192xf32, #tpu.memory_space<vmem>>, vector<1x128xf32>
    %add3A_2400 = vector.broadcast %get3A_2399 : vector<1x128xf32> to vector<128x128xf32>
    %add3A_2401 = arith.addf %add3A_2392, %add3A_2400 : vector<128x128xf32>
    %lt3A_2402 = arith.cmpf olt, %add3A_2401, %select_n3A_2386 : vector<128x128xf32>
    %select_n3A_2403 = arith.select %lt3A_2402, %add3A_2401, %select_n3A_2386 : vector<128x128xi1>, vector<128x128xf32>
    %jit3A_2404 = arith.constant 7 : i32
    %broadcast_in_dim3A_2405 = vector.broadcast %jit3A_2404 : i32 to vector<128x128xi32>
    %select_n3A_2406 = arith.select %lt3A_2402, %broadcast_in_dim3A_2405, %select_n3A_2389 : vector<128x128xi1>, vector<128x128xi32>
    %slice3A_2407 = vector.extract_strided_slice %dot_general3A_17 {offsets = [896, 1024], sizes = [128, 128], strides = [1, 1]} : vector<1024x2048xf32> to vector<128x128xf32>
    %add3A_2408 = vector.broadcast %get3A_2275 : vector<128x1xf32> to vector<128x128xf32>
    %add3A_2409 = arith.addf %slice3A_2407, %add3A_2408 : vector<128x128xf32>
    %mul3A_2410 = arith.constant 2048 : i32
    %mul3A_2411 = arith.muli %arg1, %mul3A_2410 : i32
    %add3A_2412 = arith.constant 1024 : i32
    %add3A_2413 = arith.addi %mul3A_2411, %add3A_2412 : i32
    %get3A_2414 = arith.constant 0 : index
    %get3A_2415 = arith.index_cast %add3A_2413 : i32 to index
    %get3A_2416 = vector.load %arg4[%get3A_2414, %get3A_2415] : memref<1x8192xf32, #tpu.memory_space<vmem>>, vector<1x128xf32>
    %add3A_2417 = vector.broadcast %get3A_2416 : vector<1x128xf32> to vector<128x128xf32>
    %add3A_2418 = arith.addf %add3A_2409, %add3A_2417 : vector<128x128xf32>
    %lt3A_2419 = arith.cmpf olt, %add3A_2418, %select_n3A_2403 : vector<128x128xf32>
    %select_n3A_2420 = arith.select %lt3A_2419, %add3A_2418, %select_n3A_2403 : vector<128x128xi1>, vector<128x128xf32>
    %jit3A_2421 = arith.constant 8 : i32
    %broadcast_in_dim3A_2422 = vector.broadcast %jit3A_2421 : i32 to vector<128x128xi32>
    %select_n3A_2423 = arith.select %lt3A_2419, %broadcast_in_dim3A_2422, %select_n3A_2406 : vector<128x128xi1>, vector<128x128xi32>
    %slice3A_2424 = vector.extract_strided_slice %dot_general3A_17 {offsets = [896, 1152], sizes = [128, 128], strides = [1, 1]} : vector<1024x2048xf32> to vector<128x128xf32>
    %add3A_2425 = vector.broadcast %get3A_2275 : vector<128x1xf32> to vector<128x128xf32>
    %add3A_2426 = arith.addf %slice3A_2424, %add3A_2425 : vector<128x128xf32>
    %mul3A_2427 = arith.constant 2048 : i32
    %mul3A_2428 = arith.muli %arg1, %mul3A_2427 : i32
    %add3A_2429 = arith.constant 1152 : i32
    %add3A_2430 = arith.addi %mul3A_2428, %add3A_2429 : i32
    %get3A_2431 = arith.constant 0 : index
    %get3A_2432 = arith.index_cast %add3A_2430 : i32 to index
    %get3A_2433 = vector.load %arg4[%get3A_2431, %get3A_2432] : memref<1x8192xf32, #tpu.memory_space<vmem>>, vector<1x128xf32>
    %add3A_2434 = vector.broadcast %get3A_2433 : vector<1x128xf32> to vector<128x128xf32>
    %add3A_2435 = arith.addf %add3A_2426, %add3A_2434 : vector<128x128xf32>
    %lt3A_2436 = arith.cmpf olt, %add3A_2435, %select_n3A_2420 : vector<128x128xf32>
    %select_n3A_2437 = arith.select %lt3A_2436, %add3A_2435, %select_n3A_2420 : vector<128x128xi1>, vector<128x128xf32>
    %jit3A_2438 = arith.constant 9 : i32
    %broadcast_in_dim3A_2439 = vector.broadcast %jit3A_2438 : i32 to vector<128x128xi32>
    %select_n3A_2440 = arith.select %lt3A_2436, %broadcast_in_dim3A_2439, %select_n3A_2423 : vector<128x128xi1>, vector<128x128xi32>
    %slice3A_2441 = vector.extract_strided_slice %dot_general3A_17 {offsets = [896, 1280], sizes = [128, 128], strides = [1, 1]} : vector<1024x2048xf32> to vector<128x128xf32>
    %add3A_2442 = vector.broadcast %get3A_2275 : vector<128x1xf32> to vector<128x128xf32>
    %add3A_2443 = arith.addf %slice3A_2441, %add3A_2442 : vector<128x128xf32>
    %mul3A_2444 = arith.constant 2048 : i32
    %mul3A_2445 = arith.muli %arg1, %mul3A_2444 : i32
    %add3A_2446 = arith.constant 1280 : i32
    %add3A_2447 = arith.addi %mul3A_2445, %add3A_2446 : i32
    %get3A_2448 = arith.constant 0 : index
    %get3A_2449 = arith.index_cast %add3A_2447 : i32 to index
    %get3A_2450 = vector.load %arg4[%get3A_2448, %get3A_2449] : memref<1x8192xf32, #tpu.memory_space<vmem>>, vector<1x128xf32>
    %add3A_2451 = vector.broadcast %get3A_2450 : vector<1x128xf32> to vector<128x128xf32>
    %add3A_2452 = arith.addf %add3A_2443, %add3A_2451 : vector<128x128xf32>
    %lt3A_2453 = arith.cmpf olt, %add3A_2452, %select_n3A_2437 : vector<128x128xf32>
    %select_n3A_2454 = arith.select %lt3A_2453, %add3A_2452, %select_n3A_2437 : vector<128x128xi1>, vector<128x128xf32>
    %jit3A_2455 = arith.constant 10 : i32
    %broadcast_in_dim3A_2456 = vector.broadcast %jit3A_2455 : i32 to vector<128x128xi32>
    %select_n3A_2457 = arith.select %lt3A_2453, %broadcast_in_dim3A_2456, %select_n3A_2440 : vector<128x128xi1>, vector<128x128xi32>
    %slice3A_2458 = vector.extract_strided_slice %dot_general3A_17 {offsets = [896, 1408], sizes = [128, 128], strides = [1, 1]} : vector<1024x2048xf32> to vector<128x128xf32>
    %add3A_2459 = vector.broadcast %get3A_2275 : vector<128x1xf32> to vector<128x128xf32>
    %add3A_2460 = arith.addf %slice3A_2458, %add3A_2459 : vector<128x128xf32>
    %mul3A_2461 = arith.constant 2048 : i32
    %mul3A_2462 = arith.muli %arg1, %mul3A_2461 : i32
    %add3A_2463 = arith.constant 1408 : i32
    %add3A_2464 = arith.addi %mul3A_2462, %add3A_2463 : i32
    %get3A_2465 = arith.constant 0 : index
    %get3A_2466 = arith.index_cast %add3A_2464 : i32 to index
    %get3A_2467 = vector.load %arg4[%get3A_2465, %get3A_2466] : memref<1x8192xf32, #tpu.memory_space<vmem>>, vector<1x128xf32>
    %add3A_2468 = vector.broadcast %get3A_2467 : vector<1x128xf32> to vector<128x128xf32>
    %add3A_2469 = arith.addf %add3A_2460, %add3A_2468 : vector<128x128xf32>
    %lt3A_2470 = arith.cmpf olt, %add3A_2469, %select_n3A_2454 : vector<128x128xf32>
    %select_n3A_2471 = arith.select %lt3A_2470, %add3A_2469, %select_n3A_2454 : vector<128x128xi1>, vector<128x128xf32>
    %jit3A_2472 = arith.constant 11 : i32
    %broadcast_in_dim3A_2473 = vector.broadcast %jit3A_2472 : i32 to vector<128x128xi32>
    %select_n3A_2474 = arith.select %lt3A_2470, %broadcast_in_dim3A_2473, %select_n3A_2457 : vector<128x128xi1>, vector<128x128xi32>
    %slice3A_2475 = vector.extract_strided_slice %dot_general3A_17 {offsets = [896, 1536], sizes = [128, 128], strides = [1, 1]} : vector<1024x2048xf32> to vector<128x128xf32>
    %add3A_2476 = vector.broadcast %get3A_2275 : vector<128x1xf32> to vector<128x128xf32>
    %add3A_2477 = arith.addf %slice3A_2475, %add3A_2476 : vector<128x128xf32>
    %mul3A_2478 = arith.constant 2048 : i32
    %mul3A_2479 = arith.muli %arg1, %mul3A_2478 : i32
    %add3A_2480 = arith.constant 1536 : i32
    %add3A_2481 = arith.addi %mul3A_2479, %add3A_2480 : i32
    %get3A_2482 = arith.constant 0 : index
    %get3A_2483 = arith.index_cast %add3A_2481 : i32 to index
    %get3A_2484 = vector.load %arg4[%get3A_2482, %get3A_2483] : memref<1x8192xf32, #tpu.memory_space<vmem>>, vector<1x128xf32>
    %add3A_2485 = vector.broadcast %get3A_2484 : vector<1x128xf32> to vector<128x128xf32>
    %add3A_2486 = arith.addf %add3A_2477, %add3A_2485 : vector<128x128xf32>
    %lt3A_2487 = arith.cmpf olt, %add3A_2486, %select_n3A_2471 : vector<128x128xf32>
    %select_n3A_2488 = arith.select %lt3A_2487, %add3A_2486, %select_n3A_2471 : vector<128x128xi1>, vector<128x128xf32>
    %jit3A_2489 = arith.constant 12 : i32
    %broadcast_in_dim3A_2490 = vector.broadcast %jit3A_2489 : i32 to vector<128x128xi32>
    %select_n3A_2491 = arith.select %lt3A_2487, %broadcast_in_dim3A_2490, %select_n3A_2474 : vector<128x128xi1>, vector<128x128xi32>
    %slice3A_2492 = vector.extract_strided_slice %dot_general3A_17 {offsets = [896, 1664], sizes = [128, 128], strides = [1, 1]} : vector<1024x2048xf32> to vector<128x128xf32>
    %add3A_2493 = vector.broadcast %get3A_2275 : vector<128x1xf32> to vector<128x128xf32>
    %add3A_2494 = arith.addf %slice3A_2492, %add3A_2493 : vector<128x128xf32>
    %mul3A_2495 = arith.constant 2048 : i32
    %mul3A_2496 = arith.muli %arg1, %mul3A_2495 : i32
    %add3A_2497 = arith.constant 1664 : i32
    %add3A_2498 = arith.addi %mul3A_2496, %add3A_2497 : i32
    %get3A_2499 = arith.constant 0 : index
    %get3A_2500 = arith.index_cast %add3A_2498 : i32 to index
    %get3A_2501 = vector.load %arg4[%get3A_2499, %get3A_2500] : memref<1x8192xf32, #tpu.memory_space<vmem>>, vector<1x128xf32>
    %add3A_2502 = vector.broadcast %get3A_2501 : vector<1x128xf32> to vector<128x128xf32>
    %add3A_2503 = arith.addf %add3A_2494, %add3A_2502 : vector<128x128xf32>
    %lt3A_2504 = arith.cmpf olt, %add3A_2503, %select_n3A_2488 : vector<128x128xf32>
    %select_n3A_2505 = arith.select %lt3A_2504, %add3A_2503, %select_n3A_2488 : vector<128x128xi1>, vector<128x128xf32>
    %jit3A_2506 = arith.constant 13 : i32
    %broadcast_in_dim3A_2507 = vector.broadcast %jit3A_2506 : i32 to vector<128x128xi32>
    %select_n3A_2508 = arith.select %lt3A_2504, %broadcast_in_dim3A_2507, %select_n3A_2491 : vector<128x128xi1>, vector<128x128xi32>
    %slice3A_2509 = vector.extract_strided_slice %dot_general3A_17 {offsets = [896, 1792], sizes = [128, 128], strides = [1, 1]} : vector<1024x2048xf32> to vector<128x128xf32>
    %add3A_2510 = vector.broadcast %get3A_2275 : vector<128x1xf32> to vector<128x128xf32>
    %add3A_2511 = arith.addf %slice3A_2509, %add3A_2510 : vector<128x128xf32>
    %mul3A_2512 = arith.constant 2048 : i32
    %mul3A_2513 = arith.muli %arg1, %mul3A_2512 : i32
    %add3A_2514 = arith.constant 1792 : i32
    %add3A_2515 = arith.addi %mul3A_2513, %add3A_2514 : i32
    %get3A_2516 = arith.constant 0 : index
    %get3A_2517 = arith.index_cast %add3A_2515 : i32 to index
    %get3A_2518 = vector.load %arg4[%get3A_2516, %get3A_2517] : memref<1x8192xf32, #tpu.memory_space<vmem>>, vector<1x128xf32>
    %add3A_2519 = vector.broadcast %get3A_2518 : vector<1x128xf32> to vector<128x128xf32>
    %add3A_2520 = arith.addf %add3A_2511, %add3A_2519 : vector<128x128xf32>
    %lt3A_2521 = arith.cmpf olt, %add3A_2520, %select_n3A_2505 : vector<128x128xf32>
    %select_n3A_2522 = arith.select %lt3A_2521, %add3A_2520, %select_n3A_2505 : vector<128x128xi1>, vector<128x128xf32>
    %jit3A_2523 = arith.constant 14 : i32
    %broadcast_in_dim3A_2524 = vector.broadcast %jit3A_2523 : i32 to vector<128x128xi32>
    %select_n3A_2525 = arith.select %lt3A_2521, %broadcast_in_dim3A_2524, %select_n3A_2508 : vector<128x128xi1>, vector<128x128xi32>
    %slice3A_2526 = vector.extract_strided_slice %dot_general3A_17 {offsets = [896, 1920], sizes = [128, 128], strides = [1, 1]} : vector<1024x2048xf32> to vector<128x128xf32>
    %add3A_2527 = vector.broadcast %get3A_2275 : vector<128x1xf32> to vector<128x128xf32>
    %add3A_2528 = arith.addf %slice3A_2526, %add3A_2527 : vector<128x128xf32>
    %mul3A_2529 = arith.constant 2048 : i32
    %mul3A_2530 = arith.muli %arg1, %mul3A_2529 : i32
    %add3A_2531 = arith.constant 1920 : i32
    %add3A_2532 = arith.addi %mul3A_2530, %add3A_2531 : i32
    %get3A_2533 = arith.constant 0 : index
    %get3A_2534 = arith.index_cast %add3A_2532 : i32 to index
    %get3A_2535 = vector.load %arg4[%get3A_2533, %get3A_2534] : memref<1x8192xf32, #tpu.memory_space<vmem>>, vector<1x128xf32>
    %add3A_2536 = vector.broadcast %get3A_2535 : vector<1x128xf32> to vector<128x128xf32>
    %add3A_2537 = arith.addf %add3A_2528, %add3A_2536 : vector<128x128xf32>
    %lt3A_2538 = arith.cmpf olt, %add3A_2537, %select_n3A_2522 : vector<128x128xf32>
    %select_n3A_2539 = arith.select %lt3A_2538, %add3A_2537, %select_n3A_2522 : vector<128x128xi1>, vector<128x128xf32>
    %jit3A_2540 = arith.constant 15 : i32
    %broadcast_in_dim3A_2541 = vector.broadcast %jit3A_2540 : i32 to vector<128x128xi32>
    %select_n3A_2542 = arith.select %lt3A_2538, %broadcast_in_dim3A_2541, %select_n3A_2525 : vector<128x128xi1>, vector<128x128xi32>
    %reduce_min3A_2543 = arith.constant dense<0x7F800000> : vector<128xf32>
    %reduce_min3A_2544 = vector.multi_reduction <minimumf>, %select_n3A_2539, %reduce_min3A_2543 [1] : vector<128x128xf32> to vector<128xf32>
    %broadcast_in_dim3A_2545 = vector.shape_cast %reduce_min3A_2544 : vector<128xf32> to vector<128x1xf32>
    %mul3A_2546 = arith.constant 128 : i32
    %mul3A_2547 = vector.broadcast %mul3A_2546 : i32 to vector<128x128xi32>
    %mul3A_2548 = arith.muli %select_n3A_2542, %mul3A_2547 : vector<128x128xi32>
    %add3A_2549 = arith.addi %mul3A_2548, %iota3A : vector<128x128xi32>
    %eq3A_2550 = vector.broadcast %broadcast_in_dim3A_2545 : vector<128x1xf32> to vector<128x128xf32>
    %eq3A_2551 = arith.cmpf oeq, %select_n3A_2539, %eq3A_2550 : vector<128x128xf32>
    %jit3A_2552 = arith.constant 8192 : i32
    %broadcast_in_dim3A_2553 = vector.broadcast %jit3A_2552 : i32 to vector<128x128xi32>
    %select_n3A_2554 = arith.select %eq3A_2551, %add3A_2549, %broadcast_in_dim3A_2553 : vector<128x128xi1>, vector<128x128xi32>
    %reduce_min3A_2555 = arith.constant dense<2147483647> : vector<128xi32>
    %reduce_min3A_2556 = vector.multi_reduction <minsi>, %select_n3A_2554, %reduce_min3A_2555 [1] : vector<128x128xi32> to vector<128xi32>
    %broadcast_in_dim3A_2557 = vector.shape_cast %reduce_min3A_2556 : vector<128xi32> to vector<128x1xi32>
    %mul3A_2558 = arith.constant 2048 : i32
    %mul3A_2559 = arith.muli %arg1, %mul3A_2558 : i32
    %add3A_2560 = vector.broadcast %mul3A_2559 : i32 to vector<128x1xi32>
    %add3A_2561 = arith.addi %broadcast_in_dim3A_2557, %add3A_2560 : vector<128x1xi32>
    %get3A_2562 = arith.constant 896 : index
    %get3A_2563 = arith.constant 0 : index
    %get3A_2564 = vector.load %arg11[%get3A_2562, %get3A_2563] : memref<1024x1xf32, #tpu.memory_space<vmem>>, vector<128x1xf32>
    %lt3A_2565 = arith.cmpf olt, %broadcast_in_dim3A_2545, %get3A_2564 : vector<128x1xf32>
    %bitcast_convert_type3A_2566 = tpu.bitcast %broadcast_in_dim3A_2545 : vector<128x1xf32> -> vector<128x1xi32>
    %shift_right_logical3A_2567 = arith.constant 16 : i32
    %shift_right_logical3A_2568 = vector.broadcast %shift_right_logical3A_2567 : i32 to vector<128x1xi32>
    %shift_right_logical3A_2569 = arith.shrui %bitcast_convert_type3A_2566, %shift_right_logical3A_2568 : vector<128x1xi32>
    %and3A_2570 = arith.constant 1 : i32
    %and3A_2571 = vector.broadcast %and3A_2570 : i32 to vector<128x1xi32>
    %and3A_2572 = arith.andi %shift_right_logical3A_2569, %and3A_2571 : vector<128x1xi32>
    %add3A_2573 = arith.addi %bitcast_convert_type3A_2566, %and3A_2572 : vector<128x1xi32>
    %add3A_2574 = arith.constant 32767 : i32
    %add3A_2575 = vector.broadcast %add3A_2574 : i32 to vector<128x1xi32>
    %add3A_2576 = arith.addi %add3A_2573, %add3A_2575 : vector<128x1xi32>
    %and3A_2577 = arith.constant -65536 : i32
    %and3A_2578 = vector.broadcast %and3A_2577 : i32 to vector<128x1xi32>
    %and3A_2579 = arith.andi %add3A_2576, %and3A_2578 : vector<128x1xi32>
    %bitcast_convert_type3A_2580 = tpu.bitcast %and3A_2579 : vector<128x1xi32> -> vector<128x1xf32>
    %select_n3A_2581 = arith.select %lt3A_2565, %bitcast_convert_type3A_2580, %get3A_2564 : vector<128x1xi1>, vector<128x1xf32>
    %swap3A_2582 = arith.constant 896 : index
    %swap3A_2583 = arith.constant 0 : index
    %swap3A_2584 = vector.load %arg11[%swap3A_2582, %swap3A_2583] : memref<1024x1xf32, #tpu.memory_space<vmem>>, vector<128x1xf32>
    tpu.vector_store %arg11[%swap3A_2582, %swap3A_2583], %select_n3A_2581 {strides = array<i32>} : memref<1024x1xf32, #tpu.memory_space<vmem>>, vector<128x1xf32>,
    %get3A_2585 = arith.constant 896 : index
    %get3A_2586 = arith.constant 0 : index
    %get3A_2587 = vector.load %arg12[%get3A_2585, %get3A_2586] : memref<1024x1xi32, #tpu.memory_space<vmem>>, vector<128x1xi32>
    %select_n3A_2588 = arith.select %lt3A_2565, %add3A_2561, %get3A_2587 : vector<128x1xi1>, vector<128x1xi32>
    %swap3A_2589 = arith.constant 896 : index
    %swap3A_2590 = arith.constant 0 : index
    %swap3A_2591 = vector.load %arg12[%swap3A_2589, %swap3A_2590] : memref<1024x1xi32, #tpu.memory_space<vmem>>, vector<128x1xi32>
    tpu.vector_store %arg12[%swap3A_2589, %swap3A_2590], %select_n3A_2588 {strides = array<i32>} : memref<1024x1xi32, #tpu.memory_space<vmem>>, vector<128x1xi32>,
    %eq3A_2592 = arith.constant 3 : i32
    %eq3A_2593 = arith.cmpi eq, %arg1, %eq3A_2592 : i32
    %convert_element_type3A_2594 = arith.extui %eq3A_2593 : i1 to i32
    %cond3A_2595 = arith.constant 0 : i32
    %cond3A_2596 = arith.cmpi ne, %convert_element_type3A_2594, %cond3A_2595 : i32
    scf.if %cond3A_2596 {
      %get3A_2597 = arith.constant 0 : index
      %get3A_2598 = arith.constant 0 : index
      %get3A_2599 = vector.load %arg12[%get3A_2597, %get3A_2598] : memref<1024x1xi32, #tpu.memory_space<vmem>>, vector<1024x1xi32>
      %mul3A_2600 = arith.constant 1024 : i32
      %mul3A_2601 = arith.muli %arg0, %mul3A_2600 : i32
      %swap3A_2602 = arith.index_cast %mul3A_2601 : i32 to index
      %swap3A_2603 = arith.constant 0 : index
      %swap3A_2604 = vector.load %arg10[%swap3A_2602, %swap3A_2603] : memref<8192x1xi32, #tpu.memory_space<vmem>>, vector<1024x1xi32>
      tpu.vector_store %arg10[%swap3A_2602, %swap3A_2603], %get3A_2599 {strides = array<i32>} : memref<8192x1xi32, #tpu.memory_space<vmem>>, vector<1024x1xi32>,
    } else {
    }
    return
  }
  func.func @transform_0(%arg0: i32, %arg1: i32) -> (i32, i32) {
    %c0_i32 = arith.constant 0 : i32
    %c0_i32_0 = arith.constant 0 : i32
    %c0_i32_1 = arith.constant 0 : i32
    return %c0_i32, %c0_i32_0 : i32, i32
  }
  func.func @transform_1(%arg0: i32, %arg1: i32) -> (i32, i32) {
    %c0_i32 = arith.constant 0 : i32
    %c0_i32_0 = arith.constant 0 : i32
    %c0_i32_1 = arith.constant 0 : i32
    return %c0_i32, %c0_i32_0 : i32, i32
  }
  func.func @transform_2(%arg0: i32, %arg1: i32) -> (i32, i32) {
    %c0_i32 = arith.constant 0 : i32
    %c0_i32_0 = arith.constant 0 : i32
    %c0_i32_1 = arith.constant 0 : i32
    return %c0_i32, %c0_i32_0 : i32, i32
  }
  func.func @transform_3(%arg0: i32, %arg1: i32) -> (i32, i32) {
    %c0_i32 = arith.constant 0 : i32
    %c0_i32_0 = arith.constant 0 : i32
    %c0_i32_1 = arith.constant 0 : i32
    return %c0_i32, %c0_i32_0 : i32, i32
  }
  func.func @transform_4(%arg0: i32, %arg1: i32) -> (i32, i32) {
    %c0_i32 = arith.constant 0 : i32
    %c0_i32_0 = arith.constant 0 : i32
    %c0_i32_1 = arith.constant 0 : i32
    return %c0_i32, %c0_i32_0 : i32, i32
  }
  func.func @transform_5(%arg0: i32, %arg1: i32) -> (i32, i32) {
    %c0_i32 = arith.constant 0 : i32
    %c0_i32_0 = arith.constant 0 : i32
    %c0_i32_1 = arith.constant 0 : i32
    return %c0_i32, %c0_i32_0 : i32, i32
  }
  func.func @transform_6(%arg0: i32, %arg1: i32) -> (i32, i32) {
    %c0_i32 = arith.constant 0 : i32
    %c0_i32_0 = arith.constant 0 : i32
    %c0_i32_1 = arith.constant 0 : i32
    return %c0_i32, %c0_i32_0 : i32, i32
  }
  func.func @transform_7(%arg0: i32, %arg1: i32) -> (i32, i32) {
    %c0_i32 = arith.constant 0 : i32
    %c0_i32_0 = arith.constant 0 : i32
    %c0_i32_1 = arith.constant 0 : i32
    return %c0_i32, %c0_i32_0 : i32, i32
  }
  func.func @transform_8(%arg0: i32, %arg1: i32) -> (i32, i32) {
    %c0_i32 = arith.constant 0 : i32
    %c0_i32_0 = arith.constant 0 : i32
    %c0_i32_1 = arith.constant 0 : i32
    return %c0_i32, %c0_i32_0 : i32, i32
  }
}

</mosaic_0001>

<sc_bundles>
// kernel: kernel.4.cloned.1.call-start
scs
__scs_entry_jumppad:
0x0: {  	(pc) =	sbr.rel $0x88, $3  }
0x1: {  	(tag) =	ssettag $0x0;
	lr =	simm.s32 $0x1  }
0x2: {  	[smem:$0x3F9B] =	sst lr;
	_ =	strace $0xD0000000  }
0x3: {  	_ = 	snop  }
0x4: {  	_ = 	snop  }
0x5: {  	_ = 	snop  }
0x6: {  	_ = 	snop  }
0x7: {  	_ = 	snop  }
__scs_overlays_trampoline_lowered:
0x8: {  	[smem:$0x3FAA] =	sst s0  }
0x9: {  	[smem:$0x3FAB] =	sst s1  }
0xa: {  	[smem:$0x3FAC] =	sst s2  }
0xb: {  	[smem:$0x3FAD] =	sst s3  }
0xc: {  	[smem:$0x3FAE] =	sst s4  }
0xd: {  	[smem:$0x3FAF] =	sst s5  }
0xe: {  	[smem:$0x3FB0] =	sst s6  }
0xf: {  	[smem:$0x3FB1] =	sst s7  }
0x10: {  	[smem:$0x3FB2] =	sst s8  }
0x11: {  	[smem:$0x3FB3] =	sst s9;
	s0 =	simm.s32 @!p0 $0x0  }
0x12: {  	s1 =	sld [smem:$0x3F99];
	s0 =	simm.s32 @p0 $0x1  }
0x13: {  	[smem:$0x3FB4] =	sst s0;
	s0 =	simm.s32 @!p1 $0x0  }
0x14: {  	s2 =	sld [smem:$0x3F98];
	s0 =	simm.s32 @p1 $0x1  }
0x15: {  	[smem:$0x3FB5] =	sst s0;
	s0 =	simm.s32 @!p2 $0x0  }
0x16: {  	s3 =	sld [smem:$0x3FDB];
	s0 =	simm.s32 @p2 $0x1  }
0x17: {  	s4 =	simm.s32 $0x1BF5;
	[smem:$0x3FB7] =	sst s0  }
0x18: {  	s0 =	sld [smem:$0x3F9A];
	_ =	swait.ge [sflag:s4], $0x0  }
0x19: {  	s7 =	sld [smem:$0x3F9B]  }
0x1a: {  	s8 =	sadd.s32 $0xFFFFE003, lr  }
0x1b: {  	s9 =	sadd.s32 $0xFFFFFEF7, lr;
	s5 =	simm.s32 $0xFFFFFFFF;
	p2 =	slt.u32 s8, $0xFFFFF086  }
0x1c: {  	p1 =	slt.u32 s9, $0xF7A;
	s5 =	simm.s32 @!p2 $0x0  }
0x1d: {  	s5 =	simm.s32 @p1 $0x1;
	p0 =	seq.s32 s7, s2  }
0x1e: {  	s7 =	smul.u32 @!p0 $0xF7A, s2;
	p2 =	seq.s32 @!p0 s5, $0x0  }
0x1f: {  	s9 =	smul.u32 $0xF7A, s1;
	s8 =	simm.s32 @!p0 $0x1BF5;
	p2 =	por !p2, p0  }
0x20: {  	[sflag:s8] =	ssyncset.s32 @!p0 $0xFFFFF086;
	s6 =	sadd.s32 @!p0 s3, s7;
	s7 =	simm.s32 @!p0 $0x108  }
0x21: {  	s3 =	sadd.s32 s3, s9;
	s6 =	sadd.s32 @!p0 $0x88, s6;
	s7 =	simm.s32 @p2 $0x1082  }
0x22: {  	[simem:s7], [sflag:s8] =	dma.local @!p0 [hbm:s6], $0xF7A  }
0x23: {  	s9 =	sor.u32 $0xD0000000, s2;
	s6 =	simm.s32 $0x108;
	_ =	swait.ge @!p0 [sflag:s8], $0x0  }
0x24: {  	s3 =	sadd.s32 $0x88, s3;
	s6 =	simm.s32 @!p1 $0x1082;
	[sflag:s4] =	ssyncset.s32 $0xFFFFF086  }
0x25: {  	[simem:s6], [sflag:s4] =	dma.local [hbm:s3], $0xF7A  }
0x26: {  	[smem:$0x3F9B] =	sst s1;
	(tag) =	ssettag s2;
	_ =	strace s9  }
0x27: {  	s1 =	sld [smem:$0x3FAB]  }
0x28: {  	s2 =	sld [smem:$0x3FAC]  }
0x29: {  	s4 =	sld [smem:$0x3FAE]  }
0x2a: {  	p0 =	seq.s32 s5, $0x0;
	s5 =	sld [smem:$0x3FAF]  }
0x2b: {  	s6 =	sld [smem:$0x3FB0]  }
0x2c: {  	s7 =	sld [smem:$0x3FB1]  }
0x2d: {  	s3 =	simm.s32 $0x108;
	s8 =	sld [smem:$0x3FB2]  }
0x2e: {  	s3 =	simm.s32 @!p0 $0x1082;
	s9 =	sld [smem:$0x3FB3]  }
0x2f: {  	lr =	sadd.s32 s0, s3;
	s0 =	sld [smem:$0x3FAA]  }
0x30: {  	s3 =	sld [smem:$0x3FAD]  }
0x31: {  	[smem:$0x3FB6] =	sst s10  }
0x32: {  	s10 =	sld [smem:$0x3FB4];
	_ =	sdelay $0x3  }
0x33: {  	p0 =	seq.s32 s10, $0x1;
	s10 =	sld [smem:$0x3FB6];
	_ =	sdelay $0x3  }
0x34: {  	[smem:$0x3FB6] =	sst s10  }
0x35: {  	s10 =	sld [smem:$0x3FB5];
	_ =	sdelay $0x3  }
0x36: {  	p1 =	seq.s32 s10, $0x1;
	s10 =	sld [smem:$0x3FB6];
	_ =	sdelay $0x3  }
0x37: {  	[smem:$0x3FB6] =	sst s10  }
0x38: {  	s10 =	sld [smem:$0x3FB7]  }
0x39: {  	_ = 	snop;
	(pc) =	sbr.ind lr, $3  }
0x3a: {  	_ = 	snop  }
0x3b: {  	_ = 	snop  }
0x3c: {  	p2 =	seq.s32 s10, $0x1;
	s10 =	sld [smem:$0x3FB6]  }
0x3d: {  	_ =	shalt  }
0x3e: {  	_ =	shalt  }
0x3f: {  	_ =	shalt  }
0x40: {  	_ =	shalt  }
0x41: {  	_ =	shalt  }
0x42: {  	_ =	shalt  }
0x43: {  	_ =	shalt  }
0x44: {  	_ =	shalt  }
0x45: {  	_ =	shalt  }
0x46: {  	_ =	shalt  }
0x47: {  	_ =	shalt  }
0x48: {  	_ =	shalt  }
0x49: {  	_ =	shalt  }
0x4a: {  	_ =	shalt  }
0x4b: {  	_ =	shalt  }
0x4c: {  	_ =	shalt  }
0x4d: {  	_ =	shalt  }
0x4e: {  	_ =	shalt  }
0x4f: {  	_ =	shalt  }
0x50: {  	_ =	shalt  }
0x51: {  	_ =	shalt  }
0x52: {  	_ =	shalt  }
0x53: {  	_ =	shalt  }
0x54: {  	_ =	shalt  }
0x55: {  	_ =	shalt  }
0x56: {  	_ =	shalt  }
0x57: {  	_ =	shalt  }
0x58: {  	_ =	shalt  }
0x59: {  	_ =	shalt  }
0x5a: {  	_ =	shalt  }
0x5b: {  	_ =	shalt  }
0x5c: {  	_ =	shalt  }
0x5d: {  	_ =	shalt  }
0x5e: {  	_ =	shalt  }
0x5f: {  	_ =	shalt  }
0x60: {  	_ =	shalt  }
0x61: {  	_ =	shalt  }
0x62: {  	_ =	shalt  }
0x63: {  	_ =	shalt  }
0x64: {  	_ =	shalt  }
0x65: {  	_ =	shalt  }
0x66: {  	_ =	shalt  }
0x67: {  	_ =	shalt  }
0x68: {  	_ =	shalt  }
0x69: {  	_ =	shalt  }
0x6a: {  	_ =	shalt  }
0x6b: {  	_ =	shalt  }
0x6c: {  	_ =	shalt  }
0x6d: {  	_ =	shalt  }
0x6e: {  	_ =	shalt  }
0x6f: {  	_ =	shalt  }
0x70: {  	_ =	shalt  }
0x71: {  	_ =	shalt  }
0x72: {  	_ =	shalt  }
0x73: {  	_ =	shalt  }
0x74: {  	_ =	shalt  }
0x75: {  	_ =	shalt  }
0x76: {  	_ =	shalt  }
0x77: {  	_ =	shalt  }
0x78: {  	_ =	shalt  }
0x79: {  	_ =	shalt  }
0x7a: {  	_ =	shalt  }
0x7b: {  	_ =	shalt  }
0x7c: {  	_ =	shalt  }
0x7d: {  	_ =	shalt  }
0x7e: {  	_ =	shalt  }
0x7f: {  	_ =	shalt  }
0x80: {  	_ =	shalt  }
0x81: {  	_ =	shalt  }
0x82: {  	_ =	shalt  }
0x83: {  	_ =	shalt  }
0x84: {  	_ =	shalt  }
0x85: {  	_ =	shalt  }
0x86: {  	_ =	shalt  }
0x87: {  	_ =	shalt  }
.Lfunc_end0:
.L_simem_size_0:
called_computation_lowered:
.L_overlay_start_0:
0x88: {  	s2 =	sld [smem:$0x3FD9]  }
0x89: {  	s3 =	sld [smem:$0x3FFE];
	_ =	sdelay $0x1  }
0x8a: {  	s1 =	srdreg.scid  }
0x8b: {  	s0 =	sand.u32 $0x1, s1  }
0x8c: {  	s17 =	sshll.u32 s0, $0xA;
	s2 =	sadd.s32 s3, s2  }
0x8d: {  	s2 =	sadd.s32 s2, s17  }
0x8e: {  	[smem:$0x3FC2] =	sst s2  }
0x8f: {  	_ = 	snop  }
0x90: {  	s2 =	sld [smem:$0x3FD0];
	(tm) =	ssettm $0x1  }
0x91: {  	s18 =	sld [smem:$0x3FFB];
	_ =	sdelay $0x3  }
0x92: {  	_ =	strace s18  }
0x93: {  	s3 =	sld [smem:$0x3FFC];
	_ =	sdelay $0x3  }
0x94: {  	_ =	strace s3  }
0x95: {  	s3 =	sld [smem:$0x3FFD];
	_ =	sdelay $0x3  }
0x96: {  	_ =	strace s3  }
0x97: {  	_ =	strace $0x8FFFFFFF  }
0x98: {  	s19 =	sld [smem:$0x3FDB];
	_ =	sdelay $0x1  }
0x99: {  	s4 =	simm.s32 $_scs_section_size  }
0x9a: {  	s5 =	simm.s32 $_size__tile_overlayer_lowered;
	s6 =	simm.s32 $_tile_overlayer_lowered  }
0x9b: {  	s22 =	simm.s32 $0x1BFF;
	s21 =	sshll.u32 s6, $0x1;
	s3 =	sadd.s32 s4, s19  }
0x9c: {  	s7 =	simm.s32 $0x0;
	s20 =	sshll.u32 s5, $0x1;
	s5 =	sadd.s32 s21, s3  }
0x9d: {  	[timem:s7], [sflag:s22] =	dma.local [hbm:s5], s20  }
0x9e: {  	_ =	swait.ge [sflag:s22], s20  }
0x9f: {  	s4 =	ssub.s32 $0x0, s20;
	[sflag:s22] =	ssyncset.done $0x0  }
0xa0: {  	[sflag:s22] =	ssyncadd.s32 s4;
	_ =	sdelay $0x1  }
0xa1: {  	s23 =	simm.s32 $0x1B8B  }
0xa2: {  	_ =	swait.ge [sflag:s23], $0x1  }
0xa3: {  	[sflag:s23] =	ssyncset.done $0x0  }
0xa4: {  	s25 =	simm.s32 $0x1B8E;
	s24 =	sld [smem:$0x3FFE];
	[sflag:s23] =	ssyncadd.s32 $0xFFFFFFFF  }
0xa5: {  	s26 =	simm.s32 $execute0_lowered;
	[smem:$0x3FD2] =	sst s25  }
0xa6: {  	s5 =	sshll.u32 s26, $0x1;
	_ =	strace $0x80000046;
	[dreg:$0x1] =	wrdreg $0xFFFFFFFF  }
0xa7: {  	s28 =	simm.s32 $_size_execute0_lowered;
	s3 =	sadd.s32 s3, s5;
	[dreg:$0x0] =	wrdreg $0x0  }
0xa8: {  	s5 =	sshll.u32 s28, $0x1;
	[dreg:$0x2] =	wrdreg s3  }
0xa9: {  	[dreg:$0x3] =	wrdreg s5  }
0xaa: {  	[dreg:$0x4] =	wrdreg $0xC0  }
0xab: {  	_ =	task [dreg:s7], $0x5FFFF  }
0xac: {  	[dreg:$0x1] =	wrdreg $0xFFFFFFFF  }
0xad: {  	[dreg:$0x0] =	wrdreg $0x60  }
0xae: {  	[dreg:$0x2] =	wrdreg s24  }
0xaf: {  	[dreg:$0x3] =	wrdreg s2  }
0xb0: {  	[dreg:$0x4] =	wrdreg $0x9  }
0xb1: {  	_ =	task.clear_ibuf [dreg:s7], $0x5FFFF;
	_ =	strace $0x90000046  }
0xb2: {  	s29 =	simm.s32 $0x9;
	_ =	strace $0x80000048  }
0xb3: {  	_ =	swait.ge [sflag:s29], $0x1  }
0xb4: {  	[sflag:s29] =	ssyncadd.s32 $0xFFFFFFFF  }
0xb5: {  	_ =	strace $0x90000048  }
0xb6: {  	_ =	sfence  }
0xb7: {  	s30 =	sld [smem:$0x0];
	_ =	sdelay $0x2  }
0xb8: {  	s31 =	sshll.u32 s1, $0xD;
	s1 =	sshrl.u32 s1, $0x2  }
0xb9: {  	s3 =	sand.u32 $0x4000, s31;
	s1 =	sadd.s32 s1, s30  }
0xba: {  	s0 =	sor.u32 s3, s0;
	s1 =	sshll.u32 s1, $0x11  }
0xbb: {  	s0 =	sor.u32 s1, s0  }
0xbc: {  	s0 =	sadd.s32 $0x8F2B, s0  }
0xbd: {  	[sflag:s0] =	ssyncadd.remote.s32 $0x1  }
0xbe: {  	_ =	sfence.sel $0xFFFF  }
0xbf: {  	[dreg:$0x0] =	wrdreg $0xFFFFFFFF;
	(pc) =	sbr.abs _section_cstart, $3  }
0xc0: {  	[dreg:$0x1] =	wrdreg $0xFFFFFFFF  }
0xc1: {  	_ =	task.clear_ibuf [dreg:s7], $0x2FFFF;
	_ =	strace $0x9FFFFFFF  }
0xc2: {  	(tm) =	ssettm $0x7FFFFFFF  }
0xc3: {  	_ =	shalt  }
tec
execute0_lowered:
.L_overlay_start_1:
0x0: {  	(tag) =	ssettag $0x1  }
0x1: {  	s1 =	srdreg.scid  }
0x2: {  	s10 =	rddreg [dreg:$0x0];
	s0 =	stileid.u32;
	s11 =	sand.u32 $0x1, s1  }
0x3: {  	s3 =	rddreg [dreg:$0x1];
	s4 =	sshll.u32 s0, $0x9;
	s5 =	sshll.u32 s11, $0x8  }
0x4: {  	s2 =	simm.s32 $0x0;
	s1 =	rddreg [dreg:$0x2];
	s12 =	sor.u32 s5, s4  }
0x5: {  	[smem:$0x7FF] =	sst s2;
	s4 =	sshrl.u32 s12, $0x3  }
0x6: {  	_ =	strace $0x80000047;
	s4 =	sadd.s32 s3, s4;
	s3 =	simm.s32 $0x2  }
0x7: {  	[tilespmem:s2], [sflag:$0x2] =	stream.linear.gather [hbm4b:s4+s2], $0x100, $0x38;
	[tilespmem:$0x8100] =	vst v63  }
0x8: {  	_ =	swait.ge [sflag:s3], $0x100  }
0x9: {  	s6 =	simm.s32 $0x80;
	[sflag:s3] =	ssyncset.done $0x0  }
0xa: {  	s7 =	simm.s32 $0x100;
	s5 =	sadd.s32 $0x400, s10;
	[sflag:s3] =	ssyncadd.s32 $0xFFFFFF00  }
0xb: {  	[tilespmem:s7], [sflag:$0x1] =	stream.indirect.gather [hbm4b:s5+s6], $0x80, s2, s6, $0xb8;
	[tilespmem:$0x8100] =	vst v63  }
0xc: {  	s8 =	simm.s32 $0x4100;
	s9 =	simm.s32 $0x1;
	s11 =	ssub.s32 $0x2, s11  }
0xd: {  	[tilespmem:s8], [sflag:$0x1] =	stream.indirect.gather [hbm4b:s5+s6], $0x80, s6, s6, $0xb8;
	[tilespmem:$0x8100] =	vst v63  }
0xe: {  	s13 =	sshrl.u32 s11, $0x1;
	_ =	swait.ge [sflag:s9], $0x4000  }
0xf: {  	s11 =	ssub.s32 s11, s13;
	[sflag:s9] =	ssyncset.done $0x0  }
0x10: {  	s11 =	smax.u32 s11, $0x1;
	[sflag:s9] =	ssyncadd.s32 $0xFFFFC000  }
0x11: {  	s12 =	sshll.u32 s12, $0x4;
	p0 =	sne.s32 s11, $0x1;
	_ =	swait.ge [sflag:s9], $0x4000  }
.Ltmp0:
0x12: {  	s10 =	sadd.s32 s12, s10;
	[sflag:s9] =	ssyncset.done $0x0;
	(pc) =	sbr.rel @!p0 .LBB2_2-.Ltmp0, $4  }
0x13: {  	s10 =	sadd.s32 $0x20400, s10;
	[sflag:s9] =	ssyncadd.s32 $0xFFFFC000  }
0x14: {  	[hbm4b:s10+s2] =	stream.linear.scatter [tilespmem:s7], [sflag:$0x2], $0x8000, $0x38;
	[tilespmem:$0x8100] =	vst v63  }
0x15: {  	_ =	swait.ge [sflag:s3], $0x8000  }
0x16: {  	s11 =	sadd.s32 $0xFFFFFFFF, s11;
	[sflag:s3] =	ssyncset.done $0x0  }
.LBB2_1:
0x17: {  	p0 =	sne.s32 s11, $0x1;
	s11 =	sadd.s32 $0xFFFFFFFF, s11;
	[sflag:s3] =	ssyncadd.s32 $0xFFFF8000  }
0x18: {  	[tilespmem:s2], [sflag:$0x2] =	stream.linear.gather [hbm4b:s4+s2], $0x100, $0x38;
	[tilespmem:$0x8100] =	vst v63  }
0x19: {  	_ =	swait.ge [sflag:s3], $0x100  }
0x1a: {  	[sflag:s3] =	ssyncset.done $0x0  }
0x1b: {  	[sflag:s3] =	ssyncadd.s32 $0xFFFFFF00  }
0x1c: {  	[tilespmem:s7], [sflag:$0x1] =	stream.indirect.gather [hbm4b:s5+s6], $0x80, s2, s6, $0xb8;
	[tilespmem:$0x8100] =	vst v63  }
0x1d: {  	_ = 	snop  }
0x1e: {  	[tilespmem:s8], [sflag:$0x1] =	stream.indirect.gather [hbm4b:s5+s6], $0x80, s6, s6, $0xb8;
	[tilespmem:$0x8100] =	vst v63  }
0x1f: {  	_ =	swait.ge [sflag:s9], $0x4000  }
0x20: {  	[sflag:s9] =	ssyncset.done $0x0  }
0x21: {  	[sflag:s9] =	ssyncadd.s32 $0xFFFFC000  }
0x22: {  	_ =	swait.ge [sflag:s9], $0x4000  }
.Ltmp1:
0x23: {  	[sflag:s9] =	ssyncset.done $0x0;
	(pc) =	sbr.rel @p0 .LBB2_1-.Ltmp1, $4  }
0x24: {  	[sflag:s9] =	ssyncadd.s32 $0xFFFFC000  }
0x25: {  	[hbm4b:s10+s2] =	stream.linear.scatter [tilespmem:s7], [sflag:$0x2], $0x8000, $0x38;
	[tilespmem:$0x8100] =	vst v63  }
0x26: {  	_ =	swait.ge [sflag:s3], $0x8000  }
0x27: {  	[sflag:s3] =	ssyncset.done $0x0  }
.LBB2_2:
0x28: {  	[sflag:s3] =	ssyncadd.s32 $0xFFFF8000  }
0x29: {  	_ =	sfence.sel $0x180000  }
0x2a: {  	[bflag:$0x0] =	sbarrier.arrive $0xFFFF  }
0x2b: {  	p0 =	sne.s32 s0, $0x0;
	_ =	strace $0x90000047  }
0x2c: {  	s0 =	sadd.s32 @!p0 $0x100000, s1;
	[bflag:$0x2] =	sbarrier.arrive $0xFFFF  }
0x2d: {  	[sflag:s0] =	ssyncadd.tile.s32 @!p0 $0x1;
	_ =	shalt  }
.Lfunc_end2:
_tile_overlayer_lowered:
.L_overlay_start_2:
0x2e: {  	(tag) =	ssettag $0x2  }
0x2f: {  	s0 =	rddreg [dreg:$0x0];
	s2 =	stileid.u32  }
0x30: {  	s1 =	rddreg [dreg:$0x1];
	p0 =	sne.s32 s2, $0x0  }
0x31: {  	s3 =	rddreg [dreg:$0x2];
	[bflag:$0x3] =	sbarrier.arrive $0xFFFF;
	s2 =	simm.s32 @!p0 $0x1C02  }
0x32: {  	[timem:s3], [sflag:s2] =	dma.local @!p0 [hbm:s0], s1  }
0x33: {  	s0 =	simm.s32 @!p0 $0x2  }
0x34: {  	_ =	swait.ge @!p0 [sflag:s0], s1  }
0x35: {  	s1 =	ssub.s32 @!p0 $0x0, s1;
	[sflag:s0] =	ssyncset.done @!p0 $0x0  }
0x36: {  	[sflag:s0] =	ssyncadd.s32 @!p0 s1  }
0x37: {  	[bflag:$0x3] =	sbarrier.arrive $0xFFFF  }
0x38: {  	_ =	shalt  }

</sc_bundles>
